<compile_context>
chip_gen: v7x
topology: tpu7x:2x2x1
jax: 0.10.2.dev20260603
libtpu: 0.0.44.dev20260713+nightly
codegen_flags: <defaults>
</compile_context>

<pallas_src>
import functools

import jax
import jax.numpy as jnp
from jax import lax
from jax.experimental import pallas as pl
from jax.experimental.pallas import tpu as pltpu
from jax.experimental.pallas import tpu_sc as plsc

N = 1048576
G0, G1, G2 = 64, 96, 64
NC, NS, L = 2, 16, 16
NW = NC * NS
P = N // NW
C = 1024
NV = C // L
NCHUNK = P // C
H = NCHUNK // 2
UNROLL = 1

_STEPS_64 = (32, 16, 8, 4, 2, 1)
_STEPS_96 = (64, 32, 16, 8, 4, 2, 1)

M = 4096
ML = 4352
SEG = ML // NS
MINV = 1.0 / M


def _count_le(grid_ref, n, steps, x):
    c = jnp.zeros((L,), jnp.int32)
    for b in steps:
        cand = c + b
        probe = jnp.minimum(cand - 1, n - 1)
        g = plsc.load_gather(grid_ref, [probe])
        ok = (g <= x) & (cand <= n - 1)
        c = jnp.where(ok, cand, c)
    return c


def _build_lut_seg(lut_ref, grid_ref, n, steps, sid):
    lanes = jnp.arange(L, dtype=jnp.int32)
    base = sid * SEG

    def body(j, carry):
        bins = base + j * L + lanes
        x = bins.astype(jnp.float32) * MINV
        c = _count_le(grid_ref, n, steps, x)
        lut_ref[pl.ds(base + j * L, L)] = c
        return carry

    lax.fori_loop(0, SEG // L, body, 0)


def _locate(x, grid_ref, lut_ref, inv_ref, n, nprobe):
    b = jnp.minimum((x * jnp.float32(M)).astype(jnp.int32), M - 1)
    lo = plsc.load_gather(lut_ref, [b])
    c = lo
    for j in range(nprobe):
        pj = jnp.minimum(lo + j, n - 1)
        g = plsc.load_gather(grid_ref, [pj])
        c = c + (g <= x).astype(jnp.int32)
    i = jnp.minimum(jnp.maximum(c - 1, 0), n - 2)
    glo = plsc.load_gather(grid_ref, [i])
    invg = plsc.load_gather(inv_ref, [i])
    t = (x - glo) * invg
    return i, t


def _build_inv(inv_ref, grid_ref, n):
    lanes = jnp.arange(L, dtype=jnp.int32)

    def body(j, carry):
        i = j * L + lanes
        ip = jnp.minimum(i + 1, n - 1)
        glo = plsc.load_gather(grid_ref, [i])
        ghi = plsc.load_gather(grid_ref, [ip])
        invg = 1.0 / jnp.where(ghi > glo, ghi - glo, 1.0)
        inv_ref[pl.ds(j * L, L)] = invg
        return carry

    lax.fori_loop(0, n // L, body, 0)


def _buf_types():
    return ([pltpu.VMEM((C,), jnp.float32) for _ in range(3)]
            + [pltpu.VMEM((C,), jnp.float32) for _ in range(3)]
            + [pltpu.VMEM((C,), jnp.float32)]
            + [pltpu.VMEM((C,), jnp.int32) for _ in range(8)]
            + [pltpu.VMEM((C,), jnp.float32) for _ in range(8)])


def _make_kernel():
    mesh = plsc.VectorSubcoreMesh(core_axis_name="c", subcore_axis_name="s")

    @functools.partial(
        pl.kernel,
        mesh=mesh,
        compiler_params=pltpu.CompilerParams(needs_layout_passes=False),
        out_type=jax.ShapeDtypeStruct((N,), jnp.float32),
        scratch_types=[
            pltpu.VMEM((G0,), jnp.float32),
            pltpu.VMEM((G1,), jnp.float32),
            pltpu.VMEM((G2,), jnp.float32),
            pltpu.VMEM((ML,), jnp.int32),
            pltpu.VMEM((ML,), jnp.int32),
            pltpu.VMEM((ML,), jnp.int32),
            pltpu.VMEM((G0,), jnp.float32),
            pltpu.VMEM((G1,), jnp.float32),
            pltpu.VMEM((G2,), jnp.float32),
            pltpu.VMEM_SHARED((G0 * G1 * G2,), jnp.float32),
            pltpu.VMEM_SHARED((ML,), jnp.int32),
            pltpu.VMEM_SHARED((ML,), jnp.int32),
            pltpu.VMEM_SHARED((ML,), jnp.int32),
        ] + [pltpu.SemaphoreType.DMA for _ in range(6)]
          + _buf_types() + _buf_types(),
    )
    def lut_kernel(p_hbm, mf_hbm, q_hbm, g0_hbm, g1_hbm, g2_hbm, data_hbm,
                   out_hbm, *scr):
        g0_v, g1_v, g2_v = scr[0:3]
        lut0_v, lut1_v, lut2_v = scr[3:6]
        inv0_v, inv1_v, inv2_v = scr[6:9]
        data_sh = scr[9]
        lut_sh = scr[10:13]
        sem_in = scr[13:15]
        sem_g = scr[15:17]
        sem_out = scr[17:19]
        per = 23
        bufs = []
        for b in range(2):
            s = scr[19 + b * per: 19 + (b + 1) * per]
            bufs.append(dict(mf=s[0], q=s[1], p=s[2], t=s[3:6], out=s[6],
                             idx=s[7:15], vals=s[15:23]))

        wid = lax.axis_index("s") * NC + lax.axis_index("c")
        base = wid * P

        pltpu.sync_copy(g0_hbm, g0_v)
        pltpu.sync_copy(g1_hbm, g1_v)
        pltpu.sync_copy(g2_hbm, g2_v)
        sid = lax.axis_index("s")
        seg = (G0 * G1 * G2) // NS
        pltpu.sync_copy(data_hbm.at[pl.ds(sid * seg, seg)],
                        data_sh.at[pl.ds(sid * seg, seg)])
        luts = (lut0_v, lut1_v, lut2_v)
        _build_lut_seg(lut0_v, g0_v, G0, _STEPS_64, sid)
        _build_lut_seg(lut1_v, g1_v, G1, _STEPS_96, sid)
        _build_lut_seg(lut2_v, g2_v, G2, _STEPS_64, sid)
        for lv, ls in zip(luts, lut_sh):
            pltpu.sync_copy(lv.at[pl.ds(sid * SEG, SEG)],
                            ls.at[pl.ds(sid * SEG, SEG)])
        _build_inv(inv0_v, g0_v, G0)
        _build_inv(inv1_v, g1_v, G1)
        _build_inv(inv2_v, g2_v, G2)
        plsc.subcore_barrier()
        for lv, ls in zip(luts, lut_sh):
            pltpu.sync_copy(ls, lv)

        def stage_in(ci, b):
            off = base + ci * C
            B = bufs[b]
            pltpu.async_copy(mf_hbm.at[pl.ds(off, C)], B['mf'], sem_in[b])
            pltpu.async_copy(q_hbm.at[pl.ds(off, C)], B['q'], sem_in[b])
            pltpu.async_copy(p_hbm.at[pl.ds(off, C)], B['p'], sem_in[b])

        def wait_in(b):
            B = bufs[b]
            pltpu.make_async_copy(mf_hbm.at[pl.ds(0, C)], B['mf'], sem_in[b]).wait()
            pltpu.make_async_copy(q_hbm.at[pl.ds(0, C)], B['q'], sem_in[b]).wait()
            pltpu.make_async_copy(p_hbm.at[pl.ds(0, C)], B['p'], sem_in[b]).wait()

        def compute_idx(b):
            B = bufs[b]
            idx_refs, t_refs = B['idx'], B['t']
            mf_v, q_v, p_v = B['mf'], B['q'], B['p']

            def vec_body(vi, carry):
                for u in range(UNROLL):
                    s = (vi * UNROLL + u) * L
                    mf = mf_v[pl.ds(s, L)]
                    qq = q_v[pl.ds(s, L)]
                    pp = p_v[pl.ds(s, L)]
                    i0, t0 = _locate(mf, g0_v, lut0_v, inv0_v, G0, 2)
                    i1, t1 = _locate(qq, g1_v, lut1_v, inv1_v, G1, 3)
                    i2, t2 = _locate(pp, g2_v, lut2_v, inv2_v, G2, 2)
                    fbase = i0 * (G1 * G2) + i1 * G2 + i2
                    t_refs[0][pl.ds(s, L)] = t0
                    t_refs[1][pl.ds(s, L)] = t1
                    t_refs[2][pl.ds(s, L)] = t2
                    for a in (0, 1):
                        for bb in (0, 1):
                            for cc in (0, 1):
                                k = a * 4 + bb * 2 + cc
                                idx_refs[k][pl.ds(s, L)] = (
                                    fbase + (a * (G1 * G2) + bb * G2 + cc))
                return carry

            lax.fori_loop(0, NV // UNROLL, vec_body, 0)

        def fire_gathers(b):
            B = bufs[b]
            for k in range(8):
                pltpu.async_copy(data_sh.at[B['idx'][k]], B['vals'][k],
                                 sem_g[b])

        def wait_gathers(b):
            B = bufs[b]
            for k in range(8):
                pltpu.make_async_copy(data_sh.at[B['idx'][k]], B['vals'][k],
                                      sem_g[b]).wait()

        def drain_out(b):
            B = bufs[b]
            pltpu.make_async_copy(B['out'], out_hbm.at[pl.ds(0, C)],
                                  sem_out[b]).wait()

        def accumulate(b):
            B = bufs[b]
            t_refs, vals_refs, out_v = B['t'], B['vals'], B['out']

            def acc_body(vi, carry):
                for u in range(UNROLL):
                    s = (vi * UNROLL + u) * L
                    t0 = t_refs[0][pl.ds(s, L)]
                    t1 = t_refs[1][pl.ds(s, L)]
                    t2 = t_refs[2][pl.ds(s, L)]
                    u0 = 1.0 - t0
                    u1 = 1.0 - t1
                    u2 = 1.0 - t2
                    w00 = u0 * u1
                    w01 = u0 * t1
                    w10 = t0 * u1
                    w11 = t0 * t1
                    v = [vals_refs[k][pl.ds(s, L)] for k in range(8)]
                    acc = ((w00 * v[0] + w01 * v[2] + w10 * v[4] + w11 * v[6])
                           * u2
                           + (w00 * v[1] + w01 * v[3] + w10 * v[5]
                              + w11 * v[7]) * t2)
                    out_v[pl.ds(s, L)] = acc
                return carry

            lax.fori_loop(0, NV // UNROLL, acc_body, 0)

        def fire_out(ci, b):
            B = bufs[b]
            pltpu.async_copy(B['out'], out_hbm.at[pl.ds(base + ci * C, C)],
                             sem_out[b])

        stage_in(0, 0)
        stage_in(1, 1)
        wait_in(0)
        compute_idx(0)
        fire_gathers(0)

        def body(i, carry):
            c0 = 2 * i

            @pl.when(i + 1 < H)
            def _():
                stage_in(c0 + 2, 0)

            wait_in(1)
            compute_idx(1)
            fire_gathers(1)

            @pl.when(i + 1 < H)
            def _():
                stage_in(c0 + 3, 1)

            wait_gathers(0)

            @pl.when(i >= 1)
            def _():
                drain_out(0)

            accumulate(0)
            fire_out(c0, 0)

            @pl.when(i + 1 < H)
            def _():
                wait_in(0)
                compute_idx(0)
                fire_gathers(0)

            wait_gathers(1)

            @pl.when(i >= 1)
            def _():
                drain_out(1)

            accumulate(1)
            fire_out(c0 + 1, 1)
            return carry

        lax.fori_loop(0, H, body, 0)
        drain_out(0)
        drain_out(1)

    return lut_kernel


_LUT_KERNEL = _make_kernel()


@jax.jit
def kernel(pressure, mass_flux, quality, mass_flux_grid, quality_grid,
           pressure_grid, data):
    return _LUT_KERNEL(pressure, mass_flux, quality, mass_flux_grid,
                       quality_grid, pressure_grid, data.reshape(-1))

# --- scband reference (transcript-rebuilt; emitter-appended) ---
"""Pipeline reference for scband-look-up-table-76295799046799 (READ-ONLY COPY).

The authoritative reference and input builder live on the scoring server;
editing this copy changes nothing except your own understanding.
"""

import jax, jax.numpy as jnp
import numpy as np

N = 1048576
G0, G1, G2 = 64, 96, 64  # mass_flux, quality, pressure grid sizes


def _make_grid(key, n):
    steps = jax.random.uniform(key, (n,), dtype=jnp.float32, minval=0.01, maxval=1.0)
    g = jnp.cumsum(steps)
    return (g / g[-1]).astype(jnp.float32)  # strictly increasing in (0, 1]


def setup_inputs(seed: int = 0) -> dict:
    key = jax.random.key(seed)
    ks = jax.random.split(key, 7)
    pressure = jax.random.uniform(ks[0], (N,), dtype=jnp.float32)
    mass_flux = jax.random.uniform(ks[1], (N,), dtype=jnp.float32)
    quality = jax.random.uniform(ks[2], (N,), dtype=jnp.float32)
    mass_flux_grid = _make_grid(ks[3], G0)
    quality_grid = _make_grid(ks[4], G1)
    pressure_grid = _make_grid(ks[5], G2)
    data = jax.random.normal(ks[6], (G0, G1, G2), dtype=jnp.float32)
    return {
        'pressure': pressure,
        'mass_flux': mass_flux,
        'quality': quality,
        'mass_flux_grid': mass_flux_grid,
        'quality_grid': quality_grid,
        'pressure_grid': pressure_grid,
        'data': data,
    }


def _axis_locate(grid, x):
    # RegularGridInterpolator linear cell location; fill_value=None => linear extrapolation
    i = jnp.clip(jnp.searchsorted(grid, x, side='right') - 1, 0, grid.shape[0] - 2)
    g_lo = jnp.take(grid, i)
    g_hi = jnp.take(grid, i + 1)
    t = (x - g_lo) / (g_hi - g_lo)  # NOT clipped: extrapolates outside bounds
    return i, t


def _trilinear(mass_flux_grid, quality_grid, pressure_grid, data, mass_flux, quality, pressure):
    i0, t0 = _axis_locate(mass_flux_grid, mass_flux)
    i1, t1 = _axis_locate(quality_grid, quality)
    i2, t2 = _axis_locate(pressure_grid, pressure)
    out = jnp.zeros_like(t0)
    for a in (0, 1):
        w0 = t0 if a else (1.0 - t0)
        for b in (0, 1):
            w1 = t1 if b else (1.0 - t1)
            for c in (0, 1):
                w2 = t2 if c else (1.0 - t2)
                corner = data[i0 + a, i1 + b, i2 + c]
                out = out + (w0 * w1 * w2) * corner
    return out


def reference(pressure, mass_flux, quality, mass_flux_grid, quality_grid, pressure_grid, data):
    # forward(pressure, mass_flux, quality) -> interpolator((mass_flux, quality, pressure))
    return _trilinear(mass_flux_grid, quality_grid, pressure_grid, data, mass_flux, quality, pressure)

if __name__ == "__main__":
    import jax
    _d = setup_inputs()
    print(jax.jit(kernel)(*tuple(_d.values())))

</pallas_src>

<mosaic_0001>
#map = affine_map<(d0, d1) -> (0)>
module attributes {stable_mosaic.version = 14 : i64} {
  func.func @lut_kernel(%arg0: i32, %arg1: i32, %arg2: memref<1048576xf32, #tpu.memory_space<hbm>>, %arg3: memref<1048576xf32, #tpu.memory_space<hbm>>, %arg4: memref<1048576xf32, #tpu.memory_space<hbm>>, %arg5: memref<64xf32, #tpu.memory_space<hbm>>, %arg6: memref<96xf32, #tpu.memory_space<hbm>>, %arg7: memref<64xf32, #tpu.memory_space<hbm>>, %arg8: memref<393216xf32, #tpu.memory_space<hbm>>, %arg9: memref<1048576xf32, #tpu.memory_space<hbm>>, %arg10: memref<64xf32, #tpu.memory_space<vmem>>, %arg11: memref<96xf32, #tpu.memory_space<vmem>>, %arg12: memref<64xf32, #tpu.memory_space<vmem>>, %arg13: memref<4352xi32, #tpu.memory_space<vmem>>, %arg14: memref<4352xi32, #tpu.memory_space<vmem>>, %arg15: memref<4352xi32, #tpu.memory_space<vmem>>, %arg16: memref<64xf32, #tpu.memory_space<vmem>>, %arg17: memref<96xf32, #tpu.memory_space<vmem>>, %arg18: memref<64xf32, #tpu.memory_space<vmem>>, %arg19: memref<393216xf32, #tpu.memory_space<vmem_shared>>, %arg20: memref<4352xi32, #tpu.memory_space<vmem_shared>>, %arg21: memref<4352xi32, #tpu.memory_space<vmem_shared>>, %arg22: memref<4352xi32, #tpu.memory_space<vmem_shared>>, %arg23: memref<!tpu.dma_semaphore, #tpu.memory_space<semaphore_mem>>, %arg24: memref<!tpu.dma_semaphore, #tpu.memory_space<semaphore_mem>>, %arg25: memref<!tpu.dma_semaphore, #tpu.memory_space<semaphore_mem>>, %arg26: memref<!tpu.dma_semaphore, #tpu.memory_space<semaphore_mem>>, %arg27: memref<!tpu.dma_semaphore, #tpu.memory_space<semaphore_mem>>, %arg28: memref<!tpu.dma_semaphore, #tpu.memory_space<semaphore_mem>>, %arg29: memref<1024xf32, #tpu.memory_space<vmem>>, %arg30: memref<1024xf32, #tpu.memory_space<vmem>>, %arg31: memref<1024xf32, #tpu.memory_space<vmem>>, %arg32: memref<1024xf32, #tpu.memory_space<vmem>>, %arg33: memref<1024xf32, #tpu.memory_space<vmem>>, %arg34: memref<1024xf32, #tpu.memory_space<vmem>>, %arg35: memref<1024xf32, #tpu.memory_space<vmem>>, %arg36: memref<1024xi32, #tpu.memory_space<vmem>>, %arg37: memref<1024xi32, #tpu.memory_space<vmem>>, %arg38: memref<1024xi32, #tpu.memory_space<vmem>>, %arg39: memref<1024xi32, #tpu.memory_space<vmem>>, %arg40: memref<1024xi32, #tpu.memory_space<vmem>>, %arg41: memref<1024xi32, #tpu.memory_space<vmem>>, %arg42: memref<1024xi32, #tpu.memory_space<vmem>>, %arg43: memref<1024xi32, #tpu.memory_space<vmem>>, %arg44: memref<1024xf32, #tpu.memory_space<vmem>>, %arg45: memref<1024xf32, #tpu.memory_space<vmem>>, %arg46: memref<1024xf32, #tpu.memory_space<vmem>>, %arg47: memref<1024xf32, #tpu.memory_space<vmem>>, %arg48: memref<1024xf32, #tpu.memory_space<vmem>>, %arg49: memref<1024xf32, #tpu.memory_space<vmem>>, %arg50: memref<1024xf32, #tpu.memory_space<vmem>>, %arg51: memref<1024xf32, #tpu.memory_space<vmem>>, %arg52: memref<1024xf32, #tpu.memory_space<vmem>>, %arg53: memref<1024xf32, #tpu.memory_space<vmem>>, %arg54: memref<1024xf32, #tpu.memory_space<vmem>>, %arg55: memref<1024xf32, #tpu.memory_space<vmem>>, %arg56: memref<1024xf32, #tpu.memory_space<vmem>>, %arg57: memref<1024xf32, #tpu.memory_space<vmem>>, %arg58: memref<1024xf32, #tpu.memory_space<vmem>>, %arg59: memref<1024xi32, #tpu.memory_space<vmem>>, %arg60: memref<1024xi32, #tpu.memory_space<vmem>>, %arg61: memref<1024xi32, #tpu.memory_space<vmem>>, %arg62: memref<1024xi32, #tpu.memory_space<vmem>>, %arg63: memref<1024xi32, #tpu.memory_space<vmem>>, %arg64: memref<1024xi32, #tpu.memory_space<vmem>>, %arg65: memref<1024xi32, #tpu.memory_space<vmem>>, %arg66: memref<1024xi32, #tpu.memory_space<vmem>>, %arg67: memref<1024xf32, #tpu.memory_space<vmem>>, %arg68: memref<1024xf32, #tpu.memory_space<vmem>>, %arg69: memref<1024xf32, #tpu.memory_space<vmem>>, %arg70: memref<1024xf32, #tpu.memory_space<vmem>>, %arg71: memref<1024xf32, #tpu.memory_space<vmem>>, %arg72: memref<1024xf32, #tpu.memory_space<vmem>>, %arg73: memref<1024xf32, #tpu.memory_space<vmem>>, %arg74: memref<1024xf32, #tpu.memory_space<vmem>>) attributes {dimension_semantics = [#tpu.dimension_semantics<core_parallel>, #tpu.dimension_semantics<subcore_parallel>], iteration_bounds = array<i64: 2, 16>, scalar_prefetch = 0 : i64, scratch_operands = 65 : i64, tpu.core_type = #tpu.core_type<sc_vector_subcore>, window_params = [{transform_indices = #map}, {transform_indices = #map}, {transform_indices = #map}, {transform_indices = #map}, {transform_indices = #map}, {transform_indices = #map}, {transform_indices = #map}, {transform_indices = #map}]} {
    %mul3A = arith.constant 2 : i32
    %mul3A_0 = arith.muli %arg1, %mul3A : i32
    %add3A = arith.addi %mul3A_0, %arg0 : i32
    %mul3A_1 = arith.constant 32768 : i32
    %mul3A_2 = arith.muli %add3A, %mul3A_1 : i32
    "tpu.region"() ({
      %run_scoped3A = tpu.sem_alloc : memref<!tpu.dma_semaphore, #tpu.memory_space<semaphore_mem>>
      tpu.enqueue_dma source(%arg5 : memref<64xf32, #tpu.memory_space<hbm>>) target(%arg10 : memref<64xf32, #tpu.memory_space<vmem>>) target_semaphore(%run_scoped3A : memref<!tpu.dma_semaphore, #tpu.memory_space<semaphore_mem>>)
      tpu.wait_dma2 semaphore(%run_scoped3A : memref<!tpu.dma_semaphore, #tpu.memory_space<semaphore_mem>>) src(%arg5 : memref<64xf32, #tpu.memory_space<hbm>>) dst(%arg10 : memref<64xf32, #tpu.memory_space<vmem>>)
      tpu.yield
    }) : () -> ()
    "tpu.region"() ({
      %run_scoped3A = tpu.sem_alloc : memref<!tpu.dma_semaphore, #tpu.memory_space<semaphore_mem>>
      tpu.enqueue_dma source(%arg6 : memref<96xf32, #tpu.memory_space<hbm>>) target(%arg11 : memref<96xf32, #tpu.memory_space<vmem>>) target_semaphore(%run_scoped3A : memref<!tpu.dma_semaphore, #tpu.memory_space<semaphore_mem>>)
      tpu.wait_dma2 semaphore(%run_scoped3A : memref<!tpu.dma_semaphore, #tpu.memory_space<semaphore_mem>>) src(%arg6 : memref<96xf32, #tpu.memory_space<hbm>>) dst(%arg11 : memref<96xf32, #tpu.memory_space<vmem>>)
      tpu.yield
    }) : () -> ()
    "tpu.region"() ({
      %run_scoped3A = tpu.sem_alloc : memref<!tpu.dma_semaphore, #tpu.memory_space<semaphore_mem>>
      tpu.enqueue_dma source(%arg7 : memref<64xf32, #tpu.memory_space<hbm>>) target(%arg12 : memref<64xf32, #tpu.memory_space<vmem>>) target_semaphore(%run_scoped3A : memref<!tpu.dma_semaphore, #tpu.memory_space<semaphore_mem>>)
      tpu.wait_dma2 semaphore(%run_scoped3A : memref<!tpu.dma_semaphore, #tpu.memory_space<semaphore_mem>>) src(%arg7 : memref<64xf32, #tpu.memory_space<hbm>>) dst(%arg12 : memref<64xf32, #tpu.memory_space<vmem>>)
      tpu.yield
    }) : () -> ()
    %mul3A_3 = arith.constant 24576 : i32
    %mul3A_4 = arith.muli %arg1, %mul3A_3 : i32
    %mul3A_5 = arith.constant 24576 : i32
    %mul3A_6 = arith.muli %arg1, %mul3A_5 : i32
    "tpu.region"() ({
      %run_scoped3A = tpu.sem_alloc : memref<!tpu.dma_semaphore, #tpu.memory_space<semaphore_mem>>
      %dma_start3A_127 = tpu.memref_slice %arg19[%mul3A_6] : memref<393216xf32, #tpu.memory_space<vmem_shared>> -> memref<24576xf32, #tpu.memory_space<vmem_shared>>
      %dma_start3A_128 = tpu.memref_slice %arg8[%mul3A_4] : memref<393216xf32, #tpu.memory_space<hbm>> -> memref<24576xf32, #tpu.memory_space<hbm>>
      tpu.enqueue_dma source(%dma_start3A_128 : memref<24576xf32, #tpu.memory_space<hbm>>) target(%dma_start3A_127 : memref<24576xf32, #tpu.memory_space<vmem_shared>>) target_semaphore(%run_scoped3A : memref<!tpu.dma_semaphore, #tpu.memory_space<semaphore_mem>>)
      %dma_wait3A_129 = tpu.memref_slice %arg19[%mul3A_6] : memref<393216xf32, #tpu.memory_space<vmem_shared>> -> memref<24576xf32, #tpu.memory_space<vmem_shared>>
      %dma_wait3A_130 = tpu.memref_slice %arg8[%mul3A_4] : memref<393216xf32, #tpu.memory_space<hbm>> -> memref<24576xf32, #tpu.memory_space<hbm>>
      tpu.wait_dma2 semaphore(%run_scoped3A : memref<!tpu.dma_semaphore, #tpu.memory_space<semaphore_mem>>) src(%dma_wait3A_130 : memref<24576xf32, #tpu.memory_space<hbm>>) dst(%dma_wait3A_129 : memref<24576xf32, #tpu.memory_space<vmem_shared>>)
      tpu.yield
    }) : () -> ()
    %iota3A = tpu.iota {dimensions = array<i32: 0>} : vector<16xi32>
    %mul3A_7 = arith.constant 272 : i32
    %mul3A_8 = arith.muli %arg1, %mul3A_7 : i32
    %scan3A = arith.constant 0 : i32
    %scan3A_9 = arith.constant 0 : i32
    %scan3A_10 = arith.constant 17 : i32
    %scan3A_11 = arith.addi %scan3A_9, %scan3A_10 : i32
    %scan3A_12 = arith.constant 1 : i32
    scf.for %scan3A_127 = %scan3A_9 to %scan3A_11 step %scan3A_12  : i32 {
      %mul3A_128 = arith.constant 16 : i32
      %mul3A_129 = arith.muli %scan3A_127, %mul3A_128 : i32
      %add3A_130 = arith.addi %mul3A_8, %mul3A_129 : i32
      %add3A_131 = vector.broadcast %add3A_130 : i32 to vector<16xi32>
      %add3A_132 = arith.addi %add3A_131, %iota3A : vector<16xi32>
      %convert_element_type3A = arith.sitofp %add3A_132 : vector<16xi32> to vector<16xf32>
      %mul3A_133 = arith.constant 2.44140625E-4 : f32
      %mul3A_134 = vector.broadcast %mul3A_133 : f32 to vector<16xf32>
      %mul3A_135 = arith.mulf %convert_element_type3A, %mul3A_134 : vector<16xf32>
      %broadcast_in_dim3A = arith.constant 0 : i32
      %broadcast_in_dim3A_136 = vector.broadcast %broadcast_in_dim3A : i32 to vector<16xi32>
      %add3A_137 = arith.constant 32 : i32
      %add3A_138 = vector.broadcast %add3A_137 : i32 to vector<16xi32>
      %add3A_139 = arith.addi %broadcast_in_dim3A_136, %add3A_138 : vector<16xi32>
      %sub3A = arith.constant 1 : i32
      %sub3A_140 = vector.broadcast %sub3A : i32 to vector<16xi32>
      %sub3A_141 = arith.subi %add3A_139, %sub3A_140 : vector<16xi32>
      %min3A = arith.constant 63 : i32
      %min3A_142 = vector.broadcast %min3A : i32 to vector<16xi32>
      %min3A_143 = arith.minsi %sub3A_141, %min3A_142 : vector<16xi32>
      %gather3A = tpu.vector_load_idx %arg10[%min3A_143] : memref<64xf32, #tpu.memory_space<vmem>>[vector<16xi32>], vector<16xf32>,
      %le3A = arith.cmpf ole, %gather3A, %mul3A_135 : vector<16xf32>
      %le3A_144 = arith.constant 63 : i32
      %le3A_145 = vector.broadcast %le3A_144 : i32 to vector<16xi32>
      %le3A_146 = arith.cmpi sle, %add3A_139, %le3A_145 : vector<16xi32>
      %and3A = arith.andi %le3A, %le3A_146 : vector<16xi1>
      %select_n3A = arith.select %and3A, %add3A_139, %broadcast_in_dim3A_136 : vector<16xi1>, vector<16xi32>
      %add3A_147 = arith.constant 16 : i32
      %add3A_148 = vector.broadcast %add3A_147 : i32 to vector<16xi32>
      %add3A_149 = arith.addi %select_n3A, %add3A_148 : vector<16xi32>
      %sub3A_150 = arith.constant 1 : i32
      %sub3A_151 = vector.broadcast %sub3A_150 : i32 to vector<16xi32>
      %sub3A_152 = arith.subi %add3A_149, %sub3A_151 : vector<16xi32>
      %min3A_153 = arith.constant 63 : i32
      %min3A_154 = vector.broadcast %min3A_153 : i32 to vector<16xi32>
      %min3A_155 = arith.minsi %sub3A_152, %min3A_154 : vector<16xi32>
      %gather3A_156 = tpu.vector_load_idx %arg10[%min3A_155] : memref<64xf32, #tpu.memory_space<vmem>>[vector<16xi32>], vector<16xf32>,
      %le3A_157 = arith.cmpf ole, %gather3A_156, %mul3A_135 : vector<16xf32>
      %le3A_158 = arith.constant 63 : i32
      %le3A_159 = vector.broadcast %le3A_158 : i32 to vector<16xi32>
      %le3A_160 = arith.cmpi sle, %add3A_149, %le3A_159 : vector<16xi32>
      %and3A_161 = arith.andi %le3A_157, %le3A_160 : vector<16xi1>
      %select_n3A_162 = arith.select %and3A_161, %add3A_149, %select_n3A : vector<16xi1>, vector<16xi32>
      %add3A_163 = arith.constant 8 : i32
      %add3A_164 = vector.broadcast %add3A_163 : i32 to vector<16xi32>
      %add3A_165 = arith.addi %select_n3A_162, %add3A_164 : vector<16xi32>
      %sub3A_166 = arith.constant 1 : i32
      %sub3A_167 = vector.broadcast %sub3A_166 : i32 to vector<16xi32>
      %sub3A_168 = arith.subi %add3A_165, %sub3A_167 : vector<16xi32>
      %min3A_169 = arith.constant 63 : i32
      %min3A_170 = vector.broadcast %min3A_169 : i32 to vector<16xi32>
      %min3A_171 = arith.minsi %sub3A_168, %min3A_170 : vector<16xi32>
      %gather3A_172 = tpu.vector_load_idx %arg10[%min3A_171] : memref<64xf32, #tpu.memory_space<vmem>>[vector<16xi32>], vector<16xf32>,
      %le3A_173 = arith.cmpf ole, %gather3A_172, %mul3A_135 : vector<16xf32>
      %le3A_174 = arith.constant 63 : i32
      %le3A_175 = vector.broadcast %le3A_174 : i32 to vector<16xi32>
      %le3A_176 = arith.cmpi sle, %add3A_165, %le3A_175 : vector<16xi32>
      %and3A_177 = arith.andi %le3A_173, %le3A_176 : vector<16xi1>
      %select_n3A_178 = arith.select %and3A_177, %add3A_165, %select_n3A_162 : vector<16xi1>, vector<16xi32>
      %add3A_179 = arith.constant 4 : i32
      %add3A_180 = vector.broadcast %add3A_179 : i32 to vector<16xi32>
      %add3A_181 = arith.addi %select_n3A_178, %add3A_180 : vector<16xi32>
      %sub3A_182 = arith.constant 1 : i32
      %sub3A_183 = vector.broadcast %sub3A_182 : i32 to vector<16xi32>
      %sub3A_184 = arith.subi %add3A_181, %sub3A_183 : vector<16xi32>
      %min3A_185 = arith.constant 63 : i32
      %min3A_186 = vector.broadcast %min3A_185 : i32 to vector<16xi32>
      %min3A_187 = arith.minsi %sub3A_184, %min3A_186 : vector<16xi32>
      %gather3A_188 = tpu.vector_load_idx %arg10[%min3A_187] : memref<64xf32, #tpu.memory_space<vmem>>[vector<16xi32>], vector<16xf32>,
      %le3A_189 = arith.cmpf ole, %gather3A_188, %mul3A_135 : vector<16xf32>
      %le3A_190 = arith.constant 63 : i32
      %le3A_191 = vector.broadcast %le3A_190 : i32 to vector<16xi32>
      %le3A_192 = arith.cmpi sle, %add3A_181, %le3A_191 : vector<16xi32>
      %and3A_193 = arith.andi %le3A_189, %le3A_192 : vector<16xi1>
      %select_n3A_194 = arith.select %and3A_193, %add3A_181, %select_n3A_178 : vector<16xi1>, vector<16xi32>
      %add3A_195 = arith.constant 2 : i32
      %add3A_196 = vector.broadcast %add3A_195 : i32 to vector<16xi32>
      %add3A_197 = arith.addi %select_n3A_194, %add3A_196 : vector<16xi32>
      %sub3A_198 = arith.constant 1 : i32
      %sub3A_199 = vector.broadcast %sub3A_198 : i32 to vector<16xi32>
      %sub3A_200 = arith.subi %add3A_197, %sub3A_199 : vector<16xi32>
      %min3A_201 = arith.constant 63 : i32
      %min3A_202 = vector.broadcast %min3A_201 : i32 to vector<16xi32>
      %min3A_203 = arith.minsi %sub3A_200, %min3A_202 : vector<16xi32>
      %gather3A_204 = tpu.vector_load_idx %arg10[%min3A_203] : memref<64xf32, #tpu.memory_space<vmem>>[vector<16xi32>], vector<16xf32>,
      %le3A_205 = arith.cmpf ole, %gather3A_204, %mul3A_135 : vector<16xf32>
      %le3A_206 = arith.constant 63 : i32
      %le3A_207 = vector.broadcast %le3A_206 : i32 to vector<16xi32>
      %le3A_208 = arith.cmpi sle, %add3A_197, %le3A_207 : vector<16xi32>
      %and3A_209 = arith.andi %le3A_205, %le3A_208 : vector<16xi1>
      %select_n3A_210 = arith.select %and3A_209, %add3A_197, %select_n3A_194 : vector<16xi1>, vector<16xi32>
      %add3A_211 = arith.constant 1 : i32
      %add3A_212 = vector.broadcast %add3A_211 : i32 to vector<16xi32>
      %add3A_213 = arith.addi %select_n3A_210, %add3A_212 : vector<16xi32>
      %sub3A_214 = arith.constant 1 : i32
      %sub3A_215 = vector.broadcast %sub3A_214 : i32 to vector<16xi32>
      %sub3A_216 = arith.subi %add3A_213, %sub3A_215 : vector<16xi32>
      %min3A_217 = arith.constant 63 : i32
      %min3A_218 = vector.broadcast %min3A_217 : i32 to vector<16xi32>
      %min3A_219 = arith.minsi %sub3A_216, %min3A_218 : vector<16xi32>
      %gather3A_220 = tpu.vector_load_idx %arg10[%min3A_219] : memref<64xf32, #tpu.memory_space<vmem>>[vector<16xi32>], vector<16xf32>,
      %le3A_221 = arith.cmpf ole, %gather3A_220, %mul3A_135 : vector<16xf32>
      %le3A_222 = arith.constant 63 : i32
      %le3A_223 = vector.broadcast %le3A_222 : i32 to vector<16xi32>
      %le3A_224 = arith.cmpi sle, %add3A_213, %le3A_223 : vector<16xi32>
      %and3A_225 = arith.andi %le3A_221, %le3A_224 : vector<16xi1>
      %select_n3A_226 = arith.select %and3A_225, %add3A_213, %select_n3A_210 : vector<16xi1>, vector<16xi32>
      %mul3A_227 = arith.constant 16 : i32
      %mul3A_228 = arith.muli %scan3A_127, %mul3A_227 : i32
      %add3A_229 = arith.addi %mul3A_8, %mul3A_228 : i32
      %swap3A = arith.index_cast %add3A_229 : i32 to index
      %swap3A_230 = tpu.vector_load %arg13[%swap3A] {strides = array<i32>} : memref<4352xi32, #tpu.memory_space<vmem>>, vector<16xi32>,
      tpu.vector_store %arg13[%swap3A], %select_n3A_226 {strides = array<i32>} : memref<4352xi32, #tpu.memory_space<vmem>>, vector<16xi32>,
    }
    %scan3A_13 = arith.constant 17 : i32
    %iota3A_14 = tpu.iota {dimensions = array<i32: 0>} : vector<16xi32>
    %mul3A_15 = arith.constant 272 : i32
    %mul3A_16 = arith.muli %arg1, %mul3A_15 : i32
    %scan3A_17 = arith.constant 0 : i32
    %scan3A_18 = arith.constant 0 : i32
    %scan3A_19 = arith.constant 17 : i32
    %scan3A_20 = arith.addi %scan3A_18, %scan3A_19 : i32
    %scan3A_21 = arith.constant 1 : i32
    scf.for %scan3A_127 = %scan3A_18 to %scan3A_20 step %scan3A_21  : i32 {
      %mul3A_128 = arith.constant 16 : i32
      %mul3A_129 = arith.muli %scan3A_127, %mul3A_128 : i32
      %add3A_130 = arith.addi %mul3A_16, %mul3A_129 : i32
      %add3A_131 = vector.broadcast %add3A_130 : i32 to vector<16xi32>
      %add3A_132 = arith.addi %add3A_131, %iota3A_14 : vector<16xi32>
      %convert_element_type3A = arith.sitofp %add3A_132 : vector<16xi32> to vector<16xf32>
      %mul3A_133 = arith.constant 2.44140625E-4 : f32
      %mul3A_134 = vector.broadcast %mul3A_133 : f32 to vector<16xf32>
      %mul3A_135 = arith.mulf %convert_element_type3A, %mul3A_134 : vector<16xf32>
      %broadcast_in_dim3A = arith.constant 0 : i32
      %broadcast_in_dim3A_136 = vector.broadcast %broadcast_in_dim3A : i32 to vector<16xi32>
      %add3A_137 = arith.constant 64 : i32
      %add3A_138 = vector.broadcast %add3A_137 : i32 to vector<16xi32>
      %add3A_139 = arith.addi %broadcast_in_dim3A_136, %add3A_138 : vector<16xi32>
      %sub3A = arith.constant 1 : i32
      %sub3A_140 = vector.broadcast %sub3A : i32 to vector<16xi32>
      %sub3A_141 = arith.subi %add3A_139, %sub3A_140 : vector<16xi32>
      %min3A = arith.constant 95 : i32
      %min3A_142 = vector.broadcast %min3A : i32 to vector<16xi32>
      %min3A_143 = arith.minsi %sub3A_141, %min3A_142 : vector<16xi32>
      %gather3A = tpu.vector_load_idx %arg11[%min3A_143] : memref<96xf32, #tpu.memory_space<vmem>>[vector<16xi32>], vector<16xf32>,
      %le3A = arith.cmpf ole, %gather3A, %mul3A_135 : vector<16xf32>
      %le3A_144 = arith.constant 95 : i32
      %le3A_145 = vector.broadcast %le3A_144 : i32 to vector<16xi32>
      %le3A_146 = arith.cmpi sle, %add3A_139, %le3A_145 : vector<16xi32>
      %and3A = arith.andi %le3A, %le3A_146 : vector<16xi1>
      %select_n3A = arith.select %and3A, %add3A_139, %broadcast_in_dim3A_136 : vector<16xi1>, vector<16xi32>
      %add3A_147 = arith.constant 32 : i32
      %add3A_148 = vector.broadcast %add3A_147 : i32 to vector<16xi32>
      %add3A_149 = arith.addi %select_n3A, %add3A_148 : vector<16xi32>
      %sub3A_150 = arith.constant 1 : i32
      %sub3A_151 = vector.broadcast %sub3A_150 : i32 to vector<16xi32>
      %sub3A_152 = arith.subi %add3A_149, %sub3A_151 : vector<16xi32>
      %min3A_153 = arith.constant 95 : i32
      %min3A_154 = vector.broadcast %min3A_153 : i32 to vector<16xi32>
      %min3A_155 = arith.minsi %sub3A_152, %min3A_154 : vector<16xi32>
      %gather3A_156 = tpu.vector_load_idx %arg11[%min3A_155] : memref<96xf32, #tpu.memory_space<vmem>>[vector<16xi32>], vector<16xf32>,
      %le3A_157 = arith.cmpf ole, %gather3A_156, %mul3A_135 : vector<16xf32>
      %le3A_158 = arith.constant 95 : i32
      %le3A_159 = vector.broadcast %le3A_158 : i32 to vector<16xi32>
      %le3A_160 = arith.cmpi sle, %add3A_149, %le3A_159 : vector<16xi32>
      %and3A_161 = arith.andi %le3A_157, %le3A_160 : vector<16xi1>
      %select_n3A_162 = arith.select %and3A_161, %add3A_149, %select_n3A : vector<16xi1>, vector<16xi32>
      %add3A_163 = arith.constant 16 : i32
      %add3A_164 = vector.broadcast %add3A_163 : i32 to vector<16xi32>
      %add3A_165 = arith.addi %select_n3A_162, %add3A_164 : vector<16xi32>
      %sub3A_166 = arith.constant 1 : i32
      %sub3A_167 = vector.broadcast %sub3A_166 : i32 to vector<16xi32>
      %sub3A_168 = arith.subi %add3A_165, %sub3A_167 : vector<16xi32>
      %min3A_169 = arith.constant 95 : i32
      %min3A_170 = vector.broadcast %min3A_169 : i32 to vector<16xi32>
      %min3A_171 = arith.minsi %sub3A_168, %min3A_170 : vector<16xi32>
      %gather3A_172 = tpu.vector_load_idx %arg11[%min3A_171] : memref<96xf32, #tpu.memory_space<vmem>>[vector<16xi32>], vector<16xf32>,
      %le3A_173 = arith.cmpf ole, %gather3A_172, %mul3A_135 : vector<16xf32>
      %le3A_174 = arith.constant 95 : i32
      %le3A_175 = vector.broadcast %le3A_174 : i32 to vector<16xi32>
      %le3A_176 = arith.cmpi sle, %add3A_165, %le3A_175 : vector<16xi32>
      %and3A_177 = arith.andi %le3A_173, %le3A_176 : vector<16xi1>
      %select_n3A_178 = arith.select %and3A_177, %add3A_165, %select_n3A_162 : vector<16xi1>, vector<16xi32>
      %add3A_179 = arith.constant 8 : i32
      %add3A_180 = vector.broadcast %add3A_179 : i32 to vector<16xi32>
      %add3A_181 = arith.addi %select_n3A_178, %add3A_180 : vector<16xi32>
      %sub3A_182 = arith.constant 1 : i32
      %sub3A_183 = vector.broadcast %sub3A_182 : i32 to vector<16xi32>
      %sub3A_184 = arith.subi %add3A_181, %sub3A_183 : vector<16xi32>
      %min3A_185 = arith.constant 95 : i32
      %min3A_186 = vector.broadcast %min3A_185 : i32 to vector<16xi32>
      %min3A_187 = arith.minsi %sub3A_184, %min3A_186 : vector<16xi32>
      %gather3A_188 = tpu.vector_load_idx %arg11[%min3A_187] : memref<96xf32, #tpu.memory_space<vmem>>[vector<16xi32>], vector<16xf32>,
      %le3A_189 = arith.cmpf ole, %gather3A_188, %mul3A_135 : vector<16xf32>
      %le3A_190 = arith.constant 95 : i32
      %le3A_191 = vector.broadcast %le3A_190 : i32 to vector<16xi32>
      %le3A_192 = arith.cmpi sle, %add3A_181, %le3A_191 : vector<16xi32>
      %and3A_193 = arith.andi %le3A_189, %le3A_192 : vector<16xi1>
      %select_n3A_194 = arith.select %and3A_193, %add3A_181, %select_n3A_178 : vector<16xi1>, vector<16xi32>
      %add3A_195 = arith.constant 4 : i32
      %add3A_196 = vector.broadcast %add3A_195 : i32 to vector<16xi32>
      %add3A_197 = arith.addi %select_n3A_194, %add3A_196 : vector<16xi32>
      %sub3A_198 = arith.constant 1 : i32
      %sub3A_199 = vector.broadcast %sub3A_198 : i32 to vector<16xi32>
      %sub3A_200 = arith.subi %add3A_197, %sub3A_199 : vector<16xi32>
      %min3A_201 = arith.constant 95 : i32
      %min3A_202 = vector.broadcast %min3A_201 : i32 to vector<16xi32>
      %min3A_203 = arith.minsi %sub3A_200, %min3A_202 : vector<16xi32>
      %gather3A_204 = tpu.vector_load_idx %arg11[%min3A_203] : memref<96xf32, #tpu.memory_space<vmem>>[vector<16xi32>], vector<16xf32>,
      %le3A_205 = arith.cmpf ole, %gather3A_204, %mul3A_135 : vector<16xf32>
      %le3A_206 = arith.constant 95 : i32
      %le3A_207 = vector.broadcast %le3A_206 : i32 to vector<16xi32>
      %le3A_208 = arith.cmpi sle, %add3A_197, %le3A_207 : vector<16xi32>
      %and3A_209 = arith.andi %le3A_205, %le3A_208 : vector<16xi1>
      %select_n3A_210 = arith.select %and3A_209, %add3A_197, %select_n3A_194 : vector<16xi1>, vector<16xi32>
      %add3A_211 = arith.constant 2 : i32
      %add3A_212 = vector.broadcast %add3A_211 : i32 to vector<16xi32>
      %add3A_213 = arith.addi %select_n3A_210, %add3A_212 : vector<16xi32>
      %sub3A_214 = arith.constant 1 : i32
      %sub3A_215 = vector.broadcast %sub3A_214 : i32 to vector<16xi32>
      %sub3A_216 = arith.subi %add3A_213, %sub3A_215 : vector<16xi32>
      %min3A_217 = arith.constant 95 : i32
      %min3A_218 = vector.broadcast %min3A_217 : i32 to vector<16xi32>
      %min3A_219 = arith.minsi %sub3A_216, %min3A_218 : vector<16xi32>
      %gather3A_220 = tpu.vector_load_idx %arg11[%min3A_219] : memref<96xf32, #tpu.memory_space<vmem>>[vector<16xi32>], vector<16xf32>,
      %le3A_221 = arith.cmpf ole, %gather3A_220, %mul3A_135 : vector<16xf32>
      %le3A_222 = arith.constant 95 : i32
      %le3A_223 = vector.broadcast %le3A_222 : i32 to vector<16xi32>
      %le3A_224 = arith.cmpi sle, %add3A_213, %le3A_223 : vector<16xi32>
      %and3A_225 = arith.andi %le3A_221, %le3A_224 : vector<16xi1>
      %select_n3A_226 = arith.select %and3A_225, %add3A_213, %select_n3A_210 : vector<16xi1>, vector<16xi32>
      %add3A_227 = arith.constant 1 : i32
      %add3A_228 = vector.broadcast %add3A_227 : i32 to vector<16xi32>
      %add3A_229 = arith.addi %select_n3A_226, %add3A_228 : vector<16xi32>
      %sub3A_230 = arith.constant 1 : i32
      %sub3A_231 = vector.broadcast %sub3A_230 : i32 to vector<16xi32>
      %sub3A_232 = arith.subi %add3A_229, %sub3A_231 : vector<16xi32>
      %min3A_233 = arith.constant 95 : i32
      %min3A_234 = vector.broadcast %min3A_233 : i32 to vector<16xi32>
      %min3A_235 = arith.minsi %sub3A_232, %min3A_234 : vector<16xi32>
      %gather3A_236 = tpu.vector_load_idx %arg11[%min3A_235] : memref<96xf32, #tpu.memory_space<vmem>>[vector<16xi32>], vector<16xf32>,
      %le3A_237 = arith.cmpf ole, %gather3A_236, %mul3A_135 : vector<16xf32>
      %le3A_238 = arith.constant 95 : i32
      %le3A_239 = vector.broadcast %le3A_238 : i32 to vector<16xi32>
      %le3A_240 = arith.cmpi sle, %add3A_229, %le3A_239 : vector<16xi32>
      %and3A_241 = arith.andi %le3A_237, %le3A_240 : vector<16xi1>
      %select_n3A_242 = arith.select %and3A_241, %add3A_229, %select_n3A_226 : vector<16xi1>, vector<16xi32>
      %mul3A_243 = arith.constant 16 : i32
      %mul3A_244 = arith.muli %scan3A_127, %mul3A_243 : i32
      %add3A_245 = arith.addi %mul3A_16, %mul3A_244 : i32
      %swap3A = arith.index_cast %add3A_245 : i32 to index
      %swap3A_246 = tpu.vector_load %arg14[%swap3A] {strides = array<i32>} : memref<4352xi32, #tpu.memory_space<vmem>>, vector<16xi32>,
      tpu.vector_store %arg14[%swap3A], %select_n3A_242 {strides = array<i32>} : memref<4352xi32, #tpu.memory_space<vmem>>, vector<16xi32>,
    }
    %scan3A_22 = arith.constant 17 : i32
    %iota3A_23 = tpu.iota {dimensions = array<i32: 0>} : vector<16xi32>
    %mul3A_24 = arith.constant 272 : i32
    %mul3A_25 = arith.muli %arg1, %mul3A_24 : i32
    %scan3A_26 = arith.constant 0 : i32
    %scan3A_27 = arith.constant 0 : i32
    %scan3A_28 = arith.constant 17 : i32
    %scan3A_29 = arith.addi %scan3A_27, %scan3A_28 : i32
    %scan3A_30 = arith.constant 1 : i32
    scf.for %scan3A_127 = %scan3A_27 to %scan3A_29 step %scan3A_30  : i32 {
      %mul3A_128 = arith.constant 16 : i32
      %mul3A_129 = arith.muli %scan3A_127, %mul3A_128 : i32
      %add3A_130 = arith.addi %mul3A_25, %mul3A_129 : i32
      %add3A_131 = vector.broadcast %add3A_130 : i32 to vector<16xi32>
      %add3A_132 = arith.addi %add3A_131, %iota3A_23 : vector<16xi32>
      %convert_element_type3A = arith.sitofp %add3A_132 : vector<16xi32> to vector<16xf32>
      %mul3A_133 = arith.constant 2.44140625E-4 : f32
      %mul3A_134 = vector.broadcast %mul3A_133 : f32 to vector<16xf32>
      %mul3A_135 = arith.mulf %convert_element_type3A, %mul3A_134 : vector<16xf32>
      %broadcast_in_dim3A = arith.constant 0 : i32
      %broadcast_in_dim3A_136 = vector.broadcast %broadcast_in_dim3A : i32 to vector<16xi32>
      %add3A_137 = arith.constant 32 : i32
      %add3A_138 = vector.broadcast %add3A_137 : i32 to vector<16xi32>
      %add3A_139 = arith.addi %broadcast_in_dim3A_136, %add3A_138 : vector<16xi32>
      %sub3A = arith.constant 1 : i32
      %sub3A_140 = vector.broadcast %sub3A : i32 to vector<16xi32>
      %sub3A_141 = arith.subi %add3A_139, %sub3A_140 : vector<16xi32>
      %min3A = arith.constant 63 : i32
      %min3A_142 = vector.broadcast %min3A : i32 to vector<16xi32>
      %min3A_143 = arith.minsi %sub3A_141, %min3A_142 : vector<16xi32>
      %gather3A = tpu.vector_load_idx %arg12[%min3A_143] : memref<64xf32, #tpu.memory_space<vmem>>[vector<16xi32>], vector<16xf32>,
      %le3A = arith.cmpf ole, %gather3A, %mul3A_135 : vector<16xf32>
      %le3A_144 = arith.constant 63 : i32
      %le3A_145 = vector.broadcast %le3A_144 : i32 to vector<16xi32>
      %le3A_146 = arith.cmpi sle, %add3A_139, %le3A_145 : vector<16xi32>
      %and3A = arith.andi %le3A, %le3A_146 : vector<16xi1>
      %select_n3A = arith.select %and3A, %add3A_139, %broadcast_in_dim3A_136 : vector<16xi1>, vector<16xi32>
      %add3A_147 = arith.constant 16 : i32
      %add3A_148 = vector.broadcast %add3A_147 : i32 to vector<16xi32>
      %add3A_149 = arith.addi %select_n3A, %add3A_148 : vector<16xi32>
      %sub3A_150 = arith.constant 1 : i32
      %sub3A_151 = vector.broadcast %sub3A_150 : i32 to vector<16xi32>
      %sub3A_152 = arith.subi %add3A_149, %sub3A_151 : vector<16xi32>
      %min3A_153 = arith.constant 63 : i32
      %min3A_154 = vector.broadcast %min3A_153 : i32 to vector<16xi32>
      %min3A_155 = arith.minsi %sub3A_152, %min3A_154 : vector<16xi32>
      %gather3A_156 = tpu.vector_load_idx %arg12[%min3A_155] : memref<64xf32, #tpu.memory_space<vmem>>[vector<16xi32>], vector<16xf32>,
      %le3A_157 = arith.cmpf ole, %gather3A_156, %mul3A_135 : vector<16xf32>
      %le3A_158 = arith.constant 63 : i32
      %le3A_159 = vector.broadcast %le3A_158 : i32 to vector<16xi32>
      %le3A_160 = arith.cmpi sle, %add3A_149, %le3A_159 : vector<16xi32>
      %and3A_161 = arith.andi %le3A_157, %le3A_160 : vector<16xi1>
      %select_n3A_162 = arith.select %and3A_161, %add3A_149, %select_n3A : vector<16xi1>, vector<16xi32>
      %add3A_163 = arith.constant 8 : i32
      %add3A_164 = vector.broadcast %add3A_163 : i32 to vector<16xi32>
      %add3A_165 = arith.addi %select_n3A_162, %add3A_164 : vector<16xi32>
      %sub3A_166 = arith.constant 1 : i32
      %sub3A_167 = vector.broadcast %sub3A_166 : i32 to vector<16xi32>
      %sub3A_168 = arith.subi %add3A_165, %sub3A_167 : vector<16xi32>
      %min3A_169 = arith.constant 63 : i32
      %min3A_170 = vector.broadcast %min3A_169 : i32 to vector<16xi32>
      %min3A_171 = arith.minsi %sub3A_168, %min3A_170 : vector<16xi32>
      %gather3A_172 = tpu.vector_load_idx %arg12[%min3A_171] : memref<64xf32, #tpu.memory_space<vmem>>[vector<16xi32>], vector<16xf32>,
      %le3A_173 = arith.cmpf ole, %gather3A_172, %mul3A_135 : vector<16xf32>
      %le3A_174 = arith.constant 63 : i32
      %le3A_175 = vector.broadcast %le3A_174 : i32 to vector<16xi32>
      %le3A_176 = arith.cmpi sle, %add3A_165, %le3A_175 : vector<16xi32>
      %and3A_177 = arith.andi %le3A_173, %le3A_176 : vector<16xi1>
      %select_n3A_178 = arith.select %and3A_177, %add3A_165, %select_n3A_162 : vector<16xi1>, vector<16xi32>
      %add3A_179 = arith.constant 4 : i32
      %add3A_180 = vector.broadcast %add3A_179 : i32 to vector<16xi32>
      %add3A_181 = arith.addi %select_n3A_178, %add3A_180 : vector<16xi32>
      %sub3A_182 = arith.constant 1 : i32
      %sub3A_183 = vector.broadcast %sub3A_182 : i32 to vector<16xi32>
      %sub3A_184 = arith.subi %add3A_181, %sub3A_183 : vector<16xi32>
      %min3A_185 = arith.constant 63 : i32
      %min3A_186 = vector.broadcast %min3A_185 : i32 to vector<16xi32>
      %min3A_187 = arith.minsi %sub3A_184, %min3A_186 : vector<16xi32>
      %gather3A_188 = tpu.vector_load_idx %arg12[%min3A_187] : memref<64xf32, #tpu.memory_space<vmem>>[vector<16xi32>], vector<16xf32>,
      %le3A_189 = arith.cmpf ole, %gather3A_188, %mul3A_135 : vector<16xf32>
      %le3A_190 = arith.constant 63 : i32
      %le3A_191 = vector.broadcast %le3A_190 : i32 to vector<16xi32>
      %le3A_192 = arith.cmpi sle, %add3A_181, %le3A_191 : vector<16xi32>
      %and3A_193 = arith.andi %le3A_189, %le3A_192 : vector<16xi1>
      %select_n3A_194 = arith.select %and3A_193, %add3A_181, %select_n3A_178 : vector<16xi1>, vector<16xi32>
      %add3A_195 = arith.constant 2 : i32
      %add3A_196 = vector.broadcast %add3A_195 : i32 to vector<16xi32>
      %add3A_197 = arith.addi %select_n3A_194, %add3A_196 : vector<16xi32>
      %sub3A_198 = arith.constant 1 : i32
      %sub3A_199 = vector.broadcast %sub3A_198 : i32 to vector<16xi32>
      %sub3A_200 = arith.subi %add3A_197, %sub3A_199 : vector<16xi32>
      %min3A_201 = arith.constant 63 : i32
      %min3A_202 = vector.broadcast %min3A_201 : i32 to vector<16xi32>
      %min3A_203 = arith.minsi %sub3A_200, %min3A_202 : vector<16xi32>
      %gather3A_204 = tpu.vector_load_idx %arg12[%min3A_203] : memref<64xf32, #tpu.memory_space<vmem>>[vector<16xi32>], vector<16xf32>,
      %le3A_205 = arith.cmpf ole, %gather3A_204, %mul3A_135 : vector<16xf32>
      %le3A_206 = arith.constant 63 : i32
      %le3A_207 = vector.broadcast %le3A_206 : i32 to vector<16xi32>
      %le3A_208 = arith.cmpi sle, %add3A_197, %le3A_207 : vector<16xi32>
      %and3A_209 = arith.andi %le3A_205, %le3A_208 : vector<16xi1>
      %select_n3A_210 = arith.select %and3A_209, %add3A_197, %select_n3A_194 : vector<16xi1>, vector<16xi32>
      %add3A_211 = arith.constant 1 : i32
      %add3A_212 = vector.broadcast %add3A_211 : i32 to vector<16xi32>
      %add3A_213 = arith.addi %select_n3A_210, %add3A_212 : vector<16xi32>
      %sub3A_214 = arith.constant 1 : i32
      %sub3A_215 = vector.broadcast %sub3A_214 : i32 to vector<16xi32>
      %sub3A_216 = arith.subi %add3A_213, %sub3A_215 : vector<16xi32>
      %min3A_217 = arith.constant 63 : i32
      %min3A_218 = vector.broadcast %min3A_217 : i32 to vector<16xi32>
      %min3A_219 = arith.minsi %sub3A_216, %min3A_218 : vector<16xi32>
      %gather3A_220 = tpu.vector_load_idx %arg12[%min3A_219] : memref<64xf32, #tpu.memory_space<vmem>>[vector<16xi32>], vector<16xf32>,
      %le3A_221 = arith.cmpf ole, %gather3A_220, %mul3A_135 : vector<16xf32>
      %le3A_222 = arith.constant 63 : i32
      %le3A_223 = vector.broadcast %le3A_222 : i32 to vector<16xi32>
      %le3A_224 = arith.cmpi sle, %add3A_213, %le3A_223 : vector<16xi32>
      %and3A_225 = arith.andi %le3A_221, %le3A_224 : vector<16xi1>
      %select_n3A_226 = arith.select %and3A_225, %add3A_213, %select_n3A_210 : vector<16xi1>, vector<16xi32>
      %mul3A_227 = arith.constant 16 : i32
      %mul3A_228 = arith.muli %scan3A_127, %mul3A_227 : i32
      %add3A_229 = arith.addi %mul3A_25, %mul3A_228 : i32
      %swap3A = arith.index_cast %add3A_229 : i32 to index
      %swap3A_230 = tpu.vector_load %arg15[%swap3A] {strides = array<i32>} : memref<4352xi32, #tpu.memory_space<vmem>>, vector<16xi32>,
      tpu.vector_store %arg15[%swap3A], %select_n3A_226 {strides = array<i32>} : memref<4352xi32, #tpu.memory_space<vmem>>, vector<16xi32>,
    }
    %scan3A_31 = arith.constant 17 : i32
    %mul3A_32 = arith.constant 272 : i32
    %mul3A_33 = arith.muli %arg1, %mul3A_32 : i32
    %mul3A_34 = arith.constant 272 : i32
    %mul3A_35 = arith.muli %arg1, %mul3A_34 : i32
    "tpu.region"() ({
      %run_scoped3A = tpu.sem_alloc : memref<!tpu.dma_semaphore, #tpu.memory_space<semaphore_mem>>
      %dma_start3A_127 = tpu.memref_slice %arg13[%mul3A_33] : memref<4352xi32, #tpu.memory_space<vmem>> -> memref<272xi32, #tpu.memory_space<vmem>>
      %dma_start3A_128 = tpu.memref_slice %arg20[%mul3A_35] : memref<4352xi32, #tpu.memory_space<vmem_shared>> -> memref<272xi32, #tpu.memory_space<vmem_shared>>
      %dma_start3A_129 = tpu.memref_slice %arg20[%mul3A_35] : memref<4352xi32, #tpu.memory_space<vmem_shared>> -> memref<272xi32, #tpu.memory_space<vmem_shared>>
      %dma_start3A_130 = tpu.memref_slice %arg13[%mul3A_33] : memref<4352xi32, #tpu.memory_space<vmem>> -> memref<272xi32, #tpu.memory_space<vmem>>
      tpu.enqueue_dma source(%dma_start3A_130 : memref<272xi32, #tpu.memory_space<vmem>>) target(%dma_start3A_129 : memref<272xi32, #tpu.memory_space<vmem_shared>>) target_semaphore(%run_scoped3A : memref<!tpu.dma_semaphore, #tpu.memory_space<semaphore_mem>>)
      %dma_wait3A_131 = tpu.memref_slice %arg13[%mul3A_33] : memref<4352xi32, #tpu.memory_space<vmem>> -> memref<272xi32, #tpu.memory_space<vmem>>
      %dma_wait3A_132 = tpu.memref_slice %arg20[%mul3A_35] : memref<4352xi32, #tpu.memory_space<vmem_shared>> -> memref<272xi32, #tpu.memory_space<vmem_shared>>
      %dma_wait3A_133 = tpu.memref_slice %arg20[%mul3A_35] : memref<4352xi32, #tpu.memory_space<vmem_shared>> -> memref<272xi32, #tpu.memory_space<vmem_shared>>
      %dma_wait3A_134 = tpu.memref_slice %arg13[%mul3A_33] : memref<4352xi32, #tpu.memory_space<vmem>> -> memref<272xi32, #tpu.memory_space<vmem>>
      tpu.wait_dma2 semaphore(%run_scoped3A : memref<!tpu.dma_semaphore, #tpu.memory_space<semaphore_mem>>) src(%dma_wait3A_134 : memref<272xi32, #tpu.memory_space<vmem>>) dst(%dma_wait3A_133 : memref<272xi32, #tpu.memory_space<vmem_shared>>)
      tpu.yield
    }) : () -> ()
    %mul3A_36 = arith.constant 272 : i32
    %mul3A_37 = arith.muli %arg1, %mul3A_36 : i32
    %mul3A_38 = arith.constant 272 : i32
    %mul3A_39 = arith.muli %arg1, %mul3A_38 : i32
    "tpu.region"() ({
      %run_scoped3A = tpu.sem_alloc : memref<!tpu.dma_semaphore, #tpu.memory_space<semaphore_mem>>
      %dma_start3A_127 = tpu.memref_slice %arg14[%mul3A_37] : memref<4352xi32, #tpu.memory_space<vmem>> -> memref<272xi32, #tpu.memory_space<vmem>>
      %dma_start3A_128 = tpu.memref_slice %arg21[%mul3A_39] : memref<4352xi32, #tpu.memory_space<vmem_shared>> -> memref<272xi32, #tpu.memory_space<vmem_shared>>
      %dma_start3A_129 = tpu.memref_slice %arg21[%mul3A_39] : memref<4352xi32, #tpu.memory_space<vmem_shared>> -> memref<272xi32, #tpu.memory_space<vmem_shared>>
      %dma_start3A_130 = tpu.memref_slice %arg14[%mul3A_37] : memref<4352xi32, #tpu.memory_space<vmem>> -> memref<272xi32, #tpu.memory_space<vmem>>
      tpu.enqueue_dma source(%dma_start3A_130 : memref<272xi32, #tpu.memory_space<vmem>>) target(%dma_start3A_129 : memref<272xi32, #tpu.memory_space<vmem_shared>>) target_semaphore(%run_scoped3A : memref<!tpu.dma_semaphore, #tpu.memory_space<semaphore_mem>>)
      %dma_wait3A_131 = tpu.memref_slice %arg14[%mul3A_37] : memref<4352xi32, #tpu.memory_space<vmem>> -> memref<272xi32, #tpu.memory_space<vmem>>
      %dma_wait3A_132 = tpu.memref_slice %arg21[%mul3A_39] : memref<4352xi32, #tpu.memory_space<vmem_shared>> -> memref<272xi32, #tpu.memory_space<vmem_shared>>
      %dma_wait3A_133 = tpu.memref_slice %arg21[%mul3A_39] : memref<4352xi32, #tpu.memory_space<vmem_shared>> -> memref<272xi32, #tpu.memory_space<vmem_shared>>
      %dma_wait3A_134 = tpu.memref_slice %arg14[%mul3A_37] : memref<4352xi32, #tpu.memory_space<vmem>> -> memref<272xi32, #tpu.memory_space<vmem>>
      tpu.wait_dma2 semaphore(%run_scoped3A : memref<!tpu.dma_semaphore, #tpu.memory_space<semaphore_mem>>) src(%dma_wait3A_134 : memref<272xi32, #tpu.memory_space<vmem>>) dst(%dma_wait3A_133 : memref<272xi32, #tpu.memory_space<vmem_shared>>)
      tpu.yield
    }) : () -> ()
    %mul3A_40 = arith.constant 272 : i32
    %mul3A_41 = arith.muli %arg1, %mul3A_40 : i32
    %mul3A_42 = arith.constant 272 : i32
    %mul3A_43 = arith.muli %arg1, %mul3A_42 : i32
    "tpu.region"() ({
      %run_scoped3A = tpu.sem_alloc : memref<!tpu.dma_semaphore, #tpu.memory_space<semaphore_mem>>
      %dma_start3A_127 = tpu.memref_slice %arg15[%mul3A_41] : memref<4352xi32, #tpu.memory_space<vmem>> -> memref<272xi32, #tpu.memory_space<vmem>>
      %dma_start3A_128 = tpu.memref_slice %arg22[%mul3A_43] : memref<4352xi32, #tpu.memory_space<vmem_shared>> -> memref<272xi32, #tpu.memory_space<vmem_shared>>
      %dma_start3A_129 = tpu.memref_slice %arg22[%mul3A_43] : memref<4352xi32, #tpu.memory_space<vmem_shared>> -> memref<272xi32, #tpu.memory_space<vmem_shared>>
      %dma_start3A_130 = tpu.memref_slice %arg15[%mul3A_41] : memref<4352xi32, #tpu.memory_space<vmem>> -> memref<272xi32, #tpu.memory_space<vmem>>
      tpu.enqueue_dma source(%dma_start3A_130 : memref<272xi32, #tpu.memory_space<vmem>>) target(%dma_start3A_129 : memref<272xi32, #tpu.memory_space<vmem_shared>>) target_semaphore(%run_scoped3A : memref<!tpu.dma_semaphore, #tpu.memory_space<semaphore_mem>>)
      %dma_wait3A_131 = tpu.memref_slice %arg15[%mul3A_41] : memref<4352xi32, #tpu.memory_space<vmem>> -> memref<272xi32, #tpu.memory_space<vmem>>
      %dma_wait3A_132 = tpu.memref_slice %arg22[%mul3A_43] : memref<4352xi32, #tpu.memory_space<vmem_shared>> -> memref<272xi32, #tpu.memory_space<vmem_shared>>
      %dma_wait3A_133 = tpu.memref_slice %arg22[%mul3A_43] : memref<4352xi32, #tpu.memory_space<vmem_shared>> -> memref<272xi32, #tpu.memory_space<vmem_shared>>
      %dma_wait3A_134 = tpu.memref_slice %arg15[%mul3A_41] : memref<4352xi32, #tpu.memory_space<vmem>> -> memref<272xi32, #tpu.memory_space<vmem>>
      tpu.wait_dma2 semaphore(%run_scoped3A : memref<!tpu.dma_semaphore, #tpu.memory_space<semaphore_mem>>) src(%dma_wait3A_134 : memref<272xi32, #tpu.memory_space<vmem>>) dst(%dma_wait3A_133 : memref<272xi32, #tpu.memory_space<vmem_shared>>)
      tpu.yield
    }) : () -> ()
    %iota3A_44 = tpu.iota {dimensions = array<i32: 0>} : vector<16xi32>
    %scan3A_45 = arith.constant 0 : i32
    %scan3A_46 = arith.constant 0 : i32
    %scan3A_47 = arith.constant 4 : i32
    %scan3A_48 = arith.addi %scan3A_46, %scan3A_47 : i32
    %scan3A_49 = arith.constant 1 : i32
    scf.for %scan3A_127 = %scan3A_46 to %scan3A_48 step %scan3A_49  : i32 {
      %mul3A_128 = arith.constant 16 : i32
      %mul3A_129 = arith.muli %scan3A_127, %mul3A_128 : i32
      %add3A_130 = vector.broadcast %mul3A_129 : i32 to vector<16xi32>
      %add3A_131 = arith.addi %add3A_130, %iota3A_44 : vector<16xi32>
      %add3A_132 = arith.constant 1 : i32
      %add3A_133 = vector.broadcast %add3A_132 : i32 to vector<16xi32>
      %add3A_134 = arith.addi %add3A_131, %add3A_133 : vector<16xi32>
      %min3A = arith.constant 63 : i32
      %min3A_135 = vector.broadcast %min3A : i32 to vector<16xi32>
      %min3A_136 = arith.minsi %add3A_134, %min3A_135 : vector<16xi32>
      %gather3A = tpu.vector_load_idx %arg10[%add3A_131] : memref<64xf32, #tpu.memory_space<vmem>>[vector<16xi32>], vector<16xf32>,
      %gather3A_137 = tpu.vector_load_idx %arg10[%min3A_136] : memref<64xf32, #tpu.memory_space<vmem>>[vector<16xi32>], vector<16xf32>,
      %gt3A = arith.cmpf ogt, %gather3A_137, %gather3A : vector<16xf32>
      %sub3A = arith.subf %gather3A_137, %gather3A : vector<16xf32>
      %jit3A = arith.constant 1.000000e+00 : f32
      %broadcast_in_dim3A = vector.broadcast %jit3A : f32 to vector<16xf32>
      %select_n3A = arith.select %gt3A, %sub3A, %broadcast_in_dim3A : vector<16xi1>, vector<16xf32>
      %div3A = arith.constant 1.000000e+00 : f32
      %div3A_138 = vector.broadcast %div3A : f32 to vector<16xf32>
      %div3A_139 = arith.divf %div3A_138, %select_n3A : vector<16xf32>
      %mul3A_140 = arith.constant 16 : i32
      %mul3A_141 = arith.muli %scan3A_127, %mul3A_140 : i32
      %swap3A = arith.index_cast %mul3A_141 : i32 to index
      %swap3A_142 = tpu.vector_load %arg16[%swap3A] {strides = array<i32>} : memref<64xf32, #tpu.memory_space<vmem>>, vector<16xf32>,
      tpu.vector_store %arg16[%swap3A], %div3A_139 {strides = array<i32>} : memref<64xf32, #tpu.memory_space<vmem>>, vector<16xf32>,
    }
    %scan3A_50 = arith.constant 4 : i32
    %iota3A_51 = tpu.iota {dimensions = array<i32: 0>} : vector<16xi32>
    %scan3A_52 = arith.constant 0 : i32
    %scan3A_53 = arith.constant 0 : i32
    %scan3A_54 = arith.constant 6 : i32
    %scan3A_55 = arith.addi %scan3A_53, %scan3A_54 : i32
    %scan3A_56 = arith.constant 1 : i32
    scf.for %scan3A_127 = %scan3A_53 to %scan3A_55 step %scan3A_56  : i32 {
      %mul3A_128 = arith.constant 16 : i32
      %mul3A_129 = arith.muli %scan3A_127, %mul3A_128 : i32
      %add3A_130 = vector.broadcast %mul3A_129 : i32 to vector<16xi32>
      %add3A_131 = arith.addi %add3A_130, %iota3A_51 : vector<16xi32>
      %add3A_132 = arith.constant 1 : i32
      %add3A_133 = vector.broadcast %add3A_132 : i32 to vector<16xi32>
      %add3A_134 = arith.addi %add3A_131, %add3A_133 : vector<16xi32>
      %min3A = arith.constant 95 : i32
      %min3A_135 = vector.broadcast %min3A : i32 to vector<16xi32>
      %min3A_136 = arith.minsi %add3A_134, %min3A_135 : vector<16xi32>
      %gather3A = tpu.vector_load_idx %arg11[%add3A_131] : memref<96xf32, #tpu.memory_space<vmem>>[vector<16xi32>], vector<16xf32>,
      %gather3A_137 = tpu.vector_load_idx %arg11[%min3A_136] : memref<96xf32, #tpu.memory_space<vmem>>[vector<16xi32>], vector<16xf32>,
      %gt3A = arith.cmpf ogt, %gather3A_137, %gather3A : vector<16xf32>
      %sub3A = arith.subf %gather3A_137, %gather3A : vector<16xf32>
      %jit3A = arith.constant 1.000000e+00 : f32
      %broadcast_in_dim3A = vector.broadcast %jit3A : f32 to vector<16xf32>
      %select_n3A = arith.select %gt3A, %sub3A, %broadcast_in_dim3A : vector<16xi1>, vector<16xf32>
      %div3A = arith.constant 1.000000e+00 : f32
      %div3A_138 = vector.broadcast %div3A : f32 to vector<16xf32>
      %div3A_139 = arith.divf %div3A_138, %select_n3A : vector<16xf32>
      %mul3A_140 = arith.constant 16 : i32
      %mul3A_141 = arith.muli %scan3A_127, %mul3A_140 : i32
      %swap3A = arith.index_cast %mul3A_141 : i32 to index
      %swap3A_142 = tpu.vector_load %arg17[%swap3A] {strides = array<i32>} : memref<96xf32, #tpu.memory_space<vmem>>, vector<16xf32>,
      tpu.vector_store %arg17[%swap3A], %div3A_139 {strides = array<i32>} : memref<96xf32, #tpu.memory_space<vmem>>, vector<16xf32>,
    }
    %scan3A_57 = arith.constant 6 : i32
    %iota3A_58 = tpu.iota {dimensions = array<i32: 0>} : vector<16xi32>
    %scan3A_59 = arith.constant 0 : i32
    %scan3A_60 = arith.constant 0 : i32
    %scan3A_61 = arith.constant 4 : i32
    %scan3A_62 = arith.addi %scan3A_60, %scan3A_61 : i32
    %scan3A_63 = arith.constant 1 : i32
    scf.for %scan3A_127 = %scan3A_60 to %scan3A_62 step %scan3A_63  : i32 {
      %mul3A_128 = arith.constant 16 : i32
      %mul3A_129 = arith.muli %scan3A_127, %mul3A_128 : i32
      %add3A_130 = vector.broadcast %mul3A_129 : i32 to vector<16xi32>
      %add3A_131 = arith.addi %add3A_130, %iota3A_58 : vector<16xi32>
      %add3A_132 = arith.constant 1 : i32
      %add3A_133 = vector.broadcast %add3A_132 : i32 to vector<16xi32>
      %add3A_134 = arith.addi %add3A_131, %add3A_133 : vector<16xi32>
      %min3A = arith.constant 63 : i32
      %min3A_135 = vector.broadcast %min3A : i32 to vector<16xi32>
      %min3A_136 = arith.minsi %add3A_134, %min3A_135 : vector<16xi32>
      %gather3A = tpu.vector_load_idx %arg12[%add3A_131] : memref<64xf32, #tpu.memory_space<vmem>>[vector<16xi32>], vector<16xf32>,
      %gather3A_137 = tpu.vector_load_idx %arg12[%min3A_136] : memref<64xf32, #tpu.memory_space<vmem>>[vector<16xi32>], vector<16xf32>,
      %gt3A = arith.cmpf ogt, %gather3A_137, %gather3A : vector<16xf32>
      %sub3A = arith.subf %gather3A_137, %gather3A : vector<16xf32>
      %jit3A = arith.constant 1.000000e+00 : f32
      %broadcast_in_dim3A = vector.broadcast %jit3A : f32 to vector<16xf32>
      %select_n3A = arith.select %gt3A, %sub3A, %broadcast_in_dim3A : vector<16xi1>, vector<16xf32>
      %div3A = arith.constant 1.000000e+00 : f32
      %div3A_138 = vector.broadcast %div3A : f32 to vector<16xf32>
      %div3A_139 = arith.divf %div3A_138, %select_n3A : vector<16xf32>
      %mul3A_140 = arith.constant 16 : i32
      %mul3A_141 = arith.muli %scan3A_127, %mul3A_140 : i32
      %swap3A = arith.index_cast %mul3A_141 : i32 to index
      %swap3A_142 = tpu.vector_load %arg18[%swap3A] {strides = array<i32>} : memref<64xf32, #tpu.memory_space<vmem>>, vector<16xf32>,
      tpu.vector_store %arg18[%swap3A], %div3A_139 {strides = array<i32>} : memref<64xf32, #tpu.memory_space<vmem>>, vector<16xf32>,
    }
    %scan3A_64 = arith.constant 4 : i32
    %barrier3A = arith.constant 0 : index
    tpu.barrier barrier_id(%barrier3A)
    "tpu.region"() ({
      %run_scoped3A = tpu.sem_alloc : memref<!tpu.dma_semaphore, #tpu.memory_space<semaphore_mem>>
      tpu.enqueue_dma source(%arg20 : memref<4352xi32, #tpu.memory_space<vmem_shared>>) target(%arg13 : memref<4352xi32, #tpu.memory_space<vmem>>) target_semaphore(%run_scoped3A : memref<!tpu.dma_semaphore, #tpu.memory_space<semaphore_mem>>)
      tpu.wait_dma2 semaphore(%run_scoped3A : memref<!tpu.dma_semaphore, #tpu.memory_space<semaphore_mem>>) src(%arg20 : memref<4352xi32, #tpu.memory_space<vmem_shared>>) dst(%arg13 : memref<4352xi32, #tpu.memory_space<vmem>>)
      tpu.yield
    }) : () -> ()
    "tpu.region"() ({
      %run_scoped3A = tpu.sem_alloc : memref<!tpu.dma_semaphore, #tpu.memory_space<semaphore_mem>>
      tpu.enqueue_dma source(%arg21 : memref<4352xi32, #tpu.memory_space<vmem_shared>>) target(%arg14 : memref<4352xi32, #tpu.memory_space<vmem>>) target_semaphore(%run_scoped3A : memref<!tpu.dma_semaphore, #tpu.memory_space<semaphore_mem>>)
      tpu.wait_dma2 semaphore(%run_scoped3A : memref<!tpu.dma_semaphore, #tpu.memory_space<semaphore_mem>>) src(%arg21 : memref<4352xi32, #tpu.memory_space<vmem_shared>>) dst(%arg14 : memref<4352xi32, #tpu.memory_space<vmem>>)
      tpu.yield
    }) : () -> ()
    "tpu.region"() ({
      %run_scoped3A = tpu.sem_alloc : memref<!tpu.dma_semaphore, #tpu.memory_space<semaphore_mem>>
      tpu.enqueue_dma source(%arg22 : memref<4352xi32, #tpu.memory_space<vmem_shared>>) target(%arg15 : memref<4352xi32, #tpu.memory_space<vmem>>) target_semaphore(%run_scoped3A : memref<!tpu.dma_semaphore, #tpu.memory_space<semaphore_mem>>)
      tpu.wait_dma2 semaphore(%run_scoped3A : memref<!tpu.dma_semaphore, #tpu.memory_space<semaphore_mem>>) src(%arg22 : memref<4352xi32, #tpu.memory_space<vmem_shared>>) dst(%arg15 : memref<4352xi32, #tpu.memory_space<vmem>>)
      tpu.yield
    }) : () -> ()
    %add3A_65 = arith.constant 0 : i32
    %add3A_66 = arith.addi %mul3A_2, %add3A_65 : i32
    %dma_start3A = tpu.memref_slice %arg3[%add3A_66] : memref<1048576xf32, #tpu.memory_space<hbm>> -> memref<1024xf32, #tpu.memory_space<hbm>>
    %dma_start3A_67 = tpu.memref_slice %arg3[%add3A_66] : memref<1048576xf32, #tpu.memory_space<hbm>> -> memref<1024xf32, #tpu.memory_space<hbm>>
    tpu.enqueue_dma source(%dma_start3A_67 : memref<1024xf32, #tpu.memory_space<hbm>>) target(%arg29 : memref<1024xf32, #tpu.memory_space<vmem>>) target_semaphore(%arg23 : memref<!tpu.dma_semaphore, #tpu.memory_space<semaphore_mem>>)
    %dma_start3A_68 = tpu.memref_slice %arg4[%add3A_66] : memref<1048576xf32, #tpu.memory_space<hbm>> -> memref<1024xf32, #tpu.memory_space<hbm>>
    %dma_start3A_69 = tpu.memref_slice %arg4[%add3A_66] : memref<1048576xf32, #tpu.memory_space<hbm>> -> memref<1024xf32, #tpu.memory_space<hbm>>
    tpu.enqueue_dma source(%dma_start3A_69 : memref<1024xf32, #tpu.memory_space<hbm>>) target(%arg30 : memref<1024xf32, #tpu.memory_space<vmem>>) target_semaphore(%arg23 : memref<!tpu.dma_semaphore, #tpu.memory_space<semaphore_mem>>)
    %dma_start3A_70 = tpu.memref_slice %arg2[%add3A_66] : memref<1048576xf32, #tpu.memory_space<hbm>> -> memref<1024xf32, #tpu.memory_space<hbm>>
    %dma_start3A_71 = tpu.memref_slice %arg2[%add3A_66] : memref<1048576xf32, #tpu.memory_space<hbm>> -> memref<1024xf32, #tpu.memory_space<hbm>>
    tpu.enqueue_dma source(%dma_start3A_71 : memref<1024xf32, #tpu.memory_space<hbm>>) target(%arg31 : memref<1024xf32, #tpu.memory_space<vmem>>) target_semaphore(%arg23 : memref<!tpu.dma_semaphore, #tpu.memory_space<semaphore_mem>>)
    %add3A_72 = arith.constant 1024 : i32
    %add3A_73 = arith.addi %mul3A_2, %add3A_72 : i32
    %dma_start3A_74 = tpu.memref_slice %arg3[%add3A_73] : memref<1048576xf32, #tpu.memory_space<hbm>> -> memref<1024xf32, #tpu.memory_space<hbm>>
    %dma_start3A_75 = tpu.memref_slice %arg3[%add3A_73] : memref<1048576xf32, #tpu.memory_space<hbm>> -> memref<1024xf32, #tpu.memory_space<hbm>>
    tpu.enqueue_dma source(%dma_start3A_75 : memref<1024xf32, #tpu.memory_space<hbm>>) target(%arg52 : memref<1024xf32, #tpu.memory_space<vmem>>) target_semaphore(%arg24 : memref<!tpu.dma_semaphore, #tpu.memory_space<semaphore_mem>>)
    %dma_start3A_76 = tpu.memref_slice %arg4[%add3A_73] : memref<1048576xf32, #tpu.memory_space<hbm>> -> memref<1024xf32, #tpu.memory_space<hbm>>
    %dma_start3A_77 = tpu.memref_slice %arg4[%add3A_73] : memref<1048576xf32, #tpu.memory_space<hbm>> -> memref<1024xf32, #tpu.memory_space<hbm>>
    tpu.enqueue_dma source(%dma_start3A_77 : memref<1024xf32, #tpu.memory_space<hbm>>) target(%arg53 : memref<1024xf32, #tpu.memory_space<vmem>>) target_semaphore(%arg24 : memref<!tpu.dma_semaphore, #tpu.memory_space<semaphore_mem>>)
    %dma_start3A_78 = tpu.memref_slice %arg2[%add3A_73] : memref<1048576xf32, #tpu.memory_space<hbm>> -> memref<1024xf32, #tpu.memory_space<hbm>>
    %dma_start3A_79 = tpu.memref_slice %arg2[%add3A_73] : memref<1048576xf32, #tpu.memory_space<hbm>> -> memref<1024xf32, #tpu.memory_space<hbm>>
    tpu.enqueue_dma source(%dma_start3A_79 : memref<1024xf32, #tpu.memory_space<hbm>>) target(%arg54 : memref<1024xf32, #tpu.memory_space<vmem>>) target_semaphore(%arg24 : memref<!tpu.dma_semaphore, #tpu.memory_space<semaphore_mem>>)
    %dma_wait3A = arith.constant 0 : i32
    %dma_wait3A_80 = tpu.memref_slice %arg3[%dma_wait3A] : memref<1048576xf32, #tpu.memory_space<hbm>> -> memref<1024xf32, #tpu.memory_space<hbm>>
    %dma_wait3A_81 = arith.constant 0 : i32
    %dma_wait3A_82 = tpu.memref_slice %arg3[%dma_wait3A_81] : memref<1048576xf32, #tpu.memory_space<hbm>> -> memref<1024xf32, #tpu.memory_space<hbm>>
    tpu.wait_dma2 semaphore(%arg23 : memref<!tpu.dma_semaphore, #tpu.memory_space<semaphore_mem>>) src(%dma_wait3A_82 : memref<1024xf32, #tpu.memory_space<hbm>>) dst(%arg29 : memref<1024xf32, #tpu.memory_space<vmem>>)
    %dma_wait3A_83 = arith.constant 0 : i32
    %dma_wait3A_84 = tpu.memref_slice %arg4[%dma_wait3A_83] : memref<1048576xf32, #tpu.memory_space<hbm>> -> memref<1024xf32, #tpu.memory_space<hbm>>
    %dma_wait3A_85 = arith.constant 0 : i32
    %dma_wait3A_86 = tpu.memref_slice %arg4[%dma_wait3A_85] : memref<1048576xf32, #tpu.memory_space<hbm>> -> memref<1024xf32, #tpu.memory_space<hbm>>
    tpu.wait_dma2 semaphore(%arg23 : memref<!tpu.dma_semaphore, #tpu.memory_space<semaphore_mem>>) src(%dma_wait3A_86 : memref<1024xf32, #tpu.memory_space<hbm>>) dst(%arg30 : memref<1024xf32, #tpu.memory_space<vmem>>)
    %dma_wait3A_87 = arith.constant 0 : i32
    %dma_wait3A_88 = tpu.memref_slice %arg2[%dma_wait3A_87] : memref<1048576xf32, #tpu.memory_space<hbm>> -> memref<1024xf32, #tpu.memory_space<hbm>>
    %dma_wait3A_89 = arith.constant 0 : i32
    %dma_wait3A_90 = tpu.memref_slice %arg2[%dma_wait3A_89] : memref<1048576xf32, #tpu.memory_space<hbm>> -> memref<1024xf32, #tpu.memory_space<hbm>>
    tpu.wait_dma2 semaphore(%arg23 : memref<!tpu.dma_semaphore, #tpu.memory_space<semaphore_mem>>) src(%dma_wait3A_90 : memref<1024xf32, #tpu.memory_space<hbm>>) dst(%arg31 : memref<1024xf32, #tpu.memory_space<vmem>>)
    %scan3A_91 = arith.constant 0 : i32
    %scan3A_92 = arith.constant 0 : i32
    %scan3A_93 = arith.constant 64 : i32
    %scan3A_94 = arith.addi %scan3A_92, %scan3A_93 : i32
    %scan3A_95 = arith.constant 1 : i32
    scf.for %scan3A_127 = %scan3A_92 to %scan3A_94 step %scan3A_95  : i32 {
      %mul3A_128 = arith.constant 1 : i32
      %mul3A_129 = arith.muli %scan3A_127, %mul3A_128 : i32
      %add3A_130 = arith.constant 0 : i32
      %add3A_131 = arith.addi %mul3A_129, %add3A_130 : i32
      %mul3A_132 = arith.constant 16 : i32
      %mul3A_133 = arith.muli %add3A_131, %mul3A_132 : i32
      %get3A = arith.index_cast %mul3A_133 : i32 to index
      %get3A_134 = tpu.vector_load %arg29[%get3A] {strides = array<i32>} : memref<1024xf32, #tpu.memory_space<vmem>>, vector<16xf32>,
      %get3A_135 = arith.index_cast %mul3A_133 : i32 to index
      %get3A_136 = tpu.vector_load %arg30[%get3A_135] {strides = array<i32>} : memref<1024xf32, #tpu.memory_space<vmem>>, vector<16xf32>,
      %get3A_137 = arith.index_cast %mul3A_133 : i32 to index
      %get3A_138 = tpu.vector_load %arg31[%get3A_137] {strides = array<i32>} : memref<1024xf32, #tpu.memory_space<vmem>>, vector<16xf32>,
      %mul3A_139 = arith.constant 4.096000e+03 : f32
      %mul3A_140 = vector.broadcast %mul3A_139 : f32 to vector<16xf32>
      %mul3A_141 = arith.mulf %get3A_134, %mul3A_140 : vector<16xf32>
      %convert_element_type3A = arith.fptosi %mul3A_141 : vector<16xf32> to vector<16xi32>
      %min3A = arith.constant 4095 : i32
      %min3A_142 = vector.broadcast %min3A : i32 to vector<16xi32>
      %min3A_143 = arith.minsi %convert_element_type3A, %min3A_142 : vector<16xi32>
      %gather3A = tpu.vector_load_idx %arg13[%min3A_143] : memref<4352xi32, #tpu.memory_space<vmem>>[vector<16xi32>], vector<16xi32>,
      %add3A_144 = arith.constant 0 : i32
      %add3A_145 = vector.broadcast %add3A_144 : i32 to vector<16xi32>
      %add3A_146 = arith.addi %gather3A, %add3A_145 : vector<16xi32>
      %min3A_147 = arith.constant 63 : i32
      %min3A_148 = vector.broadcast %min3A_147 : i32 to vector<16xi32>
      %min3A_149 = arith.minsi %add3A_146, %min3A_148 : vector<16xi32>
      %gather3A_150 = tpu.vector_load_idx %arg10[%min3A_149] : memref<64xf32, #tpu.memory_space<vmem>>[vector<16xi32>], vector<16xf32>,
      %le3A = arith.cmpf ole, %gather3A_150, %get3A_134 : vector<16xf32>
      %convert_element_type3A_151 = arith.extui %le3A : vector<16xi1> to vector<16xi32>
      %add3A_152 = arith.addi %gather3A, %convert_element_type3A_151 : vector<16xi32>
      %add3A_153 = arith.constant 1 : i32
      %add3A_154 = vector.broadcast %add3A_153 : i32 to vector<16xi32>
      %add3A_155 = arith.addi %gather3A, %add3A_154 : vector<16xi32>
      %min3A_156 = arith.constant 63 : i32
      %min3A_157 = vector.broadcast %min3A_156 : i32 to vector<16xi32>
      %min3A_158 = arith.minsi %add3A_155, %min3A_157 : vector<16xi32>
      %gather3A_159 = tpu.vector_load_idx %arg10[%min3A_158] : memref<64xf32, #tpu.memory_space<vmem>>[vector<16xi32>], vector<16xf32>,
      %le3A_160 = arith.cmpf ole, %gather3A_159, %get3A_134 : vector<16xf32>
      %convert_element_type3A_161 = arith.extui %le3A_160 : vector<16xi1> to vector<16xi32>
      %add3A_162 = arith.addi %add3A_152, %convert_element_type3A_161 : vector<16xi32>
      %sub3A = arith.constant 1 : i32
      %sub3A_163 = vector.broadcast %sub3A : i32 to vector<16xi32>
      %sub3A_164 = arith.subi %add3A_162, %sub3A_163 : vector<16xi32>
      %max3A = arith.constant 0 : i32
      %max3A_165 = vector.broadcast %max3A : i32 to vector<16xi32>
      %max3A_166 = arith.maxsi %sub3A_164, %max3A_165 : vector<16xi32>
      %min3A_167 = arith.constant 62 : i32
      %min3A_168 = vector.broadcast %min3A_167 : i32 to vector<16xi32>
      %min3A_169 = arith.minsi %max3A_166, %min3A_168 : vector<16xi32>
      %gather3A_170 = tpu.vector_load_idx %arg10[%min3A_169] : memref<64xf32, #tpu.memory_space<vmem>>[vector<16xi32>], vector<16xf32>,
      %gather3A_171 = tpu.vector_load_idx %arg16[%min3A_169] : memref<64xf32, #tpu.memory_space<vmem>>[vector<16xi32>], vector<16xf32>,
      %sub3A_172 = arith.subf %get3A_134, %gather3A_170 : vector<16xf32>
      %mul3A_173 = arith.mulf %sub3A_172, %gather3A_171 : vector<16xf32>
      %mul3A_174 = arith.constant 4.096000e+03 : f32
      %mul3A_175 = vector.broadcast %mul3A_174 : f32 to vector<16xf32>
      %mul3A_176 = arith.mulf %get3A_136, %mul3A_175 : vector<16xf32>
      %convert_element_type3A_177 = arith.fptosi %mul3A_176 : vector<16xf32> to vector<16xi32>
      %min3A_178 = arith.constant 4095 : i32
      %min3A_179 = vector.broadcast %min3A_178 : i32 to vector<16xi32>
      %min3A_180 = arith.minsi %convert_element_type3A_177, %min3A_179 : vector<16xi32>
      %gather3A_181 = tpu.vector_load_idx %arg14[%min3A_180] : memref<4352xi32, #tpu.memory_space<vmem>>[vector<16xi32>], vector<16xi32>,
      %add3A_182 = arith.constant 0 : i32
      %add3A_183 = vector.broadcast %add3A_182 : i32 to vector<16xi32>
      %add3A_184 = arith.addi %gather3A_181, %add3A_183 : vector<16xi32>
      %min3A_185 = arith.constant 95 : i32
      %min3A_186 = vector.broadcast %min3A_185 : i32 to vector<16xi32>
      %min3A_187 = arith.minsi %add3A_184, %min3A_186 : vector<16xi32>
      %gather3A_188 = tpu.vector_load_idx %arg11[%min3A_187] : memref<96xf32, #tpu.memory_space<vmem>>[vector<16xi32>], vector<16xf32>,
      %le3A_189 = arith.cmpf ole, %gather3A_188, %get3A_136 : vector<16xf32>
      %convert_element_type3A_190 = arith.extui %le3A_189 : vector<16xi1> to vector<16xi32>
      %add3A_191 = arith.addi %gather3A_181, %convert_element_type3A_190 : vector<16xi32>
      %add3A_192 = arith.constant 1 : i32
      %add3A_193 = vector.broadcast %add3A_192 : i32 to vector<16xi32>
      %add3A_194 = arith.addi %gather3A_181, %add3A_193 : vector<16xi32>
      %min3A_195 = arith.constant 95 : i32
      %min3A_196 = vector.broadcast %min3A_195 : i32 to vector<16xi32>
      %min3A_197 = arith.minsi %add3A_194, %min3A_196 : vector<16xi32>
      %gather3A_198 = tpu.vector_load_idx %arg11[%min3A_197] : memref<96xf32, #tpu.memory_space<vmem>>[vector<16xi32>], vector<16xf32>,
      %le3A_199 = arith.cmpf ole, %gather3A_198, %get3A_136 : vector<16xf32>
      %convert_element_type3A_200 = arith.extui %le3A_199 : vector<16xi1> to vector<16xi32>
      %add3A_201 = arith.addi %add3A_191, %convert_element_type3A_200 : vector<16xi32>
      %add3A_202 = arith.constant 2 : i32
      %add3A_203 = vector.broadcast %add3A_202 : i32 to vector<16xi32>
      %add3A_204 = arith.addi %gather3A_181, %add3A_203 : vector<16xi32>
      %min3A_205 = arith.constant 95 : i32
      %min3A_206 = vector.broadcast %min3A_205 : i32 to vector<16xi32>
      %min3A_207 = arith.minsi %add3A_204, %min3A_206 : vector<16xi32>
      %gather3A_208 = tpu.vector_load_idx %arg11[%min3A_207] : memref<96xf32, #tpu.memory_space<vmem>>[vector<16xi32>], vector<16xf32>,
      %le3A_209 = arith.cmpf ole, %gather3A_208, %get3A_136 : vector<16xf32>
      %convert_element_type3A_210 = arith.extui %le3A_209 : vector<16xi1> to vector<16xi32>
      %add3A_211 = arith.addi %add3A_201, %convert_element_type3A_210 : vector<16xi32>
      %sub3A_212 = arith.constant 1 : i32
      %sub3A_213 = vector.broadcast %sub3A_212 : i32 to vector<16xi32>
      %sub3A_214 = arith.subi %add3A_211, %sub3A_213 : vector<16xi32>
      %max3A_215 = arith.constant 0 : i32
      %max3A_216 = vector.broadcast %max3A_215 : i32 to vector<16xi32>
      %max3A_217 = arith.maxsi %sub3A_214, %max3A_216 : vector<16xi32>
      %min3A_218 = arith.constant 94 : i32
      %min3A_219 = vector.broadcast %min3A_218 : i32 to vector<16xi32>
      %min3A_220 = arith.minsi %max3A_217, %min3A_219 : vector<16xi32>
      %gather3A_221 = tpu.vector_load_idx %arg11[%min3A_220] : memref<96xf32, #tpu.memory_space<vmem>>[vector<16xi32>], vector<16xf32>,
      %gather3A_222 = tpu.vector_load_idx %arg17[%min3A_220] : memref<96xf32, #tpu.memory_space<vmem>>[vector<16xi32>], vector<16xf32>,
      %sub3A_223 = arith.subf %get3A_136, %gather3A_221 : vector<16xf32>
      %mul3A_224 = arith.mulf %sub3A_223, %gather3A_222 : vector<16xf32>
      %mul3A_225 = arith.constant 4.096000e+03 : f32
      %mul3A_226 = vector.broadcast %mul3A_225 : f32 to vector<16xf32>
      %mul3A_227 = arith.mulf %get3A_138, %mul3A_226 : vector<16xf32>
      %convert_element_type3A_228 = arith.fptosi %mul3A_227 : vector<16xf32> to vector<16xi32>
      %min3A_229 = arith.constant 4095 : i32
      %min3A_230 = vector.broadcast %min3A_229 : i32 to vector<16xi32>
      %min3A_231 = arith.minsi %convert_element_type3A_228, %min3A_230 : vector<16xi32>
      %gather3A_232 = tpu.vector_load_idx %arg15[%min3A_231] : memref<4352xi32, #tpu.memory_space<vmem>>[vector<16xi32>], vector<16xi32>,
      %add3A_233 = arith.constant 0 : i32
      %add3A_234 = vector.broadcast %add3A_233 : i32 to vector<16xi32>
      %add3A_235 = arith.addi %gather3A_232, %add3A_234 : vector<16xi32>
      %min3A_236 = arith.constant 63 : i32
      %min3A_237 = vector.broadcast %min3A_236 : i32 to vector<16xi32>
      %min3A_238 = arith.minsi %add3A_235, %min3A_237 : vector<16xi32>
      %gather3A_239 = tpu.vector_load_idx %arg12[%min3A_238] : memref<64xf32, #tpu.memory_space<vmem>>[vector<16xi32>], vector<16xf32>,
      %le3A_240 = arith.cmpf ole, %gather3A_239, %get3A_138 : vector<16xf32>
      %convert_element_type3A_241 = arith.extui %le3A_240 : vector<16xi1> to vector<16xi32>
      %add3A_242 = arith.addi %gather3A_232, %convert_element_type3A_241 : vector<16xi32>
      %add3A_243 = arith.constant 1 : i32
      %add3A_244 = vector.broadcast %add3A_243 : i32 to vector<16xi32>
      %add3A_245 = arith.addi %gather3A_232, %add3A_244 : vector<16xi32>
      %min3A_246 = arith.constant 63 : i32
      %min3A_247 = vector.broadcast %min3A_246 : i32 to vector<16xi32>
      %min3A_248 = arith.minsi %add3A_245, %min3A_247 : vector<16xi32>
      %gather3A_249 = tpu.vector_load_idx %arg12[%min3A_248] : memref<64xf32, #tpu.memory_space<vmem>>[vector<16xi32>], vector<16xf32>,
      %le3A_250 = arith.cmpf ole, %gather3A_249, %get3A_138 : vector<16xf32>
      %convert_element_type3A_251 = arith.extui %le3A_250 : vector<16xi1> to vector<16xi32>
      %add3A_252 = arith.addi %add3A_242, %convert_element_type3A_251 : vector<16xi32>
      %sub3A_253 = arith.constant 1 : i32
      %sub3A_254 = vector.broadcast %sub3A_253 : i32 to vector<16xi32>
      %sub3A_255 = arith.subi %add3A_252, %sub3A_254 : vector<16xi32>
      %max3A_256 = arith.constant 0 : i32
      %max3A_257 = vector.broadcast %max3A_256 : i32 to vector<16xi32>
      %max3A_258 = arith.maxsi %sub3A_255, %max3A_257 : vector<16xi32>
      %min3A_259 = arith.constant 62 : i32
      %min3A_260 = vector.broadcast %min3A_259 : i32 to vector<16xi32>
      %min3A_261 = arith.minsi %max3A_258, %min3A_260 : vector<16xi32>
      %gather3A_262 = tpu.vector_load_idx %arg12[%min3A_261] : memref<64xf32, #tpu.memory_space<vmem>>[vector<16xi32>], vector<16xf32>,
      %gather3A_263 = tpu.vector_load_idx %arg18[%min3A_261] : memref<64xf32, #tpu.memory_space<vmem>>[vector<16xi32>], vector<16xf32>,
      %sub3A_264 = arith.subf %get3A_138, %gather3A_262 : vector<16xf32>
      %mul3A_265 = arith.mulf %sub3A_264, %gather3A_263 : vector<16xf32>
      %mul3A_266 = arith.constant 6144 : i32
      %mul3A_267 = vector.broadcast %mul3A_266 : i32 to vector<16xi32>
      %mul3A_268 = arith.muli %min3A_169, %mul3A_267 : vector<16xi32>
      %mul3A_269 = arith.constant 64 : i32
      %mul3A_270 = vector.broadcast %mul3A_269 : i32 to vector<16xi32>
      %mul3A_271 = arith.muli %min3A_220, %mul3A_270 : vector<16xi32>
      %add3A_272 = arith.addi %mul3A_268, %mul3A_271 : vector<16xi32>
      %add3A_273 = arith.addi %add3A_272, %min3A_261 : vector<16xi32>
      %swap3A = arith.index_cast %mul3A_133 : i32 to index
      %swap3A_274 = tpu.vector_load %arg32[%swap3A] {strides = array<i32>} : memref<1024xf32, #tpu.memory_space<vmem>>, vector<16xf32>,
      tpu.vector_store %arg32[%swap3A], %mul3A_173 {strides = array<i32>} : memref<1024xf32, #tpu.memory_space<vmem>>, vector<16xf32>,
      %swap3A_275 = arith.index_cast %mul3A_133 : i32 to index
      %swap3A_276 = tpu.vector_load %arg33[%swap3A_275] {strides = array<i32>} : memref<1024xf32, #tpu.memory_space<vmem>>, vector<16xf32>,
      tpu.vector_store %arg33[%swap3A_275], %mul3A_224 {strides = array<i32>} : memref<1024xf32, #tpu.memory_space<vmem>>, vector<16xf32>,
      %swap3A_277 = arith.index_cast %mul3A_133 : i32 to index
      %swap3A_278 = tpu.vector_load %arg34[%swap3A_277] {strides = array<i32>} : memref<1024xf32, #tpu.memory_space<vmem>>, vector<16xf32>,
      tpu.vector_store %arg34[%swap3A_277], %mul3A_265 {strides = array<i32>} : memref<1024xf32, #tpu.memory_space<vmem>>, vector<16xf32>,
      %add3A_279 = arith.constant 0 : i32
      %add3A_280 = vector.broadcast %add3A_279 : i32 to vector<16xi32>
      %add3A_281 = arith.addi %add3A_273, %add3A_280 : vector<16xi32>
      %swap3A_282 = arith.index_cast %mul3A_133 : i32 to index
      %swap3A_283 = tpu.vector_load %arg36[%swap3A_282] {strides = array<i32>} : memref<1024xi32, #tpu.memory_space<vmem>>, vector<16xi32>,
      tpu.vector_store %arg36[%swap3A_282], %add3A_281 {strides = array<i32>} : memref<1024xi32, #tpu.memory_space<vmem>>, vector<16xi32>,
      %add3A_284 = arith.constant 1 : i32
      %add3A_285 = vector.broadcast %add3A_284 : i32 to vector<16xi32>
      %add3A_286 = arith.addi %add3A_273, %add3A_285 : vector<16xi32>
      %swap3A_287 = arith.index_cast %mul3A_133 : i32 to index
      %swap3A_288 = tpu.vector_load %arg37[%swap3A_287] {strides = array<i32>} : memref<1024xi32, #tpu.memory_space<vmem>>, vector<16xi32>,
      tpu.vector_store %arg37[%swap3A_287], %add3A_286 {strides = array<i32>} : memref<1024xi32, #tpu.memory_space<vmem>>, vector<16xi32>,
      %add3A_289 = arith.constant 64 : i32
      %add3A_290 = vector.broadcast %add3A_289 : i32 to vector<16xi32>
      %add3A_291 = arith.addi %add3A_273, %add3A_290 : vector<16xi32>
      %swap3A_292 = arith.index_cast %mul3A_133 : i32 to index
      %swap3A_293 = tpu.vector_load %arg38[%swap3A_292] {strides = array<i32>} : memref<1024xi32, #tpu.memory_space<vmem>>, vector<16xi32>,
      tpu.vector_store %arg38[%swap3A_292], %add3A_291 {strides = array<i32>} : memref<1024xi32, #tpu.memory_space<vmem>>, vector<16xi32>,
      %add3A_294 = arith.constant 65 : i32
      %add3A_295 = vector.broadcast %add3A_294 : i32 to vector<16xi32>
      %add3A_296 = arith.addi %add3A_273, %add3A_295 : vector<16xi32>
      %swap3A_297 = arith.index_cast %mul3A_133 : i32 to index
      %swap3A_298 = tpu.vector_load %arg39[%swap3A_297] {strides = array<i32>} : memref<1024xi32, #tpu.memory_space<vmem>>, vector<16xi32>,
      tpu.vector_store %arg39[%swap3A_297], %add3A_296 {strides = array<i32>} : memref<1024xi32, #tpu.memory_space<vmem>>, vector<16xi32>,
      %add3A_299 = arith.constant 6144 : i32
      %add3A_300 = vector.broadcast %add3A_299 : i32 to vector<16xi32>
      %add3A_301 = arith.addi %add3A_273, %add3A_300 : vector<16xi32>
      %swap3A_302 = arith.index_cast %mul3A_133 : i32 to index
      %swap3A_303 = tpu.vector_load %arg40[%swap3A_302] {strides = array<i32>} : memref<1024xi32, #tpu.memory_space<vmem>>, vector<16xi32>,
      tpu.vector_store %arg40[%swap3A_302], %add3A_301 {strides = array<i32>} : memref<1024xi32, #tpu.memory_space<vmem>>, vector<16xi32>,
      %add3A_304 = arith.constant 6145 : i32
      %add3A_305 = vector.broadcast %add3A_304 : i32 to vector<16xi32>
      %add3A_306 = arith.addi %add3A_273, %add3A_305 : vector<16xi32>
      %swap3A_307 = arith.index_cast %mul3A_133 : i32 to index
      %swap3A_308 = tpu.vector_load %arg41[%swap3A_307] {strides = array<i32>} : memref<1024xi32, #tpu.memory_space<vmem>>, vector<16xi32>,
      tpu.vector_store %arg41[%swap3A_307], %add3A_306 {strides = array<i32>} : memref<1024xi32, #tpu.memory_space<vmem>>, vector<16xi32>,
      %add3A_309 = arith.constant 6208 : i32
      %add3A_310 = vector.broadcast %add3A_309 : i32 to vector<16xi32>
      %add3A_311 = arith.addi %add3A_273, %add3A_310 : vector<16xi32>
      %swap3A_312 = arith.index_cast %mul3A_133 : i32 to index
      %swap3A_313 = tpu.vector_load %arg42[%swap3A_312] {strides = array<i32>} : memref<1024xi32, #tpu.memory_space<vmem>>, vector<16xi32>,
      tpu.vector_store %arg42[%swap3A_312], %add3A_311 {strides = array<i32>} : memref<1024xi32, #tpu.memory_space<vmem>>, vector<16xi32>,
      %add3A_314 = arith.constant 6209 : i32
      %add3A_315 = vector.broadcast %add3A_314 : i32 to vector<16xi32>
      %add3A_316 = arith.addi %add3A_273, %add3A_315 : vector<16xi32>
      %swap3A_317 = arith.index_cast %mul3A_133 : i32 to index
      %swap3A_318 = tpu.vector_load %arg43[%swap3A_317] {strides = array<i32>} : memref<1024xi32, #tpu.memory_space<vmem>>, vector<16xi32>,
      tpu.vector_store %arg43[%swap3A_317], %add3A_316 {strides = array<i32>} : memref<1024xi32, #tpu.memory_space<vmem>>, vector<16xi32>,
    }
    %scan3A_96 = arith.constant 64 : i32
    %dma_start3A_97 = arith.constant 0 : i32
    %dma_start3A_98 = tpu.memref_slice %arg19[%dma_start3A_97] : memref<393216xf32, #tpu.memory_space<vmem_shared>> -> memref<393216xf32, #tpu.memory_space<vmem_shared>>
    tpu.enqueue_indirect_dma source(%dma_start3A_98 : memref<393216xf32, #tpu.memory_space<vmem_shared>>) target(%arg44 : memref<1024xf32, #tpu.memory_space<vmem>>) offsets(%arg36 : memref<1024xi32, #tpu.memory_space<vmem>>) semaphore(%arg25 : memref<!tpu.dma_semaphore, #tpu.memory_space<semaphore_mem>>)
    %dma_start3A_99 = arith.constant 0 : i32
    %dma_start3A_100 = tpu.memref_slice %arg19[%dma_start3A_99] : memref<393216xf32, #tpu.memory_space<vmem_shared>> -> memref<393216xf32, #tpu.memory_space<vmem_shared>>
    tpu.enqueue_indirect_dma source(%dma_start3A_100 : memref<393216xf32, #tpu.memory_space<vmem_shared>>) target(%arg45 : memref<1024xf32, #tpu.memory_space<vmem>>) offsets(%arg37 : memref<1024xi32, #tpu.memory_space<vmem>>) semaphore(%arg25 : memref<!tpu.dma_semaphore, #tpu.memory_space<semaphore_mem>>)
    %dma_start3A_101 = arith.constant 0 : i32
    %dma_start3A_102 = tpu.memref_slice %arg19[%dma_start3A_101] : memref<393216xf32, #tpu.memory_space<vmem_shared>> -> memref<393216xf32, #tpu.memory_space<vmem_shared>>
    tpu.enqueue_indirect_dma source(%dma_start3A_102 : memref<393216xf32, #tpu.memory_space<vmem_shared>>) target(%arg46 : memref<1024xf32, #tpu.memory_space<vmem>>) offsets(%arg38 : memref<1024xi32, #tpu.memory_space<vmem>>) semaphore(%arg25 : memref<!tpu.dma_semaphore, #tpu.memory_space<semaphore_mem>>)
    %dma_start3A_103 = arith.constant 0 : i32
    %dma_start3A_104 = tpu.memref_slice %arg19[%dma_start3A_103] : memref<393216xf32, #tpu.memory_space<vmem_shared>> -> memref<393216xf32, #tpu.memory_space<vmem_shared>>
    tpu.enqueue_indirect_dma source(%dma_start3A_104 : memref<393216xf32, #tpu.memory_space<vmem_shared>>) target(%arg47 : memref<1024xf32, #tpu.memory_space<vmem>>) offsets(%arg39 : memref<1024xi32, #tpu.memory_space<vmem>>) semaphore(%arg25 : memref<!tpu.dma_semaphore, #tpu.memory_space<semaphore_mem>>)
    %dma_start3A_105 = arith.constant 0 : i32
    %dma_start3A_106 = tpu.memref_slice %arg19[%dma_start3A_105] : memref<393216xf32, #tpu.memory_space<vmem_shared>> -> memref<393216xf32, #tpu.memory_space<vmem_shared>>
    tpu.enqueue_indirect_dma source(%dma_start3A_106 : memref<393216xf32, #tpu.memory_space<vmem_shared>>) target(%arg48 : memref<1024xf32, #tpu.memory_space<vmem>>) offsets(%arg40 : memref<1024xi32, #tpu.memory_space<vmem>>) semaphore(%arg25 : memref<!tpu.dma_semaphore, #tpu.memory_space<semaphore_mem>>)
    %dma_start3A_107 = arith.constant 0 : i32
    %dma_start3A_108 = tpu.memref_slice %arg19[%dma_start3A_107] : memref<393216xf32, #tpu.memory_space<vmem_shared>> -> memref<393216xf32, #tpu.memory_space<vmem_shared>>
    tpu.enqueue_indirect_dma source(%dma_start3A_108 : memref<393216xf32, #tpu.memory_space<vmem_shared>>) target(%arg49 : memref<1024xf32, #tpu.memory_space<vmem>>) offsets(%arg41 : memref<1024xi32, #tpu.memory_space<vmem>>) semaphore(%arg25 : memref<!tpu.dma_semaphore, #tpu.memory_space<semaphore_mem>>)
    %dma_start3A_109 = arith.constant 0 : i32
    %dma_start3A_110 = tpu.memref_slice %arg19[%dma_start3A_109] : memref<393216xf32, #tpu.memory_space<vmem_shared>> -> memref<393216xf32, #tpu.memory_space<vmem_shared>>
    tpu.enqueue_indirect_dma source(%dma_start3A_110 : memref<393216xf32, #tpu.memory_space<vmem_shared>>) target(%arg50 : memref<1024xf32, #tpu.memory_space<vmem>>) offsets(%arg42 : memref<1024xi32, #tpu.memory_space<vmem>>) semaphore(%arg25 : memref<!tpu.dma_semaphore, #tpu.memory_space<semaphore_mem>>)
    %dma_start3A_111 = arith.constant 0 : i32
    %dma_start3A_112 = tpu.memref_slice %arg19[%dma_start3A_111] : memref<393216xf32, #tpu.memory_space<vmem_shared>> -> memref<393216xf32, #tpu.memory_space<vmem_shared>>
    tpu.enqueue_indirect_dma source(%dma_start3A_112 : memref<393216xf32, #tpu.memory_space<vmem_shared>>) target(%arg51 : memref<1024xf32, #tpu.memory_space<vmem>>) offsets(%arg43 : memref<1024xi32, #tpu.memory_space<vmem>>) semaphore(%arg25 : memref<!tpu.dma_semaphore, #tpu.memory_space<semaphore_mem>>)
    %scan3A_113 = arith.constant 0 : i32
    %scan3A_114 = arith.constant 0 : i32
    %scan3A_115 = arith.constant 16 : i32
    %scan3A_116 = arith.addi %scan3A_114, %scan3A_115 : i32
    %scan3A_117 = arith.constant 1 : i32
    scf.for %scan3A_127 = %scan3A_114 to %scan3A_116 step %scan3A_117  : i32 {
      %mul3A_128 = arith.constant 2 : i32
      %mul3A_129 = arith.muli %mul3A_128, %scan3A_127 : i32
      %add3A_130 = arith.constant 1 : i32
      %add3A_131 = arith.addi %scan3A_127, %add3A_130 : i32
      %lt3A = arith.constant 16 : i32
      %lt3A_132 = arith.cmpi slt, %add3A_131, %lt3A : i32
      %convert_element_type3A = arith.extui %lt3A_132 : i1 to i32
      %cond3A = arith.constant 0 : i32
      %cond3A_133 = arith.cmpi ne, %convert_element_type3A, %cond3A : i32
      scf.if %cond3A_133 {
        %add3A_247 = arith.constant 2 : i32
        %add3A_248 = arith.addi %mul3A_129, %add3A_247 : i32
        %mul3A_249 = arith.constant 1024 : i32
        %mul3A_250 = arith.muli %add3A_248, %mul3A_249 : i32
        %add3A_251 = arith.addi %mul3A_2, %mul3A_250 : i32
        %dma_start3A_252 = tpu.memref_slice %arg3[%add3A_251] : memref<1048576xf32, #tpu.memory_space<hbm>> -> memref<1024xf32, #tpu.memory_space<hbm>>
        %dma_start3A_253 = tpu.memref_slice %arg3[%add3A_251] : memref<1048576xf32, #tpu.memory_space<hbm>> -> memref<1024xf32, #tpu.memory_space<hbm>>
        tpu.enqueue_dma source(%dma_start3A_253 : memref<1024xf32, #tpu.memory_space<hbm>>) target(%arg29 : memref<1024xf32, #tpu.memory_space<vmem>>) target_semaphore(%arg23 : memref<!tpu.dma_semaphore, #tpu.memory_space<semaphore_mem>>)
        %dma_start3A_254 = tpu.memref_slice %arg4[%add3A_251] : memref<1048576xf32, #tpu.memory_space<hbm>> -> memref<1024xf32, #tpu.memory_space<hbm>>
        %dma_start3A_255 = tpu.memref_slice %arg4[%add3A_251] : memref<1048576xf32, #tpu.memory_space<hbm>> -> memref<1024xf32, #tpu.memory_space<hbm>>
        tpu.enqueue_dma source(%dma_start3A_255 : memref<1024xf32, #tpu.memory_space<hbm>>) target(%arg30 : memref<1024xf32, #tpu.memory_space<vmem>>) target_semaphore(%arg23 : memref<!tpu.dma_semaphore, #tpu.memory_space<semaphore_mem>>)
        %dma_start3A_256 = tpu.memref_slice %arg2[%add3A_251] : memref<1048576xf32, #tpu.memory_space<hbm>> -> memref<1024xf32, #tpu.memory_space<hbm>>
        %dma_start3A_257 = tpu.memref_slice %arg2[%add3A_251] : memref<1048576xf32, #tpu.memory_space<hbm>> -> memref<1024xf32, #tpu.memory_space<hbm>>
        tpu.enqueue_dma source(%dma_start3A_257 : memref<1024xf32, #tpu.memory_space<hbm>>) target(%arg31 : memref<1024xf32, #tpu.memory_space<vmem>>) target_semaphore(%arg23 : memref<!tpu.dma_semaphore, #tpu.memory_space<semaphore_mem>>)
      } else {
      }
      %dma_wait3A_134 = arith.constant 0 : i32
      %dma_wait3A_135 = tpu.memref_slice %arg3[%dma_wait3A_134] : memref<1048576xf32, #tpu.memory_space<hbm>> -> memref<1024xf32, #tpu.memory_space<hbm>>
      %dma_wait3A_136 = arith.constant 0 : i32
      %dma_wait3A_137 = tpu.memref_slice %arg3[%dma_wait3A_136] : memref<1048576xf32, #tpu.memory_space<hbm>> -> memref<1024xf32, #tpu.memory_space<hbm>>
      tpu.wait_dma2 semaphore(%arg24 : memref<!tpu.dma_semaphore, #tpu.memory_space<semaphore_mem>>) src(%dma_wait3A_137 : memref<1024xf32, #tpu.memory_space<hbm>>) dst(%arg52 : memref<1024xf32, #tpu.memory_space<vmem>>)
      %dma_wait3A_138 = arith.constant 0 : i32
      %dma_wait3A_139 = tpu.memref_slice %arg4[%dma_wait3A_138] : memref<1048576xf32, #tpu.memory_space<hbm>> -> memref<1024xf32, #tpu.memory_space<hbm>>
      %dma_wait3A_140 = arith.constant 0 : i32
      %dma_wait3A_141 = tpu.memref_slice %arg4[%dma_wait3A_140] : memref<1048576xf32, #tpu.memory_space<hbm>> -> memref<1024xf32, #tpu.memory_space<hbm>>
      tpu.wait_dma2 semaphore(%arg24 : memref<!tpu.dma_semaphore, #tpu.memory_space<semaphore_mem>>) src(%dma_wait3A_141 : memref<1024xf32, #tpu.memory_space<hbm>>) dst(%arg53 : memref<1024xf32, #tpu.memory_space<vmem>>)
      %dma_wait3A_142 = arith.constant 0 : i32
      %dma_wait3A_143 = tpu.memref_slice %arg2[%dma_wait3A_142] : memref<1048576xf32, #tpu.memory_space<hbm>> -> memref<1024xf32, #tpu.memory_space<hbm>>
      %dma_wait3A_144 = arith.constant 0 : i32
      %dma_wait3A_145 = tpu.memref_slice %arg2[%dma_wait3A_144] : memref<1048576xf32, #tpu.memory_space<hbm>> -> memref<1024xf32, #tpu.memory_space<hbm>>
      tpu.wait_dma2 semaphore(%arg24 : memref<!tpu.dma_semaphore, #tpu.memory_space<semaphore_mem>>) src(%dma_wait3A_145 : memref<1024xf32, #tpu.memory_space<hbm>>) dst(%arg54 : memref<1024xf32, #tpu.memory_space<vmem>>)
      %scan3A_146 = arith.constant 0 : i32
      %scan3A_147 = arith.constant 0 : i32
      %scan3A_148 = arith.constant 64 : i32
      %scan3A_149 = arith.addi %scan3A_147, %scan3A_148 : i32
      %scan3A_150 = arith.constant 1 : i32
      scf.for %scan3A_247 = %scan3A_147 to %scan3A_149 step %scan3A_150  : i32 {
        %mul3A_248 = arith.constant 1 : i32
        %mul3A_249 = arith.muli %scan3A_247, %mul3A_248 : i32
        %add3A_250 = arith.constant 0 : i32
        %add3A_251 = arith.addi %mul3A_249, %add3A_250 : i32
        %mul3A_252 = arith.constant 16 : i32
        %mul3A_253 = arith.muli %add3A_251, %mul3A_252 : i32
        %get3A = arith.index_cast %mul3A_253 : i32 to index
        %get3A_254 = tpu.vector_load %arg52[%get3A] {strides = array<i32>} : memref<1024xf32, #tpu.memory_space<vmem>>, vector<16xf32>,
        %get3A_255 = arith.index_cast %mul3A_253 : i32 to index
        %get3A_256 = tpu.vector_load %arg53[%get3A_255] {strides = array<i32>} : memref<1024xf32, #tpu.memory_space<vmem>>, vector<16xf32>,
        %get3A_257 = arith.index_cast %mul3A_253 : i32 to index
        %get3A_258 = tpu.vector_load %arg54[%get3A_257] {strides = array<i32>} : memref<1024xf32, #tpu.memory_space<vmem>>, vector<16xf32>,
        %mul3A_259 = arith.constant 4.096000e+03 : f32
        %mul3A_260 = vector.broadcast %mul3A_259 : f32 to vector<16xf32>
        %mul3A_261 = arith.mulf %get3A_254, %mul3A_260 : vector<16xf32>
        %convert_element_type3A_262 = arith.fptosi %mul3A_261 : vector<16xf32> to vector<16xi32>
        %min3A = arith.constant 4095 : i32
        %min3A_263 = vector.broadcast %min3A : i32 to vector<16xi32>
        %min3A_264 = arith.minsi %convert_element_type3A_262, %min3A_263 : vector<16xi32>
        %gather3A = tpu.vector_load_idx %arg13[%min3A_264] : memref<4352xi32, #tpu.memory_space<vmem>>[vector<16xi32>], vector<16xi32>,
        %add3A_265 = arith.constant 0 : i32
        %add3A_266 = vector.broadcast %add3A_265 : i32 to vector<16xi32>
        %add3A_267 = arith.addi %gather3A, %add3A_266 : vector<16xi32>
        %min3A_268 = arith.constant 63 : i32
        %min3A_269 = vector.broadcast %min3A_268 : i32 to vector<16xi32>
        %min3A_270 = arith.minsi %add3A_267, %min3A_269 : vector<16xi32>
        %gather3A_271 = tpu.vector_load_idx %arg10[%min3A_270] : memref<64xf32, #tpu.memory_space<vmem>>[vector<16xi32>], vector<16xf32>,
        %le3A = arith.cmpf ole, %gather3A_271, %get3A_254 : vector<16xf32>
        %convert_element_type3A_272 = arith.extui %le3A : vector<16xi1> to vector<16xi32>
        %add3A_273 = arith.addi %gather3A, %convert_element_type3A_272 : vector<16xi32>
        %add3A_274 = arith.constant 1 : i32
        %add3A_275 = vector.broadcast %add3A_274 : i32 to vector<16xi32>
        %add3A_276 = arith.addi %gather3A, %add3A_275 : vector<16xi32>
        %min3A_277 = arith.constant 63 : i32
        %min3A_278 = vector.broadcast %min3A_277 : i32 to vector<16xi32>
        %min3A_279 = arith.minsi %add3A_276, %min3A_278 : vector<16xi32>
        %gather3A_280 = tpu.vector_load_idx %arg10[%min3A_279] : memref<64xf32, #tpu.memory_space<vmem>>[vector<16xi32>], vector<16xf32>,
        %le3A_281 = arith.cmpf ole, %gather3A_280, %get3A_254 : vector<16xf32>
        %convert_element_type3A_282 = arith.extui %le3A_281 : vector<16xi1> to vector<16xi32>
        %add3A_283 = arith.addi %add3A_273, %convert_element_type3A_282 : vector<16xi32>
        %sub3A = arith.constant 1 : i32
        %sub3A_284 = vector.broadcast %sub3A : i32 to vector<16xi32>
        %sub3A_285 = arith.subi %add3A_283, %sub3A_284 : vector<16xi32>
        %max3A = arith.constant 0 : i32
        %max3A_286 = vector.broadcast %max3A : i32 to vector<16xi32>
        %max3A_287 = arith.maxsi %sub3A_285, %max3A_286 : vector<16xi32>
        %min3A_288 = arith.constant 62 : i32
        %min3A_289 = vector.broadcast %min3A_288 : i32 to vector<16xi32>
        %min3A_290 = arith.minsi %max3A_287, %min3A_289 : vector<16xi32>
        %gather3A_291 = tpu.vector_load_idx %arg10[%min3A_290] : memref<64xf32, #tpu.memory_space<vmem>>[vector<16xi32>], vector<16xf32>,
        %gather3A_292 = tpu.vector_load_idx %arg16[%min3A_290] : memref<64xf32, #tpu.memory_space<vmem>>[vector<16xi32>], vector<16xf32>,
        %sub3A_293 = arith.subf %get3A_254, %gather3A_291 : vector<16xf32>
        %mul3A_294 = arith.mulf %sub3A_293, %gather3A_292 : vector<16xf32>
        %mul3A_295 = arith.constant 4.096000e+03 : f32
        %mul3A_296 = vector.broadcast %mul3A_295 : f32 to vector<16xf32>
        %mul3A_297 = arith.mulf %get3A_256, %mul3A_296 : vector<16xf32>
        %convert_element_type3A_298 = arith.fptosi %mul3A_297 : vector<16xf32> to vector<16xi32>
        %min3A_299 = arith.constant 4095 : i32
        %min3A_300 = vector.broadcast %min3A_299 : i32 to vector<16xi32>
        %min3A_301 = arith.minsi %convert_element_type3A_298, %min3A_300 : vector<16xi32>
        %gather3A_302 = tpu.vector_load_idx %arg14[%min3A_301] : memref<4352xi32, #tpu.memory_space<vmem>>[vector<16xi32>], vector<16xi32>,
        %add3A_303 = arith.constant 0 : i32
        %add3A_304 = vector.broadcast %add3A_303 : i32 to vector<16xi32>
        %add3A_305 = arith.addi %gather3A_302, %add3A_304 : vector<16xi32>
        %min3A_306 = arith.constant 95 : i32
        %min3A_307 = vector.broadcast %min3A_306 : i32 to vector<16xi32>
        %min3A_308 = arith.minsi %add3A_305, %min3A_307 : vector<16xi32>
        %gather3A_309 = tpu.vector_load_idx %arg11[%min3A_308] : memref<96xf32, #tpu.memory_space<vmem>>[vector<16xi32>], vector<16xf32>,
        %le3A_310 = arith.cmpf ole, %gather3A_309, %get3A_256 : vector<16xf32>
        %convert_element_type3A_311 = arith.extui %le3A_310 : vector<16xi1> to vector<16xi32>
        %add3A_312 = arith.addi %gather3A_302, %convert_element_type3A_311 : vector<16xi32>
        %add3A_313 = arith.constant 1 : i32
        %add3A_314 = vector.broadcast %add3A_313 : i32 to vector<16xi32>
        %add3A_315 = arith.addi %gather3A_302, %add3A_314 : vector<16xi32>
        %min3A_316 = arith.constant 95 : i32
        %min3A_317 = vector.broadcast %min3A_316 : i32 to vector<16xi32>
        %min3A_318 = arith.minsi %add3A_315, %min3A_317 : vector<16xi32>
        %gather3A_319 = tpu.vector_load_idx %arg11[%min3A_318] : memref<96xf32, #tpu.memory_space<vmem>>[vector<16xi32>], vector<16xf32>,
        %le3A_320 = arith.cmpf ole, %gather3A_319, %get3A_256 : vector<16xf32>
        %convert_element_type3A_321 = arith.extui %le3A_320 : vector<16xi1> to vector<16xi32>
        %add3A_322 = arith.addi %add3A_312, %convert_element_type3A_321 : vector<16xi32>
        %add3A_323 = arith.constant 2 : i32
        %add3A_324 = vector.broadcast %add3A_323 : i32 to vector<16xi32>
        %add3A_325 = arith.addi %gather3A_302, %add3A_324 : vector<16xi32>
        %min3A_326 = arith.constant 95 : i32
        %min3A_327 = vector.broadcast %min3A_326 : i32 to vector<16xi32>
        %min3A_328 = arith.minsi %add3A_325, %min3A_327 : vector<16xi32>
        %gather3A_329 = tpu.vector_load_idx %arg11[%min3A_328] : memref<96xf32, #tpu.memory_space<vmem>>[vector<16xi32>], vector<16xf32>,
        %le3A_330 = arith.cmpf ole, %gather3A_329, %get3A_256 : vector<16xf32>
        %convert_element_type3A_331 = arith.extui %le3A_330 : vector<16xi1> to vector<16xi32>
        %add3A_332 = arith.addi %add3A_322, %convert_element_type3A_331 : vector<16xi32>
        %sub3A_333 = arith.constant 1 : i32
        %sub3A_334 = vector.broadcast %sub3A_333 : i32 to vector<16xi32>
        %sub3A_335 = arith.subi %add3A_332, %sub3A_334 : vector<16xi32>
        %max3A_336 = arith.constant 0 : i32
        %max3A_337 = vector.broadcast %max3A_336 : i32 to vector<16xi32>
        %max3A_338 = arith.maxsi %sub3A_335, %max3A_337 : vector<16xi32>
        %min3A_339 = arith.constant 94 : i32
        %min3A_340 = vector.broadcast %min3A_339 : i32 to vector<16xi32>
        %min3A_341 = arith.minsi %max3A_338, %min3A_340 : vector<16xi32>
        %gather3A_342 = tpu.vector_load_idx %arg11[%min3A_341] : memref<96xf32, #tpu.memory_space<vmem>>[vector<16xi32>], vector<16xf32>,
        %gather3A_343 = tpu.vector_load_idx %arg17[%min3A_341] : memref<96xf32, #tpu.memory_space<vmem>>[vector<16xi32>], vector<16xf32>,
        %sub3A_344 = arith.subf %get3A_256, %gather3A_342 : vector<16xf32>
        %mul3A_345 = arith.mulf %sub3A_344, %gather3A_343 : vector<16xf32>
        %mul3A_346 = arith.constant 4.096000e+03 : f32
        %mul3A_347 = vector.broadcast %mul3A_346 : f32 to vector<16xf32>
        %mul3A_348 = arith.mulf %get3A_258, %mul3A_347 : vector<16xf32>
        %convert_element_type3A_349 = arith.fptosi %mul3A_348 : vector<16xf32> to vector<16xi32>
        %min3A_350 = arith.constant 4095 : i32
        %min3A_351 = vector.broadcast %min3A_350 : i32 to vector<16xi32>
        %min3A_352 = arith.minsi %convert_element_type3A_349, %min3A_351 : vector<16xi32>
        %gather3A_353 = tpu.vector_load_idx %arg15[%min3A_352] : memref<4352xi32, #tpu.memory_space<vmem>>[vector<16xi32>], vector<16xi32>,
        %add3A_354 = arith.constant 0 : i32
        %add3A_355 = vector.broadcast %add3A_354 : i32 to vector<16xi32>
        %add3A_356 = arith.addi %gather3A_353, %add3A_355 : vector<16xi32>
        %min3A_357 = arith.constant 63 : i32
        %min3A_358 = vector.broadcast %min3A_357 : i32 to vector<16xi32>
        %min3A_359 = arith.minsi %add3A_356, %min3A_358 : vector<16xi32>
        %gather3A_360 = tpu.vector_load_idx %arg12[%min3A_359] : memref<64xf32, #tpu.memory_space<vmem>>[vector<16xi32>], vector<16xf32>,
        %le3A_361 = arith.cmpf ole, %gather3A_360, %get3A_258 : vector<16xf32>
        %convert_element_type3A_362 = arith.extui %le3A_361 : vector<16xi1> to vector<16xi32>
        %add3A_363 = arith.addi %gather3A_353, %convert_element_type3A_362 : vector<16xi32>
        %add3A_364 = arith.constant 1 : i32
        %add3A_365 = vector.broadcast %add3A_364 : i32 to vector<16xi32>
        %add3A_366 = arith.addi %gather3A_353, %add3A_365 : vector<16xi32>
        %min3A_367 = arith.constant 63 : i32
        %min3A_368 = vector.broadcast %min3A_367 : i32 to vector<16xi32>
        %min3A_369 = arith.minsi %add3A_366, %min3A_368 : vector<16xi32>
        %gather3A_370 = tpu.vector_load_idx %arg12[%min3A_369] : memref<64xf32, #tpu.memory_space<vmem>>[vector<16xi32>], vector<16xf32>,
        %le3A_371 = arith.cmpf ole, %gather3A_370, %get3A_258 : vector<16xf32>
        %convert_element_type3A_372 = arith.extui %le3A_371 : vector<16xi1> to vector<16xi32>
        %add3A_373 = arith.addi %add3A_363, %convert_element_type3A_372 : vector<16xi32>
        %sub3A_374 = arith.constant 1 : i32
        %sub3A_375 = vector.broadcast %sub3A_374 : i32 to vector<16xi32>
        %sub3A_376 = arith.subi %add3A_373, %sub3A_375 : vector<16xi32>
        %max3A_377 = arith.constant 0 : i32
        %max3A_378 = vector.broadcast %max3A_377 : i32 to vector<16xi32>
        %max3A_379 = arith.maxsi %sub3A_376, %max3A_378 : vector<16xi32>
        %min3A_380 = arith.constant 62 : i32
        %min3A_381 = vector.broadcast %min3A_380 : i32 to vector<16xi32>
        %min3A_382 = arith.minsi %max3A_379, %min3A_381 : vector<16xi32>
        %gather3A_383 = tpu.vector_load_idx %arg12[%min3A_382] : memref<64xf32, #tpu.memory_space<vmem>>[vector<16xi32>], vector<16xf32>,
        %gather3A_384 = tpu.vector_load_idx %arg18[%min3A_382] : memref<64xf32, #tpu.memory_space<vmem>>[vector<16xi32>], vector<16xf32>,
        %sub3A_385 = arith.subf %get3A_258, %gather3A_383 : vector<16xf32>
        %mul3A_386 = arith.mulf %sub3A_385, %gather3A_384 : vector<16xf32>
        %mul3A_387 = arith.constant 6144 : i32
        %mul3A_388 = vector.broadcast %mul3A_387 : i32 to vector<16xi32>
        %mul3A_389 = arith.muli %min3A_290, %mul3A_388 : vector<16xi32>
        %mul3A_390 = arith.constant 64 : i32
        %mul3A_391 = vector.broadcast %mul3A_390 : i32 to vector<16xi32>
        %mul3A_392 = arith.muli %min3A_341, %mul3A_391 : vector<16xi32>
        %add3A_393 = arith.addi %mul3A_389, %mul3A_392 : vector<16xi32>
        %add3A_394 = arith.addi %add3A_393, %min3A_382 : vector<16xi32>
        %swap3A = arith.index_cast %mul3A_253 : i32 to index
        %swap3A_395 = tpu.vector_load %arg55[%swap3A] {strides = array<i32>} : memref<1024xf32, #tpu.memory_space<vmem>>, vector<16xf32>,
        tpu.vector_store %arg55[%swap3A], %mul3A_294 {strides = array<i32>} : memref<1024xf32, #tpu.memory_space<vmem>>, vector<16xf32>,
        %swap3A_396 = arith.index_cast %mul3A_253 : i32 to index
        %swap3A_397 = tpu.vector_load %arg56[%swap3A_396] {strides = array<i32>} : memref<1024xf32, #tpu.memory_space<vmem>>, vector<16xf32>,
        tpu.vector_store %arg56[%swap3A_396], %mul3A_345 {strides = array<i32>} : memref<1024xf32, #tpu.memory_space<vmem>>, vector<16xf32>,
        %swap3A_398 = arith.index_cast %mul3A_253 : i32 to index
        %swap3A_399 = tpu.vector_load %arg57[%swap3A_398] {strides = array<i32>} : memref<1024xf32, #tpu.memory_space<vmem>>, vector<16xf32>,
        tpu.vector_store %arg57[%swap3A_398], %mul3A_386 {strides = array<i32>} : memref<1024xf32, #tpu.memory_space<vmem>>, vector<16xf32>,
        %add3A_400 = arith.constant 0 : i32
        %add3A_401 = vector.broadcast %add3A_400 : i32 to vector<16xi32>
        %add3A_402 = arith.addi %add3A_394, %add3A_401 : vector<16xi32>
        %swap3A_403 = arith.index_cast %mul3A_253 : i32 to index
        %swap3A_404 = tpu.vector_load %arg59[%swap3A_403] {strides = array<i32>} : memref<1024xi32, #tpu.memory_space<vmem>>, vector<16xi32>,
        tpu.vector_store %arg59[%swap3A_403], %add3A_402 {strides = array<i32>} : memref<1024xi32, #tpu.memory_space<vmem>>, vector<16xi32>,
        %add3A_405 = arith.constant 1 : i32
        %add3A_406 = vector.broadcast %add3A_405 : i32 to vector<16xi32>
        %add3A_407 = arith.addi %add3A_394, %add3A_406 : vector<16xi32>
        %swap3A_408 = arith.index_cast %mul3A_253 : i32 to index
        %swap3A_409 = tpu.vector_load %arg60[%swap3A_408] {strides = array<i32>} : memref<1024xi32, #tpu.memory_space<vmem>>, vector<16xi32>,
        tpu.vector_store %arg60[%swap3A_408], %add3A_407 {strides = array<i32>} : memref<1024xi32, #tpu.memory_space<vmem>>, vector<16xi32>,
        %add3A_410 = arith.constant 64 : i32
        %add3A_411 = vector.broadcast %add3A_410 : i32 to vector<16xi32>
        %add3A_412 = arith.addi %add3A_394, %add3A_411 : vector<16xi32>
        %swap3A_413 = arith.index_cast %mul3A_253 : i32 to index
        %swap3A_414 = tpu.vector_load %arg61[%swap3A_413] {strides = array<i32>} : memref<1024xi32, #tpu.memory_space<vmem>>, vector<16xi32>,
        tpu.vector_store %arg61[%swap3A_413], %add3A_412 {strides = array<i32>} : memref<1024xi32, #tpu.memory_space<vmem>>, vector<16xi32>,
        %add3A_415 = arith.constant 65 : i32
        %add3A_416 = vector.broadcast %add3A_415 : i32 to vector<16xi32>
        %add3A_417 = arith.addi %add3A_394, %add3A_416 : vector<16xi32>
        %swap3A_418 = arith.index_cast %mul3A_253 : i32 to index
        %swap3A_419 = tpu.vector_load %arg62[%swap3A_418] {strides = array<i32>} : memref<1024xi32, #tpu.memory_space<vmem>>, vector<16xi32>,
        tpu.vector_store %arg62[%swap3A_418], %add3A_417 {strides = array<i32>} : memref<1024xi32, #tpu.memory_space<vmem>>, vector<16xi32>,
        %add3A_420 = arith.constant 6144 : i32
        %add3A_421 = vector.broadcast %add3A_420 : i32 to vector<16xi32>
        %add3A_422 = arith.addi %add3A_394, %add3A_421 : vector<16xi32>
        %swap3A_423 = arith.index_cast %mul3A_253 : i32 to index
        %swap3A_424 = tpu.vector_load %arg63[%swap3A_423] {strides = array<i32>} : memref<1024xi32, #tpu.memory_space<vmem>>, vector<16xi32>,
        tpu.vector_store %arg63[%swap3A_423], %add3A_422 {strides = array<i32>} : memref<1024xi32, #tpu.memory_space<vmem>>, vector<16xi32>,
        %add3A_425 = arith.constant 6145 : i32
        %add3A_426 = vector.broadcast %add3A_425 : i32 to vector<16xi32>
        %add3A_427 = arith.addi %add3A_394, %add3A_426 : vector<16xi32>
        %swap3A_428 = arith.index_cast %mul3A_253 : i32 to index
        %swap3A_429 = tpu.vector_load %arg64[%swap3A_428] {strides = array<i32>} : memref<1024xi32, #tpu.memory_space<vmem>>, vector<16xi32>,
        tpu.vector_store %arg64[%swap3A_428], %add3A_427 {strides = array<i32>} : memref<1024xi32, #tpu.memory_space<vmem>>, vector<16xi32>,
        %add3A_430 = arith.constant 6208 : i32
        %add3A_431 = vector.broadcast %add3A_430 : i32 to vector<16xi32>
        %add3A_432 = arith.addi %add3A_394, %add3A_431 : vector<16xi32>
        %swap3A_433 = arith.index_cast %mul3A_253 : i32 to index
        %swap3A_434 = tpu.vector_load %arg65[%swap3A_433] {strides = array<i32>} : memref<1024xi32, #tpu.memory_space<vmem>>, vector<16xi32>,
        tpu.vector_store %arg65[%swap3A_433], %add3A_432 {strides = array<i32>} : memref<1024xi32, #tpu.memory_space<vmem>>, vector<16xi32>,
        %add3A_435 = arith.constant 6209 : i32
        %add3A_436 = vector.broadcast %add3A_435 : i32 to vector<16xi32>
        %add3A_437 = arith.addi %add3A_394, %add3A_436 : vector<16xi32>
        %swap3A_438 = arith.index_cast %mul3A_253 : i32 to index
        %swap3A_439 = tpu.vector_load %arg66[%swap3A_438] {strides = array<i32>} : memref<1024xi32, #tpu.memory_space<vmem>>, vector<16xi32>,
        tpu.vector_store %arg66[%swap3A_438], %add3A_437 {strides = array<i32>} : memref<1024xi32, #tpu.memory_space<vmem>>, vector<16xi32>,
      }
      %scan3A_151 = arith.constant 64 : i32
      %dma_start3A_152 = arith.constant 0 : i32
      %dma_start3A_153 = tpu.memref_slice %arg19[%dma_start3A_152] : memref<393216xf32, #tpu.memory_space<vmem_shared>> -> memref<393216xf32, #tpu.memory_space<vmem_shared>>
      tpu.enqueue_indirect_dma source(%dma_start3A_153 : memref<393216xf32, #tpu.memory_space<vmem_shared>>) target(%arg67 : memref<1024xf32, #tpu.memory_space<vmem>>) offsets(%arg59 : memref<1024xi32, #tpu.memory_space<vmem>>) semaphore(%arg26 : memref<!tpu.dma_semaphore, #tpu.memory_space<semaphore_mem>>)
      %dma_start3A_154 = arith.constant 0 : i32
      %dma_start3A_155 = tpu.memref_slice %arg19[%dma_start3A_154] : memref<393216xf32, #tpu.memory_space<vmem_shared>> -> memref<393216xf32, #tpu.memory_space<vmem_shared>>
      tpu.enqueue_indirect_dma source(%dma_start3A_155 : memref<393216xf32, #tpu.memory_space<vmem_shared>>) target(%arg68 : memref<1024xf32, #tpu.memory_space<vmem>>) offsets(%arg60 : memref<1024xi32, #tpu.memory_space<vmem>>) semaphore(%arg26 : memref<!tpu.dma_semaphore, #tpu.memory_space<semaphore_mem>>)
      %dma_start3A_156 = arith.constant 0 : i32
      %dma_start3A_157 = tpu.memref_slice %arg19[%dma_start3A_156] : memref<393216xf32, #tpu.memory_space<vmem_shared>> -> memref<393216xf32, #tpu.memory_space<vmem_shared>>
      tpu.enqueue_indirect_dma source(%dma_start3A_157 : memref<393216xf32, #tpu.memory_space<vmem_shared>>) target(%arg69 : memref<1024xf32, #tpu.memory_space<vmem>>) offsets(%arg61 : memref<1024xi32, #tpu.memory_space<vmem>>) semaphore(%arg26 : memref<!tpu.dma_semaphore, #tpu.memory_space<semaphore_mem>>)
      %dma_start3A_158 = arith.constant 0 : i32
      %dma_start3A_159 = tpu.memref_slice %arg19[%dma_start3A_158] : memref<393216xf32, #tpu.memory_space<vmem_shared>> -> memref<393216xf32, #tpu.memory_space<vmem_shared>>
      tpu.enqueue_indirect_dma source(%dma_start3A_159 : memref<393216xf32, #tpu.memory_space<vmem_shared>>) target(%arg70 : memref<1024xf32, #tpu.memory_space<vmem>>) offsets(%arg62 : memref<1024xi32, #tpu.memory_space<vmem>>) semaphore(%arg26 : memref<!tpu.dma_semaphore, #tpu.memory_space<semaphore_mem>>)
      %dma_start3A_160 = arith.constant 0 : i32
      %dma_start3A_161 = tpu.memref_slice %arg19[%dma_start3A_160] : memref<393216xf32, #tpu.memory_space<vmem_shared>> -> memref<393216xf32, #tpu.memory_space<vmem_shared>>
      tpu.enqueue_indirect_dma source(%dma_start3A_161 : memref<393216xf32, #tpu.memory_space<vmem_shared>>) target(%arg71 : memref<1024xf32, #tpu.memory_space<vmem>>) offsets(%arg63 : memref<1024xi32, #tpu.memory_space<vmem>>) semaphore(%arg26 : memref<!tpu.dma_semaphore, #tpu.memory_space<semaphore_mem>>)
      %dma_start3A_162 = arith.constant 0 : i32
      %dma_start3A_163 = tpu.memref_slice %arg19[%dma_start3A_162] : memref<393216xf32, #tpu.memory_space<vmem_shared>> -> memref<393216xf32, #tpu.memory_space<vmem_shared>>
      tpu.enqueue_indirect_dma source(%dma_start3A_163 : memref<393216xf32, #tpu.memory_space<vmem_shared>>) target(%arg72 : memref<1024xf32, #tpu.memory_space<vmem>>) offsets(%arg64 : memref<1024xi32, #tpu.memory_space<vmem>>) semaphore(%arg26 : memref<!tpu.dma_semaphore, #tpu.memory_space<semaphore_mem>>)
      %dma_start3A_164 = arith.constant 0 : i32
      %dma_start3A_165 = tpu.memref_slice %arg19[%dma_start3A_164] : memref<393216xf32, #tpu.memory_space<vmem_shared>> -> memref<393216xf32, #tpu.memory_space<vmem_shared>>
      tpu.enqueue_indirect_dma source(%dma_start3A_165 : memref<393216xf32, #tpu.memory_space<vmem_shared>>) target(%arg73 : memref<1024xf32, #tpu.memory_space<vmem>>) offsets(%arg65 : memref<1024xi32, #tpu.memory_space<vmem>>) semaphore(%arg26 : memref<!tpu.dma_semaphore, #tpu.memory_space<semaphore_mem>>)
      %dma_start3A_166 = arith.constant 0 : i32
      %dma_start3A_167 = tpu.memref_slice %arg19[%dma_start3A_166] : memref<393216xf32, #tpu.memory_space<vmem_shared>> -> memref<393216xf32, #tpu.memory_space<vmem_shared>>
      tpu.enqueue_indirect_dma source(%dma_start3A_167 : memref<393216xf32, #tpu.memory_space<vmem_shared>>) target(%arg74 : memref<1024xf32, #tpu.memory_space<vmem>>) offsets(%arg66 : memref<1024xi32, #tpu.memory_space<vmem>>) semaphore(%arg26 : memref<!tpu.dma_semaphore, #tpu.memory_space<semaphore_mem>>)
      %add3A_168 = arith.constant 1 : i32
      %add3A_169 = arith.addi %scan3A_127, %add3A_168 : i32
      %lt3A_170 = arith.constant 16 : i32
      %lt3A_171 = arith.cmpi slt, %add3A_169, %lt3A_170 : i32
      %convert_element_type3A_172 = arith.extui %lt3A_171 : i1 to i32
      %cond3A_173 = arith.constant 0 : i32
      %cond3A_174 = arith.cmpi ne, %convert_element_type3A_172, %cond3A_173 : i32
      scf.if %cond3A_174 {
        %add3A_247 = arith.constant 3 : i32
        %add3A_248 = arith.addi %mul3A_129, %add3A_247 : i32
        %mul3A_249 = arith.constant 1024 : i32
        %mul3A_250 = arith.muli %add3A_248, %mul3A_249 : i32
        %add3A_251 = arith.addi %mul3A_2, %mul3A_250 : i32
        %dma_start3A_252 = tpu.memref_slice %arg3[%add3A_251] : memref<1048576xf32, #tpu.memory_space<hbm>> -> memref<1024xf32, #tpu.memory_space<hbm>>
        %dma_start3A_253 = tpu.memref_slice %arg3[%add3A_251] : memref<1048576xf32, #tpu.memory_space<hbm>> -> memref<1024xf32, #tpu.memory_space<hbm>>
        tpu.enqueue_dma source(%dma_start3A_253 : memref<1024xf32, #tpu.memory_space<hbm>>) target(%arg52 : memref<1024xf32, #tpu.memory_space<vmem>>) target_semaphore(%arg24 : memref<!tpu.dma_semaphore, #tpu.memory_space<semaphore_mem>>)
        %dma_start3A_254 = tpu.memref_slice %arg4[%add3A_251] : memref<1048576xf32, #tpu.memory_space<hbm>> -> memref<1024xf32, #tpu.memory_space<hbm>>
        %dma_start3A_255 = tpu.memref_slice %arg4[%add3A_251] : memref<1048576xf32, #tpu.memory_space<hbm>> -> memref<1024xf32, #tpu.memory_space<hbm>>
        tpu.enqueue_dma source(%dma_start3A_255 : memref<1024xf32, #tpu.memory_space<hbm>>) target(%arg53 : memref<1024xf32, #tpu.memory_space<vmem>>) target_semaphore(%arg24 : memref<!tpu.dma_semaphore, #tpu.memory_space<semaphore_mem>>)
        %dma_start3A_256 = tpu.memref_slice %arg2[%add3A_251] : memref<1048576xf32, #tpu.memory_space<hbm>> -> memref<1024xf32, #tpu.memory_space<hbm>>
        %dma_start3A_257 = tpu.memref_slice %arg2[%add3A_251] : memref<1048576xf32, #tpu.memory_space<hbm>> -> memref<1024xf32, #tpu.memory_space<hbm>>
        tpu.enqueue_dma source(%dma_start3A_257 : memref<1024xf32, #tpu.memory_space<hbm>>) target(%arg54 : memref<1024xf32, #tpu.memory_space<vmem>>) target_semaphore(%arg24 : memref<!tpu.dma_semaphore, #tpu.memory_space<semaphore_mem>>)
      } else {
      }
      %dma_wait3A_175 = arith.constant 0 : i32
      %dma_wait3A_176 = tpu.memref_slice %arg19[%dma_wait3A_175] : memref<393216xf32, #tpu.memory_space<vmem_shared>> -> memref<393216xf32, #tpu.memory_space<vmem_shared>>
      tpu.wait_indirect_dma semaphore(%arg25 : memref<!tpu.dma_semaphore, #tpu.memory_space<semaphore_mem>>) src(%dma_wait3A_176 : memref<393216xf32, #tpu.memory_space<vmem_shared>>) dst(%arg44 : memref<1024xf32, #tpu.memory_space<vmem>>)
      %dma_wait3A_177 = arith.constant 0 : i32
      %dma_wait3A_178 = tpu.memref_slice %arg19[%dma_wait3A_177] : memref<393216xf32, #tpu.memory_space<vmem_shared>> -> memref<393216xf32, #tpu.memory_space<vmem_shared>>
      tpu.wait_indirect_dma semaphore(%arg25 : memref<!tpu.dma_semaphore, #tpu.memory_space<semaphore_mem>>) src(%dma_wait3A_178 : memref<393216xf32, #tpu.memory_space<vmem_shared>>) dst(%arg45 : memref<1024xf32, #tpu.memory_space<vmem>>)
      %dma_wait3A_179 = arith.constant 0 : i32
      %dma_wait3A_180 = tpu.memref_slice %arg19[%dma_wait3A_179] : memref<393216xf32, #tpu.memory_space<vmem_shared>> -> memref<393216xf32, #tpu.memory_space<vmem_shared>>
      tpu.wait_indirect_dma semaphore(%arg25 : memref<!tpu.dma_semaphore, #tpu.memory_space<semaphore_mem>>) src(%dma_wait3A_180 : memref<393216xf32, #tpu.memory_space<vmem_shared>>) dst(%arg46 : memref<1024xf32, #tpu.memory_space<vmem>>)
      %dma_wait3A_181 = arith.constant 0 : i32
      %dma_wait3A_182 = tpu.memref_slice %arg19[%dma_wait3A_181] : memref<393216xf32, #tpu.memory_space<vmem_shared>> -> memref<393216xf32, #tpu.memory_space<vmem_shared>>
      tpu.wait_indirect_dma semaphore(%arg25 : memref<!tpu.dma_semaphore, #tpu.memory_space<semaphore_mem>>) src(%dma_wait3A_182 : memref<393216xf32, #tpu.memory_space<vmem_shared>>) dst(%arg47 : memref<1024xf32, #tpu.memory_space<vmem>>)
      %dma_wait3A_183 = arith.constant 0 : i32
      %dma_wait3A_184 = tpu.memref_slice %arg19[%dma_wait3A_183] : memref<393216xf32, #tpu.memory_space<vmem_shared>> -> memref<393216xf32, #tpu.memory_space<vmem_shared>>
      tpu.wait_indirect_dma semaphore(%arg25 : memref<!tpu.dma_semaphore, #tpu.memory_space<semaphore_mem>>) src(%dma_wait3A_184 : memref<393216xf32, #tpu.memory_space<vmem_shared>>) dst(%arg48 : memref<1024xf32, #tpu.memory_space<vmem>>)
      %dma_wait3A_185 = arith.constant 0 : i32
      %dma_wait3A_186 = tpu.memref_slice %arg19[%dma_wait3A_185] : memref<393216xf32, #tpu.memory_space<vmem_shared>> -> memref<393216xf32, #tpu.memory_space<vmem_shared>>
      tpu.wait_indirect_dma semaphore(%arg25 : memref<!tpu.dma_semaphore, #tpu.memory_space<semaphore_mem>>) src(%dma_wait3A_186 : memref<393216xf32, #tpu.memory_space<vmem_shared>>) dst(%arg49 : memref<1024xf32, #tpu.memory_space<vmem>>)
      %dma_wait3A_187 = arith.constant 0 : i32
      %dma_wait3A_188 = tpu.memref_slice %arg19[%dma_wait3A_187] : memref<393216xf32, #tpu.memory_space<vmem_shared>> -> memref<393216xf32, #tpu.memory_space<vmem_shared>>
      tpu.wait_indirect_dma semaphore(%arg25 : memref<!tpu.dma_semaphore, #tpu.memory_space<semaphore_mem>>) src(%dma_wait3A_188 : memref<393216xf32, #tpu.memory_space<vmem_shared>>) dst(%arg50 : memref<1024xf32, #tpu.memory_space<vmem>>)
      %dma_wait3A_189 = arith.constant 0 : i32
      %dma_wait3A_190 = tpu.memref_slice %arg19[%dma_wait3A_189] : memref<393216xf32, #tpu.memory_space<vmem_shared>> -> memref<393216xf32, #tpu.memory_space<vmem_shared>>
      tpu.wait_indirect_dma semaphore(%arg25 : memref<!tpu.dma_semaphore, #tpu.memory_space<semaphore_mem>>) src(%dma_wait3A_190 : memref<393216xf32, #tpu.memory_space<vmem_shared>>) dst(%arg51 : memref<1024xf32, #tpu.memory_space<vmem>>)
      %ge3A = arith.constant 1 : i32
      %ge3A_191 = arith.cmpi sge, %scan3A_127, %ge3A : i32
      %convert_element_type3A_192 = arith.extui %ge3A_191 : i1 to i32
      %cond3A_193 = arith.constant 0 : i32
      %cond3A_194 = arith.cmpi ne, %convert_element_type3A_192, %cond3A_193 : i32
      scf.if %cond3A_194 {
        %dma_wait3A_247 = arith.constant 0 : i32
        %dma_wait3A_248 = tpu.memref_slice %arg9[%dma_wait3A_247] : memref<1048576xf32, #tpu.memory_space<hbm>> -> memref<1024xf32, #tpu.memory_space<hbm>>
        %dma_wait3A_249 = arith.constant 0 : i32
        %dma_wait3A_250 = tpu.memref_slice %arg9[%dma_wait3A_249] : memref<1048576xf32, #tpu.memory_space<hbm>> -> memref<1024xf32, #tpu.memory_space<hbm>>
        tpu.wait_dma2 semaphore(%arg27 : memref<!tpu.dma_semaphore, #tpu.memory_space<semaphore_mem>>) src(%arg35 : memref<1024xf32, #tpu.memory_space<vmem>>) dst(%dma_wait3A_250 : memref<1024xf32, #tpu.memory_space<hbm>>)
      } else {
      }
      %scan3A_195 = arith.constant 0 : i32
      %scan3A_196 = arith.constant 0 : i32
      %scan3A_197 = arith.constant 64 : i32
      %scan3A_198 = arith.addi %scan3A_196, %scan3A_197 : i32
      %scan3A_199 = arith.constant 1 : i32
      scf.for %scan3A_247 = %scan3A_196 to %scan3A_198 step %scan3A_199  : i32 {
        %mul3A_248 = arith.constant 1 : i32
        %mul3A_249 = arith.muli %scan3A_247, %mul3A_248 : i32
        %add3A_250 = arith.constant 0 : i32
        %add3A_251 = arith.addi %mul3A_249, %add3A_250 : i32
        %mul3A_252 = arith.constant 16 : i32
        %mul3A_253 = arith.muli %add3A_251, %mul3A_252 : i32
        %get3A = arith.index_cast %mul3A_253 : i32 to index
        %get3A_254 = tpu.vector_load %arg32[%get3A] {strides = array<i32>} : memref<1024xf32, #tpu.memory_space<vmem>>, vector<16xf32>,
        %get3A_255 = arith.index_cast %mul3A_253 : i32 to index
        %get3A_256 = tpu.vector_load %arg33[%get3A_255] {strides = array<i32>} : memref<1024xf32, #tpu.memory_space<vmem>>, vector<16xf32>,
        %get3A_257 = arith.index_cast %mul3A_253 : i32 to index
        %get3A_258 = tpu.vector_load %arg34[%get3A_257] {strides = array<i32>} : memref<1024xf32, #tpu.memory_space<vmem>>, vector<16xf32>,
        %sub3A = arith.constant 1.000000e+00 : f32
        %sub3A_259 = vector.broadcast %sub3A : f32 to vector<16xf32>
        %sub3A_260 = arith.subf %sub3A_259, %get3A_254 : vector<16xf32>
        %sub3A_261 = arith.constant 1.000000e+00 : f32
        %sub3A_262 = vector.broadcast %sub3A_261 : f32 to vector<16xf32>
        %sub3A_263 = arith.subf %sub3A_262, %get3A_256 : vector<16xf32>
        %sub3A_264 = arith.constant 1.000000e+00 : f32
        %sub3A_265 = vector.broadcast %sub3A_264 : f32 to vector<16xf32>
        %sub3A_266 = arith.subf %sub3A_265, %get3A_258 : vector<16xf32>
        %mul3A_267 = arith.mulf %sub3A_260, %sub3A_263 : vector<16xf32>
        %mul3A_268 = arith.mulf %sub3A_260, %get3A_256 : vector<16xf32>
        %mul3A_269 = arith.mulf %get3A_254, %sub3A_263 : vector<16xf32>
        %mul3A_270 = arith.mulf %get3A_254, %get3A_256 : vector<16xf32>
        %get3A_271 = arith.index_cast %mul3A_253 : i32 to index
        %get3A_272 = tpu.vector_load %arg44[%get3A_271] {strides = array<i32>} : memref<1024xf32, #tpu.memory_space<vmem>>, vector<16xf32>,
        %get3A_273 = arith.index_cast %mul3A_253 : i32 to index
        %get3A_274 = tpu.vector_load %arg45[%get3A_273] {strides = array<i32>} : memref<1024xf32, #tpu.memory_space<vmem>>, vector<16xf32>,
        %get3A_275 = arith.index_cast %mul3A_253 : i32 to index
        %get3A_276 = tpu.vector_load %arg46[%get3A_275] {strides = array<i32>} : memref<1024xf32, #tpu.memory_space<vmem>>, vector<16xf32>,
        %get3A_277 = arith.index_cast %mul3A_253 : i32 to index
        %get3A_278 = tpu.vector_load %arg47[%get3A_277] {strides = array<i32>} : memref<1024xf32, #tpu.memory_space<vmem>>, vector<16xf32>,
        %get3A_279 = arith.index_cast %mul3A_253 : i32 to index
        %get3A_280 = tpu.vector_load %arg48[%get3A_279] {strides = array<i32>} : memref<1024xf32, #tpu.memory_space<vmem>>, vector<16xf32>,
        %get3A_281 = arith.index_cast %mul3A_253 : i32 to index
        %get3A_282 = tpu.vector_load %arg49[%get3A_281] {strides = array<i32>} : memref<1024xf32, #tpu.memory_space<vmem>>, vector<16xf32>,
        %get3A_283 = arith.index_cast %mul3A_253 : i32 to index
        %get3A_284 = tpu.vector_load %arg50[%get3A_283] {strides = array<i32>} : memref<1024xf32, #tpu.memory_space<vmem>>, vector<16xf32>,
        %get3A_285 = arith.index_cast %mul3A_253 : i32 to index
        %get3A_286 = tpu.vector_load %arg51[%get3A_285] {strides = array<i32>} : memref<1024xf32, #tpu.memory_space<vmem>>, vector<16xf32>,
        %mul3A_287 = arith.mulf %mul3A_267, %get3A_272 : vector<16xf32>
        %mul3A_288 = arith.mulf %mul3A_268, %get3A_276 : vector<16xf32>
        %add3A_289 = arith.addf %mul3A_287, %mul3A_288 : vector<16xf32>
        %mul3A_290 = arith.mulf %mul3A_269, %get3A_280 : vector<16xf32>
        %add3A_291 = arith.addf %add3A_289, %mul3A_290 : vector<16xf32>
        %mul3A_292 = arith.mulf %mul3A_270, %get3A_284 : vector<16xf32>
        %add3A_293 = arith.addf %add3A_291, %mul3A_292 : vector<16xf32>
        %mul3A_294 = arith.mulf %add3A_293, %sub3A_266 : vector<16xf32>
        %mul3A_295 = arith.mulf %mul3A_267, %get3A_274 : vector<16xf32>
        %mul3A_296 = arith.mulf %mul3A_268, %get3A_278 : vector<16xf32>
        %add3A_297 = arith.addf %mul3A_295, %mul3A_296 : vector<16xf32>
        %mul3A_298 = arith.mulf %mul3A_269, %get3A_282 : vector<16xf32>
        %add3A_299 = arith.addf %add3A_297, %mul3A_298 : vector<16xf32>
        %mul3A_300 = arith.mulf %mul3A_270, %get3A_286 : vector<16xf32>
        %add3A_301 = arith.addf %add3A_299, %mul3A_300 : vector<16xf32>
        %mul3A_302 = arith.mulf %add3A_301, %get3A_258 : vector<16xf32>
        %add3A_303 = arith.addf %mul3A_294, %mul3A_302 : vector<16xf32>
        %swap3A = arith.index_cast %mul3A_253 : i32 to index
        %swap3A_304 = tpu.vector_load %arg35[%swap3A] {strides = array<i32>} : memref<1024xf32, #tpu.memory_space<vmem>>, vector<16xf32>,
        tpu.vector_store %arg35[%swap3A], %add3A_303 {strides = array<i32>} : memref<1024xf32, #tpu.memory_space<vmem>>, vector<16xf32>,
      }
      %scan3A_200 = arith.constant 64 : i32
      %mul3A_201 = arith.constant 1024 : i32
      %mul3A_202 = arith.muli %mul3A_129, %mul3A_201 : i32
      %add3A_203 = arith.addi %mul3A_2, %mul3A_202 : i32
      %dma_start3A_204 = tpu.memref_slice %arg9[%add3A_203] : memref<1048576xf32, #tpu.memory_space<hbm>> -> memref<1024xf32, #tpu.memory_space<hbm>>
      %dma_start3A_205 = tpu.memref_slice %arg9[%add3A_203] : memref<1048576xf32, #tpu.memory_space<hbm>> -> memref<1024xf32, #tpu.memory_space<hbm>>
      tpu.enqueue_dma source(%arg35 : memref<1024xf32, #tpu.memory_space<vmem>>) target(%dma_start3A_205 : memref<1024xf32, #tpu.memory_space<hbm>>) target_semaphore(%arg27 : memref<!tpu.dma_semaphore, #tpu.memory_space<semaphore_mem>>)
      %add3A_206 = arith.constant 1 : i32
      %add3A_207 = arith.addi %scan3A_127, %add3A_206 : i32
      %lt3A_208 = arith.constant 16 : i32
      %lt3A_209 = arith.cmpi slt, %add3A_207, %lt3A_208 : i32
      %convert_element_type3A_210 = arith.extui %lt3A_209 : i1 to i32
      %cond3A_211 = arith.constant 0 : i32
      %cond3A_212 = arith.cmpi ne, %convert_element_type3A_210, %cond3A_211 : i32
      scf.if %cond3A_212 {
        %dma_wait3A_247 = arith.constant 0 : i32
        %dma_wait3A_248 = tpu.memref_slice %arg3[%dma_wait3A_247] : memref<1048576xf32, #tpu.memory_space<hbm>> -> memref<1024xf32, #tpu.memory_space<hbm>>
        %dma_wait3A_249 = arith.constant 0 : i32
        %dma_wait3A_250 = tpu.memref_slice %arg3[%dma_wait3A_249] : memref<1048576xf32, #tpu.memory_space<hbm>> -> memref<1024xf32, #tpu.memory_space<hbm>>
        tpu.wait_dma2 semaphore(%arg23 : memref<!tpu.dma_semaphore, #tpu.memory_space<semaphore_mem>>) src(%dma_wait3A_250 : memref<1024xf32, #tpu.memory_space<hbm>>) dst(%arg29 : memref<1024xf32, #tpu.memory_space<vmem>>)
        %dma_wait3A_251 = arith.constant 0 : i32
        %dma_wait3A_252 = tpu.memref_slice %arg4[%dma_wait3A_251] : memref<1048576xf32, #tpu.memory_space<hbm>> -> memref<1024xf32, #tpu.memory_space<hbm>>
        %dma_wait3A_253 = arith.constant 0 : i32
        %dma_wait3A_254 = tpu.memref_slice %arg4[%dma_wait3A_253] : memref<1048576xf32, #tpu.memory_space<hbm>> -> memref<1024xf32, #tpu.memory_space<hbm>>
        tpu.wait_dma2 semaphore(%arg23 : memref<!tpu.dma_semaphore, #tpu.memory_space<semaphore_mem>>) src(%dma_wait3A_254 : memref<1024xf32, #tpu.memory_space<hbm>>) dst(%arg30 : memref<1024xf32, #tpu.memory_space<vmem>>)
        %dma_wait3A_255 = arith.constant 0 : i32
        %dma_wait3A_256 = tpu.memref_slice %arg2[%dma_wait3A_255] : memref<1048576xf32, #tpu.memory_space<hbm>> -> memref<1024xf32, #tpu.memory_space<hbm>>
        %dma_wait3A_257 = arith.constant 0 : i32
        %dma_wait3A_258 = tpu.memref_slice %arg2[%dma_wait3A_257] : memref<1048576xf32, #tpu.memory_space<hbm>> -> memref<1024xf32, #tpu.memory_space<hbm>>
        tpu.wait_dma2 semaphore(%arg23 : memref<!tpu.dma_semaphore, #tpu.memory_space<semaphore_mem>>) src(%dma_wait3A_258 : memref<1024xf32, #tpu.memory_space<hbm>>) dst(%arg31 : memref<1024xf32, #tpu.memory_space<vmem>>)
        %scan3A_259 = arith.constant 0 : i32
        %scan3A_260 = arith.constant 0 : i32
        %scan3A_261 = arith.constant 64 : i32
        %scan3A_262 = arith.addi %scan3A_260, %scan3A_261 : i32
        %scan3A_263 = arith.constant 1 : i32
        scf.for %scan3A_281 = %scan3A_260 to %scan3A_262 step %scan3A_263  : i32 {
          %mul3A_282 = arith.constant 1 : i32
          %mul3A_283 = arith.muli %scan3A_281, %mul3A_282 : i32
          %add3A_284 = arith.constant 0 : i32
          %add3A_285 = arith.addi %mul3A_283, %add3A_284 : i32
          %mul3A_286 = arith.constant 16 : i32
          %mul3A_287 = arith.muli %add3A_285, %mul3A_286 : i32
          %get3A = arith.index_cast %mul3A_287 : i32 to index
          %get3A_288 = tpu.vector_load %arg29[%get3A] {strides = array<i32>} : memref<1024xf32, #tpu.memory_space<vmem>>, vector<16xf32>,
          %get3A_289 = arith.index_cast %mul3A_287 : i32 to index
          %get3A_290 = tpu.vector_load %arg30[%get3A_289] {strides = array<i32>} : memref<1024xf32, #tpu.memory_space<vmem>>, vector<16xf32>,
          %get3A_291 = arith.index_cast %mul3A_287 : i32 to index
          %get3A_292 = tpu.vector_load %arg31[%get3A_291] {strides = array<i32>} : memref<1024xf32, #tpu.memory_space<vmem>>, vector<16xf32>,
          %mul3A_293 = arith.constant 4.096000e+03 : f32
          %mul3A_294 = vector.broadcast %mul3A_293 : f32 to vector<16xf32>
          %mul3A_295 = arith.mulf %get3A_288, %mul3A_294 : vector<16xf32>
          %convert_element_type3A_296 = arith.fptosi %mul3A_295 : vector<16xf32> to vector<16xi32>
          %min3A = arith.constant 4095 : i32
          %min3A_297 = vector.broadcast %min3A : i32 to vector<16xi32>
          %min3A_298 = arith.minsi %convert_element_type3A_296, %min3A_297 : vector<16xi32>
          %gather3A = tpu.vector_load_idx %arg13[%min3A_298] : memref<4352xi32, #tpu.memory_space<vmem>>[vector<16xi32>], vector<16xi32>,
          %add3A_299 = arith.constant 0 : i32
          %add3A_300 = vector.broadcast %add3A_299 : i32 to vector<16xi32>
          %add3A_301 = arith.addi %gather3A, %add3A_300 : vector<16xi32>
          %min3A_302 = arith.constant 63 : i32
          %min3A_303 = vector.broadcast %min3A_302 : i32 to vector<16xi32>
          %min3A_304 = arith.minsi %add3A_301, %min3A_303 : vector<16xi32>
          %gather3A_305 = tpu.vector_load_idx %arg10[%min3A_304] : memref<64xf32, #tpu.memory_space<vmem>>[vector<16xi32>], vector<16xf32>,
          %le3A = arith.cmpf ole, %gather3A_305, %get3A_288 : vector<16xf32>
          %convert_element_type3A_306 = arith.extui %le3A : vector<16xi1> to vector<16xi32>
          %add3A_307 = arith.addi %gather3A, %convert_element_type3A_306 : vector<16xi32>
          %add3A_308 = arith.constant 1 : i32
          %add3A_309 = vector.broadcast %add3A_308 : i32 to vector<16xi32>
          %add3A_310 = arith.addi %gather3A, %add3A_309 : vector<16xi32>
          %min3A_311 = arith.constant 63 : i32
          %min3A_312 = vector.broadcast %min3A_311 : i32 to vector<16xi32>
          %min3A_313 = arith.minsi %add3A_310, %min3A_312 : vector<16xi32>
          %gather3A_314 = tpu.vector_load_idx %arg10[%min3A_313] : memref<64xf32, #tpu.memory_space<vmem>>[vector<16xi32>], vector<16xf32>,
          %le3A_315 = arith.cmpf ole, %gather3A_314, %get3A_288 : vector<16xf32>
          %convert_element_type3A_316 = arith.extui %le3A_315 : vector<16xi1> to vector<16xi32>
          %add3A_317 = arith.addi %add3A_307, %convert_element_type3A_316 : vector<16xi32>
          %sub3A = arith.constant 1 : i32
          %sub3A_318 = vector.broadcast %sub3A : i32 to vector<16xi32>
          %sub3A_319 = arith.subi %add3A_317, %sub3A_318 : vector<16xi32>
          %max3A = arith.constant 0 : i32
          %max3A_320 = vector.broadcast %max3A : i32 to vector<16xi32>
          %max3A_321 = arith.maxsi %sub3A_319, %max3A_320 : vector<16xi32>
          %min3A_322 = arith.constant 62 : i32
          %min3A_323 = vector.broadcast %min3A_322 : i32 to vector<16xi32>
          %min3A_324 = arith.minsi %max3A_321, %min3A_323 : vector<16xi32>
          %gather3A_325 = tpu.vector_load_idx %arg10[%min3A_324] : memref<64xf32, #tpu.memory_space<vmem>>[vector<16xi32>], vector<16xf32>,
          %gather3A_326 = tpu.vector_load_idx %arg16[%min3A_324] : memref<64xf32, #tpu.memory_space<vmem>>[vector<16xi32>], vector<16xf32>,
          %sub3A_327 = arith.subf %get3A_288, %gather3A_325 : vector<16xf32>
          %mul3A_328 = arith.mulf %sub3A_327, %gather3A_326 : vector<16xf32>
          %mul3A_329 = arith.constant 4.096000e+03 : f32
          %mul3A_330 = vector.broadcast %mul3A_329 : f32 to vector<16xf32>
          %mul3A_331 = arith.mulf %get3A_290, %mul3A_330 : vector<16xf32>
          %convert_element_type3A_332 = arith.fptosi %mul3A_331 : vector<16xf32> to vector<16xi32>
          %min3A_333 = arith.constant 4095 : i32
          %min3A_334 = vector.broadcast %min3A_333 : i32 to vector<16xi32>
          %min3A_335 = arith.minsi %convert_element_type3A_332, %min3A_334 : vector<16xi32>
          %gather3A_336 = tpu.vector_load_idx %arg14[%min3A_335] : memref<4352xi32, #tpu.memory_space<vmem>>[vector<16xi32>], vector<16xi32>,
          %add3A_337 = arith.constant 0 : i32
          %add3A_338 = vector.broadcast %add3A_337 : i32 to vector<16xi32>
          %add3A_339 = arith.addi %gather3A_336, %add3A_338 : vector<16xi32>
          %min3A_340 = arith.constant 95 : i32
          %min3A_341 = vector.broadcast %min3A_340 : i32 to vector<16xi32>
          %min3A_342 = arith.minsi %add3A_339, %min3A_341 : vector<16xi32>
          %gather3A_343 = tpu.vector_load_idx %arg11[%min3A_342] : memref<96xf32, #tpu.memory_space<vmem>>[vector<16xi32>], vector<16xf32>,
          %le3A_344 = arith.cmpf ole, %gather3A_343, %get3A_290 : vector<16xf32>
          %convert_element_type3A_345 = arith.extui %le3A_344 : vector<16xi1> to vector<16xi32>
          %add3A_346 = arith.addi %gather3A_336, %convert_element_type3A_345 : vector<16xi32>
          %add3A_347 = arith.constant 1 : i32
          %add3A_348 = vector.broadcast %add3A_347 : i32 to vector<16xi32>
          %add3A_349 = arith.addi %gather3A_336, %add3A_348 : vector<16xi32>
          %min3A_350 = arith.constant 95 : i32
          %min3A_351 = vector.broadcast %min3A_350 : i32 to vector<16xi32>
          %min3A_352 = arith.minsi %add3A_349, %min3A_351 : vector<16xi32>
          %gather3A_353 = tpu.vector_load_idx %arg11[%min3A_352] : memref<96xf32, #tpu.memory_space<vmem>>[vector<16xi32>], vector<16xf32>,
          %le3A_354 = arith.cmpf ole, %gather3A_353, %get3A_290 : vector<16xf32>
          %convert_element_type3A_355 = arith.extui %le3A_354 : vector<16xi1> to vector<16xi32>
          %add3A_356 = arith.addi %add3A_346, %convert_element_type3A_355 : vector<16xi32>
          %add3A_357 = arith.constant 2 : i32
          %add3A_358 = vector.broadcast %add3A_357 : i32 to vector<16xi32>
          %add3A_359 = arith.addi %gather3A_336, %add3A_358 : vector<16xi32>
          %min3A_360 = arith.constant 95 : i32
          %min3A_361 = vector.broadcast %min3A_360 : i32 to vector<16xi32>
          %min3A_362 = arith.minsi %add3A_359, %min3A_361 : vector<16xi32>
          %gather3A_363 = tpu.vector_load_idx %arg11[%min3A_362] : memref<96xf32, #tpu.memory_space<vmem>>[vector<16xi32>], vector<16xf32>,
          %le3A_364 = arith.cmpf ole, %gather3A_363, %get3A_290 : vector<16xf32>
          %convert_element_type3A_365 = arith.extui %le3A_364 : vector<16xi1> to vector<16xi32>
          %add3A_366 = arith.addi %add3A_356, %convert_element_type3A_365 : vector<16xi32>
          %sub3A_367 = arith.constant 1 : i32
          %sub3A_368 = vector.broadcast %sub3A_367 : i32 to vector<16xi32>
          %sub3A_369 = arith.subi %add3A_366, %sub3A_368 : vector<16xi32>
          %max3A_370 = arith.constant 0 : i32
          %max3A_371 = vector.broadcast %max3A_370 : i32 to vector<16xi32>
          %max3A_372 = arith.maxsi %sub3A_369, %max3A_371 : vector<16xi32>
          %min3A_373 = arith.constant 94 : i32
          %min3A_374 = vector.broadcast %min3A_373 : i32 to vector<16xi32>
          %min3A_375 = arith.minsi %max3A_372, %min3A_374 : vector<16xi32>
          %gather3A_376 = tpu.vector_load_idx %arg11[%min3A_375] : memref<96xf32, #tpu.memory_space<vmem>>[vector<16xi32>], vector<16xf32>,
          %gather3A_377 = tpu.vector_load_idx %arg17[%min3A_375] : memref<96xf32, #tpu.memory_space<vmem>>[vector<16xi32>], vector<16xf32>,
          %sub3A_378 = arith.subf %get3A_290, %gather3A_376 : vector<16xf32>
          %mul3A_379 = arith.mulf %sub3A_378, %gather3A_377 : vector<16xf32>
          %mul3A_380 = arith.constant 4.096000e+03 : f32
          %mul3A_381 = vector.broadcast %mul3A_380 : f32 to vector<16xf32>
          %mul3A_382 = arith.mulf %get3A_292, %mul3A_381 : vector<16xf32>
          %convert_element_type3A_383 = arith.fptosi %mul3A_382 : vector<16xf32> to vector<16xi32>
          %min3A_384 = arith.constant 4095 : i32
          %min3A_385 = vector.broadcast %min3A_384 : i32 to vector<16xi32>
          %min3A_386 = arith.minsi %convert_element_type3A_383, %min3A_385 : vector<16xi32>
          %gather3A_387 = tpu.vector_load_idx %arg15[%min3A_386] : memref<4352xi32, #tpu.memory_space<vmem>>[vector<16xi32>], vector<16xi32>,
          %add3A_388 = arith.constant 0 : i32
          %add3A_389 = vector.broadcast %add3A_388 : i32 to vector<16xi32>
          %add3A_390 = arith.addi %gather3A_387, %add3A_389 : vector<16xi32>
          %min3A_391 = arith.constant 63 : i32
          %min3A_392 = vector.broadcast %min3A_391 : i32 to vector<16xi32>
          %min3A_393 = arith.minsi %add3A_390, %min3A_392 : vector<16xi32>
          %gather3A_394 = tpu.vector_load_idx %arg12[%min3A_393] : memref<64xf32, #tpu.memory_space<vmem>>[vector<16xi32>], vector<16xf32>,
          %le3A_395 = arith.cmpf ole, %gather3A_394, %get3A_292 : vector<16xf32>
          %convert_element_type3A_396 = arith.extui %le3A_395 : vector<16xi1> to vector<16xi32>
          %add3A_397 = arith.addi %gather3A_387, %convert_element_type3A_396 : vector<16xi32>
          %add3A_398 = arith.constant 1 : i32
          %add3A_399 = vector.broadcast %add3A_398 : i32 to vector<16xi32>
          %add3A_400 = arith.addi %gather3A_387, %add3A_399 : vector<16xi32>
          %min3A_401 = arith.constant 63 : i32
          %min3A_402 = vector.broadcast %min3A_401 : i32 to vector<16xi32>
          %min3A_403 = arith.minsi %add3A_400, %min3A_402 : vector<16xi32>
          %gather3A_404 = tpu.vector_load_idx %arg12[%min3A_403] : memref<64xf32, #tpu.memory_space<vmem>>[vector<16xi32>], vector<16xf32>,
          %le3A_405 = arith.cmpf ole, %gather3A_404, %get3A_292 : vector<16xf32>
          %convert_element_type3A_406 = arith.extui %le3A_405 : vector<16xi1> to vector<16xi32>
          %add3A_407 = arith.addi %add3A_397, %convert_element_type3A_406 : vector<16xi32>
          %sub3A_408 = arith.constant 1 : i32
          %sub3A_409 = vector.broadcast %sub3A_408 : i32 to vector<16xi32>
          %sub3A_410 = arith.subi %add3A_407, %sub3A_409 : vector<16xi32>
          %max3A_411 = arith.constant 0 : i32
          %max3A_412 = vector.broadcast %max3A_411 : i32 to vector<16xi32>
          %max3A_413 = arith.maxsi %sub3A_410, %max3A_412 : vector<16xi32>
          %min3A_414 = arith.constant 62 : i32
          %min3A_415 = vector.broadcast %min3A_414 : i32 to vector<16xi32>
          %min3A_416 = arith.minsi %max3A_413, %min3A_415 : vector<16xi32>
          %gather3A_417 = tpu.vector_load_idx %arg12[%min3A_416] : memref<64xf32, #tpu.memory_space<vmem>>[vector<16xi32>], vector<16xf32>,
          %gather3A_418 = tpu.vector_load_idx %arg18[%min3A_416] : memref<64xf32, #tpu.memory_space<vmem>>[vector<16xi32>], vector<16xf32>,
          %sub3A_419 = arith.subf %get3A_292, %gather3A_417 : vector<16xf32>
          %mul3A_420 = arith.mulf %sub3A_419, %gather3A_418 : vector<16xf32>
          %mul3A_421 = arith.constant 6144 : i32
          %mul3A_422 = vector.broadcast %mul3A_421 : i32 to vector<16xi32>
          %mul3A_423 = arith.muli %min3A_324, %mul3A_422 : vector<16xi32>
          %mul3A_424 = arith.constant 64 : i32
          %mul3A_425 = vector.broadcast %mul3A_424 : i32 to vector<16xi32>
          %mul3A_426 = arith.muli %min3A_375, %mul3A_425 : vector<16xi32>
          %add3A_427 = arith.addi %mul3A_423, %mul3A_426 : vector<16xi32>
          %add3A_428 = arith.addi %add3A_427, %min3A_416 : vector<16xi32>
          %swap3A = arith.index_cast %mul3A_287 : i32 to index
          %swap3A_429 = tpu.vector_load %arg32[%swap3A] {strides = array<i32>} : memref<1024xf32, #tpu.memory_space<vmem>>, vector<16xf32>,
          tpu.vector_store %arg32[%swap3A], %mul3A_328 {strides = array<i32>} : memref<1024xf32, #tpu.memory_space<vmem>>, vector<16xf32>,
          %swap3A_430 = arith.index_cast %mul3A_287 : i32 to index
          %swap3A_431 = tpu.vector_load %arg33[%swap3A_430] {strides = array<i32>} : memref<1024xf32, #tpu.memory_space<vmem>>, vector<16xf32>,
          tpu.vector_store %arg33[%swap3A_430], %mul3A_379 {strides = array<i32>} : memref<1024xf32, #tpu.memory_space<vmem>>, vector<16xf32>,
          %swap3A_432 = arith.index_cast %mul3A_287 : i32 to index
          %swap3A_433 = tpu.vector_load %arg34[%swap3A_432] {strides = array<i32>} : memref<1024xf32, #tpu.memory_space<vmem>>, vector<16xf32>,
          tpu.vector_store %arg34[%swap3A_432], %mul3A_420 {strides = array<i32>} : memref<1024xf32, #tpu.memory_space<vmem>>, vector<16xf32>,
          %add3A_434 = arith.constant 0 : i32
          %add3A_435 = vector.broadcast %add3A_434 : i32 to vector<16xi32>
          %add3A_436 = arith.addi %add3A_428, %add3A_435 : vector<16xi32>
          %swap3A_437 = arith.index_cast %mul3A_287 : i32 to index
          %swap3A_438 = tpu.vector_load %arg36[%swap3A_437] {strides = array<i32>} : memref<1024xi32, #tpu.memory_space<vmem>>, vector<16xi32>,
          tpu.vector_store %arg36[%swap3A_437], %add3A_436 {strides = array<i32>} : memref<1024xi32, #tpu.memory_space<vmem>>, vector<16xi32>,
          %add3A_439 = arith.constant 1 : i32
          %add3A_440 = vector.broadcast %add3A_439 : i32 to vector<16xi32>
          %add3A_441 = arith.addi %add3A_428, %add3A_440 : vector<16xi32>
          %swap3A_442 = arith.index_cast %mul3A_287 : i32 to index
          %swap3A_443 = tpu.vector_load %arg37[%swap3A_442] {strides = array<i32>} : memref<1024xi32, #tpu.memory_space<vmem>>, vector<16xi32>,
          tpu.vector_store %arg37[%swap3A_442], %add3A_441 {strides = array<i32>} : memref<1024xi32, #tpu.memory_space<vmem>>, vector<16xi32>,
          %add3A_444 = arith.constant 64 : i32
          %add3A_445 = vector.broadcast %add3A_444 : i32 to vector<16xi32>
          %add3A_446 = arith.addi %add3A_428, %add3A_445 : vector<16xi32>
          %swap3A_447 = arith.index_cast %mul3A_287 : i32 to index
          %swap3A_448 = tpu.vector_load %arg38[%swap3A_447] {strides = array<i32>} : memref<1024xi32, #tpu.memory_space<vmem>>, vector<16xi32>,
          tpu.vector_store %arg38[%swap3A_447], %add3A_446 {strides = array<i32>} : memref<1024xi32, #tpu.memory_space<vmem>>, vector<16xi32>,
          %add3A_449 = arith.constant 65 : i32
          %add3A_450 = vector.broadcast %add3A_449 : i32 to vector<16xi32>
          %add3A_451 = arith.addi %add3A_428, %add3A_450 : vector<16xi32>
          %swap3A_452 = arith.index_cast %mul3A_287 : i32 to index
          %swap3A_453 = tpu.vector_load %arg39[%swap3A_452] {strides = array<i32>} : memref<1024xi32, #tpu.memory_space<vmem>>, vector<16xi32>,
          tpu.vector_store %arg39[%swap3A_452], %add3A_451 {strides = array<i32>} : memref<1024xi32, #tpu.memory_space<vmem>>, vector<16xi32>,
          %add3A_454 = arith.constant 6144 : i32
          %add3A_455 = vector.broadcast %add3A_454 : i32 to vector<16xi32>
          %add3A_456 = arith.addi %add3A_428, %add3A_455 : vector<16xi32>
          %swap3A_457 = arith.index_cast %mul3A_287 : i32 to index
          %swap3A_458 = tpu.vector_load %arg40[%swap3A_457] {strides = array<i32>} : memref<1024xi32, #tpu.memory_space<vmem>>, vector<16xi32>,
          tpu.vector_store %arg40[%swap3A_457], %add3A_456 {strides = array<i32>} : memref<1024xi32, #tpu.memory_space<vmem>>, vector<16xi32>,
          %add3A_459 = arith.constant 6145 : i32
          %add3A_460 = vector.broadcast %add3A_459 : i32 to vector<16xi32>
          %add3A_461 = arith.addi %add3A_428, %add3A_460 : vector<16xi32>
          %swap3A_462 = arith.index_cast %mul3A_287 : i32 to index
          %swap3A_463 = tpu.vector_load %arg41[%swap3A_462] {strides = array<i32>} : memref<1024xi32, #tpu.memory_space<vmem>>, vector<16xi32>,
          tpu.vector_store %arg41[%swap3A_462], %add3A_461 {strides = array<i32>} : memref<1024xi32, #tpu.memory_space<vmem>>, vector<16xi32>,
          %add3A_464 = arith.constant 6208 : i32
          %add3A_465 = vector.broadcast %add3A_464 : i32 to vector<16xi32>
          %add3A_466 = arith.addi %add3A_428, %add3A_465 : vector<16xi32>
          %swap3A_467 = arith.index_cast %mul3A_287 : i32 to index
          %swap3A_468 = tpu.vector_load %arg42[%swap3A_467] {strides = array<i32>} : memref<1024xi32, #tpu.memory_space<vmem>>, vector<16xi32>,
          tpu.vector_store %arg42[%swap3A_467], %add3A_466 {strides = array<i32>} : memref<1024xi32, #tpu.memory_space<vmem>>, vector<16xi32>,
          %add3A_469 = arith.constant 6209 : i32
          %add3A_470 = vector.broadcast %add3A_469 : i32 to vector<16xi32>
          %add3A_471 = arith.addi %add3A_428, %add3A_470 : vector<16xi32>
          %swap3A_472 = arith.index_cast %mul3A_287 : i32 to index
          %swap3A_473 = tpu.vector_load %arg43[%swap3A_472] {strides = array<i32>} : memref<1024xi32, #tpu.memory_space<vmem>>, vector<16xi32>,
          tpu.vector_store %arg43[%swap3A_472], %add3A_471 {strides = array<i32>} : memref<1024xi32, #tpu.memory_space<vmem>>, vector<16xi32>,
        }
        %scan3A_264 = arith.constant 64 : i32
        %dma_start3A_265 = arith.constant 0 : i32
        %dma_start3A_266 = tpu.memref_slice %arg19[%dma_start3A_265] : memref<393216xf32, #tpu.memory_space<vmem_shared>> -> memref<393216xf32, #tpu.memory_space<vmem_shared>>
        tpu.enqueue_indirect_dma source(%dma_start3A_266 : memref<393216xf32, #tpu.memory_space<vmem_shared>>) target(%arg44 : memref<1024xf32, #tpu.memory_space<vmem>>) offsets(%arg36 : memref<1024xi32, #tpu.memory_space<vmem>>) semaphore(%arg25 : memref<!tpu.dma_semaphore, #tpu.memory_space<semaphore_mem>>)
        %dma_start3A_267 = arith.constant 0 : i32
        %dma_start3A_268 = tpu.memref_slice %arg19[%dma_start3A_267] : memref<393216xf32, #tpu.memory_space<vmem_shared>> -> memref<393216xf32, #tpu.memory_space<vmem_shared>>
        tpu.enqueue_indirect_dma source(%dma_start3A_268 : memref<393216xf32, #tpu.memory_space<vmem_shared>>) target(%arg45 : memref<1024xf32, #tpu.memory_space<vmem>>) offsets(%arg37 : memref<1024xi32, #tpu.memory_space<vmem>>) semaphore(%arg25 : memref<!tpu.dma_semaphore, #tpu.memory_space<semaphore_mem>>)
        %dma_start3A_269 = arith.constant 0 : i32
        %dma_start3A_270 = tpu.memref_slice %arg19[%dma_start3A_269] : memref<393216xf32, #tpu.memory_space<vmem_shared>> -> memref<393216xf32, #tpu.memory_space<vmem_shared>>
        tpu.enqueue_indirect_dma source(%dma_start3A_270 : memref<393216xf32, #tpu.memory_space<vmem_shared>>) target(%arg46 : memref<1024xf32, #tpu.memory_space<vmem>>) offsets(%arg38 : memref<1024xi32, #tpu.memory_space<vmem>>) semaphore(%arg25 : memref<!tpu.dma_semaphore, #tpu.memory_space<semaphore_mem>>)
        %dma_start3A_271 = arith.constant 0 : i32
        %dma_start3A_272 = tpu.memref_slice %arg19[%dma_start3A_271] : memref<393216xf32, #tpu.memory_space<vmem_shared>> -> memref<393216xf32, #tpu.memory_space<vmem_shared>>
        tpu.enqueue_indirect_dma source(%dma_start3A_272 : memref<393216xf32, #tpu.memory_space<vmem_shared>>) target(%arg47 : memref<1024xf32, #tpu.memory_space<vmem>>) offsets(%arg39 : memref<1024xi32, #tpu.memory_space<vmem>>) semaphore(%arg25 : memref<!tpu.dma_semaphore, #tpu.memory_space<semaphore_mem>>)
        %dma_start3A_273 = arith.constant 0 : i32
        %dma_start3A_274 = tpu.memref_slice %arg19[%dma_start3A_273] : memref<393216xf32, #tpu.memory_space<vmem_shared>> -> memref<393216xf32, #tpu.memory_space<vmem_shared>>
        tpu.enqueue_indirect_dma source(%dma_start3A_274 : memref<393216xf32, #tpu.memory_space<vmem_shared>>) target(%arg48 : memref<1024xf32, #tpu.memory_space<vmem>>) offsets(%arg40 : memref<1024xi32, #tpu.memory_space<vmem>>) semaphore(%arg25 : memref<!tpu.dma_semaphore, #tpu.memory_space<semaphore_mem>>)
        %dma_start3A_275 = arith.constant 0 : i32
        %dma_start3A_276 = tpu.memref_slice %arg19[%dma_start3A_275] : memref<393216xf32, #tpu.memory_space<vmem_shared>> -> memref<393216xf32, #tpu.memory_space<vmem_shared>>
        tpu.enqueue_indirect_dma source(%dma_start3A_276 : memref<393216xf32, #tpu.memory_space<vmem_shared>>) target(%arg49 : memref<1024xf32, #tpu.memory_space<vmem>>) offsets(%arg41 : memref<1024xi32, #tpu.memory_space<vmem>>) semaphore(%arg25 : memref<!tpu.dma_semaphore, #tpu.memory_space<semaphore_mem>>)
        %dma_start3A_277 = arith.constant 0 : i32
        %dma_start3A_278 = tpu.memref_slice %arg19[%dma_start3A_277] : memref<393216xf32, #tpu.memory_space<vmem_shared>> -> memref<393216xf32, #tpu.memory_space<vmem_shared>>
        tpu.enqueue_indirect_dma source(%dma_start3A_278 : memref<393216xf32, #tpu.memory_space<vmem_shared>>) target(%arg50 : memref<1024xf32, #tpu.memory_space<vmem>>) offsets(%arg42 : memref<1024xi32, #tpu.memory_space<vmem>>) semaphore(%arg25 : memref<!tpu.dma_semaphore, #tpu.memory_space<semaphore_mem>>)
        %dma_start3A_279 = arith.constant 0 : i32
        %dma_start3A_280 = tpu.memref_slice %arg19[%dma_start3A_279] : memref<393216xf32, #tpu.memory_space<vmem_shared>> -> memref<393216xf32, #tpu.memory_space<vmem_shared>>
        tpu.enqueue_indirect_dma source(%dma_start3A_280 : memref<393216xf32, #tpu.memory_space<vmem_shared>>) target(%arg51 : memref<1024xf32, #tpu.memory_space<vmem>>) offsets(%arg43 : memref<1024xi32, #tpu.memory_space<vmem>>) semaphore(%arg25 : memref<!tpu.dma_semaphore, #tpu.memory_space<semaphore_mem>>)
      } else {
      }
      %dma_wait3A_213 = arith.constant 0 : i32
      %dma_wait3A_214 = tpu.memref_slice %arg19[%dma_wait3A_213] : memref<393216xf32, #tpu.memory_space<vmem_shared>> -> memref<393216xf32, #tpu.memory_space<vmem_shared>>
      tpu.wait_indirect_dma semaphore(%arg26 : memref<!tpu.dma_semaphore, #tpu.memory_space<semaphore_mem>>) src(%dma_wait3A_214 : memref<393216xf32, #tpu.memory_space<vmem_shared>>) dst(%arg67 : memref<1024xf32, #tpu.memory_space<vmem>>)
      %dma_wait3A_215 = arith.constant 0 : i32
      %dma_wait3A_216 = tpu.memref_slice %arg19[%dma_wait3A_215] : memref<393216xf32, #tpu.memory_space<vmem_shared>> -> memref<393216xf32, #tpu.memory_space<vmem_shared>>
      tpu.wait_indirect_dma semaphore(%arg26 : memref<!tpu.dma_semaphore, #tpu.memory_space<semaphore_mem>>) src(%dma_wait3A_216 : memref<393216xf32, #tpu.memory_space<vmem_shared>>) dst(%arg68 : memref<1024xf32, #tpu.memory_space<vmem>>)
      %dma_wait3A_217 = arith.constant 0 : i32
      %dma_wait3A_218 = tpu.memref_slice %arg19[%dma_wait3A_217] : memref<393216xf32, #tpu.memory_space<vmem_shared>> -> memref<393216xf32, #tpu.memory_space<vmem_shared>>
      tpu.wait_indirect_dma semaphore(%arg26 : memref<!tpu.dma_semaphore, #tpu.memory_space<semaphore_mem>>) src(%dma_wait3A_218 : memref<393216xf32, #tpu.memory_space<vmem_shared>>) dst(%arg69 : memref<1024xf32, #tpu.memory_space<vmem>>)
      %dma_wait3A_219 = arith.constant 0 : i32
      %dma_wait3A_220 = tpu.memref_slice %arg19[%dma_wait3A_219] : memref<393216xf32, #tpu.memory_space<vmem_shared>> -> memref<393216xf32, #tpu.memory_space<vmem_shared>>
      tpu.wait_indirect_dma semaphore(%arg26 : memref<!tpu.dma_semaphore, #tpu.memory_space<semaphore_mem>>) src(%dma_wait3A_220 : memref<393216xf32, #tpu.memory_space<vmem_shared>>) dst(%arg70 : memref<1024xf32, #tpu.memory_space<vmem>>)
      %dma_wait3A_221 = arith.constant 0 : i32
      %dma_wait3A_222 = tpu.memref_slice %arg19[%dma_wait3A_221] : memref<393216xf32, #tpu.memory_space<vmem_shared>> -> memref<393216xf32, #tpu.memory_space<vmem_shared>>
      tpu.wait_indirect_dma semaphore(%arg26 : memref<!tpu.dma_semaphore, #tpu.memory_space<semaphore_mem>>) src(%dma_wait3A_222 : memref<393216xf32, #tpu.memory_space<vmem_shared>>) dst(%arg71 : memref<1024xf32, #tpu.memory_space<vmem>>)
      %dma_wait3A_223 = arith.constant 0 : i32
      %dma_wait3A_224 = tpu.memref_slice %arg19[%dma_wait3A_223] : memref<393216xf32, #tpu.memory_space<vmem_shared>> -> memref<393216xf32, #tpu.memory_space<vmem_shared>>
      tpu.wait_indirect_dma semaphore(%arg26 : memref<!tpu.dma_semaphore, #tpu.memory_space<semaphore_mem>>) src(%dma_wait3A_224 : memref<393216xf32, #tpu.memory_space<vmem_shared>>) dst(%arg72 : memref<1024xf32, #tpu.memory_space<vmem>>)
      %dma_wait3A_225 = arith.constant 0 : i32
      %dma_wait3A_226 = tpu.memref_slice %arg19[%dma_wait3A_225] : memref<393216xf32, #tpu.memory_space<vmem_shared>> -> memref<393216xf32, #tpu.memory_space<vmem_shared>>
      tpu.wait_indirect_dma semaphore(%arg26 : memref<!tpu.dma_semaphore, #tpu.memory_space<semaphore_mem>>) src(%dma_wait3A_226 : memref<393216xf32, #tpu.memory_space<vmem_shared>>) dst(%arg73 : memref<1024xf32, #tpu.memory_space<vmem>>)
      %dma_wait3A_227 = arith.constant 0 : i32
      %dma_wait3A_228 = tpu.memref_slice %arg19[%dma_wait3A_227] : memref<393216xf32, #tpu.memory_space<vmem_shared>> -> memref<393216xf32, #tpu.memory_space<vmem_shared>>
      tpu.wait_indirect_dma semaphore(%arg26 : memref<!tpu.dma_semaphore, #tpu.memory_space<semaphore_mem>>) src(%dma_wait3A_228 : memref<393216xf32, #tpu.memory_space<vmem_shared>>) dst(%arg74 : memref<1024xf32, #tpu.memory_space<vmem>>)
      %ge3A_229 = arith.constant 1 : i32
      %ge3A_230 = arith.cmpi sge, %scan3A_127, %ge3A_229 : i32
      %convert_element_type3A_231 = arith.extui %ge3A_230 : i1 to i32
      %cond3A_232 = arith.constant 0 : i32
      %cond3A_233 = arith.cmpi ne, %convert_element_type3A_231, %cond3A_232 : i32
      scf.if %cond3A_233 {
        %dma_wait3A_247 = arith.constant 0 : i32
        %dma_wait3A_248 = tpu.memref_slice %arg9[%dma_wait3A_247] : memref<1048576xf32, #tpu.memory_space<hbm>> -> memref<1024xf32, #tpu.memory_space<hbm>>
        %dma_wait3A_249 = arith.constant 0 : i32
        %dma_wait3A_250 = tpu.memref_slice %arg9[%dma_wait3A_249] : memref<1048576xf32, #tpu.memory_space<hbm>> -> memref<1024xf32, #tpu.memory_space<hbm>>
        tpu.wait_dma2 semaphore(%arg28 : memref<!tpu.dma_semaphore, #tpu.memory_space<semaphore_mem>>) src(%arg58 : memref<1024xf32, #tpu.memory_space<vmem>>) dst(%dma_wait3A_250 : memref<1024xf32, #tpu.memory_space<hbm>>)
      } else {
      }
      %scan3A_234 = arith.constant 0 : i32
      %scan3A_235 = arith.constant 0 : i32
      %scan3A_236 = arith.constant 64 : i32
      %scan3A_237 = arith.addi %scan3A_235, %scan3A_236 : i32
      %scan3A_238 = arith.constant 1 : i32
      scf.for %scan3A_247 = %scan3A_235 to %scan3A_237 step %scan3A_238  : i32 {
        %mul3A_248 = arith.constant 1 : i32
        %mul3A_249 = arith.muli %scan3A_247, %mul3A_248 : i32
        %add3A_250 = arith.constant 0 : i32
        %add3A_251 = arith.addi %mul3A_249, %add3A_250 : i32
        %mul3A_252 = arith.constant 16 : i32
        %mul3A_253 = arith.muli %add3A_251, %mul3A_252 : i32
        %get3A = arith.index_cast %mul3A_253 : i32 to index
        %get3A_254 = tpu.vector_load %arg55[%get3A] {strides = array<i32>} : memref<1024xf32, #tpu.memory_space<vmem>>, vector<16xf32>,
        %get3A_255 = arith.index_cast %mul3A_253 : i32 to index
        %get3A_256 = tpu.vector_load %arg56[%get3A_255] {strides = array<i32>} : memref<1024xf32, #tpu.memory_space<vmem>>, vector<16xf32>,
        %get3A_257 = arith.index_cast %mul3A_253 : i32 to index
        %get3A_258 = tpu.vector_load %arg57[%get3A_257] {strides = array<i32>} : memref<1024xf32, #tpu.memory_space<vmem>>, vector<16xf32>,
        %sub3A = arith.constant 1.000000e+00 : f32
        %sub3A_259 = vector.broadcast %sub3A : f32 to vector<16xf32>
        %sub3A_260 = arith.subf %sub3A_259, %get3A_254 : vector<16xf32>
        %sub3A_261 = arith.constant 1.000000e+00 : f32
        %sub3A_262 = vector.broadcast %sub3A_261 : f32 to vector<16xf32>
        %sub3A_263 = arith.subf %sub3A_262, %get3A_256 : vector<16xf32>
        %sub3A_264 = arith.constant 1.000000e+00 : f32
        %sub3A_265 = vector.broadcast %sub3A_264 : f32 to vector<16xf32>
        %sub3A_266 = arith.subf %sub3A_265, %get3A_258 : vector<16xf32>
        %mul3A_267 = arith.mulf %sub3A_260, %sub3A_263 : vector<16xf32>
        %mul3A_268 = arith.mulf %sub3A_260, %get3A_256 : vector<16xf32>
        %mul3A_269 = arith.mulf %get3A_254, %sub3A_263 : vector<16xf32>
        %mul3A_270 = arith.mulf %get3A_254, %get3A_256 : vector<16xf32>
        %get3A_271 = arith.index_cast %mul3A_253 : i32 to index
        %get3A_272 = tpu.vector_load %arg67[%get3A_271] {strides = array<i32>} : memref<1024xf32, #tpu.memory_space<vmem>>, vector<16xf32>,
        %get3A_273 = arith.index_cast %mul3A_253 : i32 to index
        %get3A_274 = tpu.vector_load %arg68[%get3A_273] {strides = array<i32>} : memref<1024xf32, #tpu.memory_space<vmem>>, vector<16xf32>,
        %get3A_275 = arith.index_cast %mul3A_253 : i32 to index
        %get3A_276 = tpu.vector_load %arg69[%get3A_275] {strides = array<i32>} : memref<1024xf32, #tpu.memory_space<vmem>>, vector<16xf32>,
        %get3A_277 = arith.index_cast %mul3A_253 : i32 to index
        %get3A_278 = tpu.vector_load %arg70[%get3A_277] {strides = array<i32>} : memref<1024xf32, #tpu.memory_space<vmem>>, vector<16xf32>,
        %get3A_279 = arith.index_cast %mul3A_253 : i32 to index
        %get3A_280 = tpu.vector_load %arg71[%get3A_279] {strides = array<i32>} : memref<1024xf32, #tpu.memory_space<vmem>>, vector<16xf32>,
        %get3A_281 = arith.index_cast %mul3A_253 : i32 to index
        %get3A_282 = tpu.vector_load %arg72[%get3A_281] {strides = array<i32>} : memref<1024xf32, #tpu.memory_space<vmem>>, vector<16xf32>,
        %get3A_283 = arith.index_cast %mul3A_253 : i32 to index
        %get3A_284 = tpu.vector_load %arg73[%get3A_283] {strides = array<i32>} : memref<1024xf32, #tpu.memory_space<vmem>>, vector<16xf32>,
        %get3A_285 = arith.index_cast %mul3A_253 : i32 to index
        %get3A_286 = tpu.vector_load %arg74[%get3A_285] {strides = array<i32>} : memref<1024xf32, #tpu.memory_space<vmem>>, vector<16xf32>,
        %mul3A_287 = arith.mulf %mul3A_267, %get3A_272 : vector<16xf32>
        %mul3A_288 = arith.mulf %mul3A_268, %get3A_276 : vector<16xf32>
        %add3A_289 = arith.addf %mul3A_287, %mul3A_288 : vector<16xf32>
        %mul3A_290 = arith.mulf %mul3A_269, %get3A_280 : vector<16xf32>
        %add3A_291 = arith.addf %add3A_289, %mul3A_290 : vector<16xf32>
        %mul3A_292 = arith.mulf %mul3A_270, %get3A_284 : vector<16xf32>
        %add3A_293 = arith.addf %add3A_291, %mul3A_292 : vector<16xf32>
        %mul3A_294 = arith.mulf %add3A_293, %sub3A_266 : vector<16xf32>
        %mul3A_295 = arith.mulf %mul3A_267, %get3A_274 : vector<16xf32>
        %mul3A_296 = arith.mulf %mul3A_268, %get3A_278 : vector<16xf32>
        %add3A_297 = arith.addf %mul3A_295, %mul3A_296 : vector<16xf32>
        %mul3A_298 = arith.mulf %mul3A_269, %get3A_282 : vector<16xf32>
        %add3A_299 = arith.addf %add3A_297, %mul3A_298 : vector<16xf32>
        %mul3A_300 = arith.mulf %mul3A_270, %get3A_286 : vector<16xf32>
        %add3A_301 = arith.addf %add3A_299, %mul3A_300 : vector<16xf32>
        %mul3A_302 = arith.mulf %add3A_301, %get3A_258 : vector<16xf32>
        %add3A_303 = arith.addf %mul3A_294, %mul3A_302 : vector<16xf32>
        %swap3A = arith.index_cast %mul3A_253 : i32 to index
        %swap3A_304 = tpu.vector_load %arg58[%swap3A] {strides = array<i32>} : memref<1024xf32, #tpu.memory_space<vmem>>, vector<16xf32>,
        tpu.vector_store %arg58[%swap3A], %add3A_303 {strides = array<i32>} : memref<1024xf32, #tpu.memory_space<vmem>>, vector<16xf32>,
      }
      %scan3A_239 = arith.constant 64 : i32
      %add3A_240 = arith.constant 1 : i32
      %add3A_241 = arith.addi %mul3A_129, %add3A_240 : i32
      %mul3A_242 = arith.constant 1024 : i32
      %mul3A_243 = arith.muli %add3A_241, %mul3A_242 : i32
      %add3A_244 = arith.addi %mul3A_2, %mul3A_243 : i32
      %dma_start3A_245 = tpu.memref_slice %arg9[%add3A_244] : memref<1048576xf32, #tpu.memory_space<hbm>> -> memref<1024xf32, #tpu.memory_space<hbm>>
      %dma_start3A_246 = tpu.memref_slice %arg9[%add3A_244] : memref<1048576xf32, #tpu.memory_space<hbm>> -> memref<1024xf32, #tpu.memory_space<hbm>>
      tpu.enqueue_dma source(%arg58 : memref<1024xf32, #tpu.memory_space<vmem>>) target(%dma_start3A_246 : memref<1024xf32, #tpu.memory_space<hbm>>) target_semaphore(%arg28 : memref<!tpu.dma_semaphore, #tpu.memory_space<semaphore_mem>>)
    }
    %scan3A_118 = arith.constant 16 : i32
    %dma_wait3A_119 = arith.constant 0 : i32
    %dma_wait3A_120 = tpu.memref_slice %arg9[%dma_wait3A_119] : memref<1048576xf32, #tpu.memory_space<hbm>> -> memref<1024xf32, #tpu.memory_space<hbm>>
    %dma_wait3A_121 = arith.constant 0 : i32
    %dma_wait3A_122 = tpu.memref_slice %arg9[%dma_wait3A_121] : memref<1048576xf32, #tpu.memory_space<hbm>> -> memref<1024xf32, #tpu.memory_space<hbm>>
    tpu.wait_dma2 semaphore(%arg27 : memref<!tpu.dma_semaphore, #tpu.memory_space<semaphore_mem>>) src(%arg35 : memref<1024xf32, #tpu.memory_space<vmem>>) dst(%dma_wait3A_122 : memref<1024xf32, #tpu.memory_space<hbm>>)
    %dma_wait3A_123 = arith.constant 0 : i32
    %dma_wait3A_124 = tpu.memref_slice %arg9[%dma_wait3A_123] : memref<1048576xf32, #tpu.memory_space<hbm>> -> memref<1024xf32, #tpu.memory_space<hbm>>
    %dma_wait3A_125 = arith.constant 0 : i32
    %dma_wait3A_126 = tpu.memref_slice %arg9[%dma_wait3A_125] : memref<1048576xf32, #tpu.memory_space<hbm>> -> memref<1024xf32, #tpu.memory_space<hbm>>
    tpu.wait_dma2 semaphore(%arg28 : memref<!tpu.dma_semaphore, #tpu.memory_space<semaphore_mem>>) src(%arg58 : memref<1024xf32, #tpu.memory_space<vmem>>) dst(%dma_wait3A_126 : memref<1024xf32, #tpu.memory_space<hbm>>)
    return
  }
}

</mosaic_0001>

<sc_bundles>
// kernel: kernel.3.cloned.1.call-start
scs
__scs_entry_jumppad:
0x0: {  	(pc) =	sbr.rel $0x88, $3  }
0x1: {  	(tag) =	ssettag $0x0;
	lr =	simm.s32 $0x1  }
0x2: {  	[smem:$0x3F9A] =	sst lr;
	_ =	strace $0xD0000000  }
0x3: {  	_ = 	snop  }
0x4: {  	_ = 	snop  }
0x5: {  	_ = 	snop  }
0x6: {  	_ = 	snop  }
0x7: {  	_ = 	snop  }
__scs_overlays_trampoline_lowered:
0x8: {  	[smem:$0x3FA9] =	sst s0  }
0x9: {  	[smem:$0x3FAA] =	sst s1  }
0xa: {  	[smem:$0x3FAB] =	sst s2  }
0xb: {  	[smem:$0x3FAC] =	sst s3  }
0xc: {  	[smem:$0x3FAD] =	sst s4  }
0xd: {  	[smem:$0x3FAE] =	sst s5  }
0xe: {  	[smem:$0x3FAF] =	sst s6  }
0xf: {  	[smem:$0x3FB0] =	sst s7  }
0x10: {  	[smem:$0x3FB1] =	sst s8  }
0x11: {  	[smem:$0x3FB2] =	sst s9;
	s0 =	simm.s32 @!p0 $0x0  }
0x12: {  	s1 =	sld [smem:$0x3F98];
	s0 =	simm.s32 @p0 $0x1  }
0x13: {  	[smem:$0x3FB3] =	sst s0;
	s0 =	simm.s32 @!p1 $0x0  }
0x14: {  	s2 =	sld [smem:$0x3F97];
	s0 =	simm.s32 @p1 $0x1  }
0x15: {  	[smem:$0x3FB4] =	sst s0;
	s0 =	simm.s32 @!p2 $0x0  }
0x16: {  	s3 =	sld [smem:$0x3FDB];
	s0 =	simm.s32 @p2 $0x1  }
0x17: {  	s4 =	simm.s32 $0x1BF5;
	[smem:$0x3FB6] =	sst s0  }
0x18: {  	s0 =	sld [smem:$0x3F99];
	_ =	swait.ge [sflag:s4], $0x0  }
0x19: {  	s7 =	sld [smem:$0x3F9A]  }
0x1a: {  	s8 =	sadd.s32 $0xFFFFE003, lr  }
0x1b: {  	s9 =	sadd.s32 $0xFFFFFEF7, lr;
	s5 =	simm.s32 $0xFFFFFFFF;
	p2 =	slt.u32 s8, $0xFFFFF086  }
0x1c: {  	p1 =	slt.u32 s9, $0xF7A;
	s5 =	simm.s32 @!p2 $0x0  }
0x1d: {  	s5 =	simm.s32 @p1 $0x1;
	p0 =	seq.s32 s7, s2  }
0x1e: {  	s7 =	smul.u32 @!p0 $0xF7A, s2;
	p2 =	seq.s32 @!p0 s5, $0x0  }
0x1f: {  	s9 =	smul.u32 $0xF7A, s1;
	s8 =	simm.s32 @!p0 $0x1BF5;
	p2 =	por !p2, p0  }
0x20: {  	[sflag:s8] =	ssyncset.s32 @!p0 $0xFFFFF086;
	s6 =	sadd.s32 @!p0 s3, s7;
	s7 =	simm.s32 @!p0 $0x108  }
0x21: {  	s3 =	sadd.s32 s3, s9;
	s6 =	sadd.s32 @!p0 $0x88, s6;
	s7 =	simm.s32 @p2 $0x1082  }
0x22: {  	[simem:s7], [sflag:s8] =	dma.local @!p0 [hbm:s6], $0xF7A  }
0x23: {  	s9 =	sor.u32 $0xD0000000, s2;
	s6 =	simm.s32 $0x108;
	_ =	swait.ge @!p0 [sflag:s8], $0x0  }
0x24: {  	s3 =	sadd.s32 $0x88, s3;
	s6 =	simm.s32 @!p1 $0x1082;
	[sflag:s4] =	ssyncset.s32 $0xFFFFF086  }
0x25: {  	[simem:s6], [sflag:s4] =	dma.local [hbm:s3], $0xF7A  }
0x26: {  	[smem:$0x3F9A] =	sst s1;
	(tag) =	ssettag s2;
	_ =	strace s9  }
0x27: {  	s1 =	sld [smem:$0x3FAA]  }
0x28: {  	s2 =	sld [smem:$0x3FAB]  }
0x29: {  	s4 =	sld [smem:$0x3FAD]  }
0x2a: {  	p0 =	seq.s32 s5, $0x0;
	s5 =	sld [smem:$0x3FAE]  }
0x2b: {  	s6 =	sld [smem:$0x3FAF]  }
0x2c: {  	s7 =	sld [smem:$0x3FB0]  }
0x2d: {  	s3 =	simm.s32 $0x108;
	s8 =	sld [smem:$0x3FB1]  }
0x2e: {  	s3 =	simm.s32 @!p0 $0x1082;
	s9 =	sld [smem:$0x3FB2]  }
0x2f: {  	lr =	sadd.s32 s0, s3;
	s0 =	sld [smem:$0x3FA9]  }
0x30: {  	s3 =	sld [smem:$0x3FAC]  }
0x31: {  	[smem:$0x3FB5] =	sst s10  }
0x32: {  	s10 =	sld [smem:$0x3FB3];
	_ =	sdelay $0x3  }
0x33: {  	p0 =	seq.s32 s10, $0x1;
	s10 =	sld [smem:$0x3FB5];
	_ =	sdelay $0x3  }
0x34: {  	[smem:$0x3FB5] =	sst s10  }
0x35: {  	s10 =	sld [smem:$0x3FB4];
	_ =	sdelay $0x3  }
0x36: {  	p1 =	seq.s32 s10, $0x1;
	s10 =	sld [smem:$0x3FB5];
	_ =	sdelay $0x3  }
0x37: {  	[smem:$0x3FB5] =	sst s10  }
0x38: {  	s10 =	sld [smem:$0x3FB6]  }
0x39: {  	_ = 	snop;
	(pc) =	sbr.ind lr, $3  }
0x3a: {  	_ = 	snop  }
0x3b: {  	_ = 	snop  }
0x3c: {  	p2 =	seq.s32 s10, $0x1;
	s10 =	sld [smem:$0x3FB5]  }
0x3d: {  	_ =	shalt  }
0x3e: {  	_ =	shalt  }
0x3f: {  	_ =	shalt  }
0x40: {  	_ =	shalt  }
0x41: {  	_ =	shalt  }
0x42: {  	_ =	shalt  }
0x43: {  	_ =	shalt  }
0x44: {  	_ =	shalt  }
0x45: {  	_ =	shalt  }
0x46: {  	_ =	shalt  }
0x47: {  	_ =	shalt  }
0x48: {  	_ =	shalt  }
0x49: {  	_ =	shalt  }
0x4a: {  	_ =	shalt  }
0x4b: {  	_ =	shalt  }
0x4c: {  	_ =	shalt  }
0x4d: {  	_ =	shalt  }
0x4e: {  	_ =	shalt  }
0x4f: {  	_ =	shalt  }
0x50: {  	_ =	shalt  }
0x51: {  	_ =	shalt  }
0x52: {  	_ =	shalt  }
0x53: {  	_ =	shalt  }
0x54: {  	_ =	shalt  }
0x55: {  	_ =	shalt  }
0x56: {  	_ =	shalt  }
0x57: {  	_ =	shalt  }
0x58: {  	_ =	shalt  }
0x59: {  	_ =	shalt  }
0x5a: {  	_ =	shalt  }
0x5b: {  	_ =	shalt  }
0x5c: {  	_ =	shalt  }
0x5d: {  	_ =	shalt  }
0x5e: {  	_ =	shalt  }
0x5f: {  	_ =	shalt  }
0x60: {  	_ =	shalt  }
0x61: {  	_ =	shalt  }
0x62: {  	_ =	shalt  }
0x63: {  	_ =	shalt  }
0x64: {  	_ =	shalt  }
0x65: {  	_ =	shalt  }
0x66: {  	_ =	shalt  }
0x67: {  	_ =	shalt  }
0x68: {  	_ =	shalt  }
0x69: {  	_ =	shalt  }
0x6a: {  	_ =	shalt  }
0x6b: {  	_ =	shalt  }
0x6c: {  	_ =	shalt  }
0x6d: {  	_ =	shalt  }
0x6e: {  	_ =	shalt  }
0x6f: {  	_ =	shalt  }
0x70: {  	_ =	shalt  }
0x71: {  	_ =	shalt  }
0x72: {  	_ =	shalt  }
0x73: {  	_ =	shalt  }
0x74: {  	_ =	shalt  }
0x75: {  	_ =	shalt  }
0x76: {  	_ =	shalt  }
0x77: {  	_ =	shalt  }
0x78: {  	_ =	shalt  }
0x79: {  	_ =	shalt  }
0x7a: {  	_ =	shalt  }
0x7b: {  	_ =	shalt  }
0x7c: {  	_ =	shalt  }
0x7d: {  	_ =	shalt  }
0x7e: {  	_ =	shalt  }
0x7f: {  	_ =	shalt  }
0x80: {  	_ =	shalt  }
0x81: {  	_ =	shalt  }
0x82: {  	_ =	shalt  }
0x83: {  	_ =	shalt  }
0x84: {  	_ =	shalt  }
0x85: {  	_ =	shalt  }
0x86: {  	_ =	shalt  }
0x87: {  	_ =	shalt  }
.Lfunc_end0:
.L_simem_size_0:
called_computation_lowered:
.L_overlay_start_0:
0x88: {  	s2 =	sld [smem:$0x3FD9]  }
0x89: {  	s3 =	sld [smem:$0x3FFE];
	_ =	sdelay $0x1  }
0x8a: {  	s1 =	srdreg.scid  }
0x8b: {  	s0 =	sand.u32 $0x1, s1  }
0x8c: {  	s17 =	sshll.u32 s0, $0xA;
	s2 =	sadd.s32 s3, s2  }
0x8d: {  	s2 =	sadd.s32 s2, s17  }
0x8e: {  	[smem:$0x3FC1] =	sst s2  }
0x8f: {  	_ = 	snop  }
0x90: {  	s2 =	sld [smem:$0x3FC9]  }
0x91: {  	s18 =	sld [smem:$0x3FC8]  }
0x92: {  	s4 =	sld [smem:$0x3FC7]  }
0x93: {  	s5 =	sld [smem:$0x3FC6]  }
0x94: {  	s6 =	sld [smem:$0x3FC5]  }
0x95: {  	s7 =	sld [smem:$0x3FC4]  }
0x96: {  	s8 =	sld [smem:$0x3FD0];
	(tm) =	ssettm $0x1  }
0x97: {  	s9 =	sld [smem:$0x3FFB];
	_ =	sdelay $0x3  }
0x98: {  	_ =	strace s9  }
0x99: {  	s9 =	sld [smem:$0x3FFC];
	_ =	sdelay $0x3  }
0x9a: {  	_ =	strace s9  }
0x9b: {  	s9 =	sld [smem:$0x3FFD];
	_ =	sdelay $0x3  }
0x9c: {  	_ =	strace s9  }
0x9d: {  	_ =	strace $0x8FFFFFFF  }
0x9e: {  	s19 =	sld [smem:$0x3FDB];
	_ =	sdelay $0x1  }
0x9f: {  	s10 =	simm.s32 $_scs_section_size  }
0xa0: {  	s11 =	simm.s32 $_size__tile_overlayer_lowered;
	s12 =	simm.s32 $_tile_overlayer_lowered  }
0xa1: {  	s22 =	simm.s32 $0x1BFF;
	s21 =	sshll.u32 s12, $0x1;
	s9 =	sadd.s32 s10, s19  }
0xa2: {  	s13 =	simm.s32 $0x0;
	s20 =	sshll.u32 s11, $0x1;
	s11 =	sadd.s32 s21, s9  }
0xa3: {  	[timem:s13], [sflag:s22] =	dma.local [hbm:s11], s20  }
0xa4: {  	_ =	swait.ge [sflag:s22], s20  }
0xa5: {  	s10 =	ssub.s32 $0x0, s20;
	[sflag:s22] =	ssyncset.done $0x0  }
0xa6: {  	[sflag:s22] =	ssyncadd.s32 s10;
	_ =	sdelay $0x1  }
0xa7: {  	s23 =	simm.s32 $0x1B8B  }
0xa8: {  	_ =	swait.ge [sflag:s23], $0x1  }
0xa9: {  	[sflag:s23] =	ssyncset.done $0x0  }
0xaa: {  	s25 =	simm.s32 $0x1B8E;
	s24 =	sld [smem:$0x3FFE];
	[sflag:s23] =	ssyncadd.s32 $0xFFFFFFFF  }
0xab: {  	s26 =	simm.s32 $execute0_lowered;
	[smem:$0x3FD2] =	sst s25  }
0xac: {  	s11 =	sshll.u32 s26, $0x1;
	_ =	strace $0x80000046;
	[dreg:$0x1] =	wrdreg $0xFFFFFFFF  }
0xad: {  	s28 =	simm.s32 $_size_execute0_lowered;
	s9 =	sadd.s32 s9, s11;
	[dreg:$0x0] =	wrdreg $0x0  }
0xae: {  	s11 =	sshll.u32 s28, $0x1;
	[dreg:$0x2] =	wrdreg s9  }
0xaf: {  	[dreg:$0x3] =	wrdreg s11  }
0xb0: {  	[dreg:$0x4] =	wrdreg $0xC0  }
0xb1: {  	_ =	task [dreg:s13], $0x5FFFF  }
0xb2: {  	[dreg:$0x1] =	wrdreg $0xFFFFFFFF  }
0xb3: {  	[dreg:$0x0] =	wrdreg $0x60  }
0xb4: {  	[dreg:$0x2] =	wrdreg s2  }
0xb5: {  	[dreg:$0x3] =	wrdreg s18  }
0xb6: {  	[dreg:$0x4] =	wrdreg s4  }
0xb7: {  	[dreg:$0x5] =	wrdreg s5  }
0xb8: {  	[dreg:$0x6] =	wrdreg s6  }
0xb9: {  	[dreg:$0x7] =	wrdreg s7  }
0xba: {  	[dreg:$0x8] =	wrdreg s24  }
0xbb: {  	[dreg:$0x9] =	wrdreg s8  }
0xbc: {  	[dreg:$0xa] =	wrdreg $0x36000  }
0xbd: {  	[dreg:$0xb] =	wrdreg $0x96000  }
0xbe: {  	[dreg:$0xc] =	wrdreg $0x97100  }
0xbf: {  	[dreg:$0xd] =	wrdreg $0x98200  }
0xc0: {  	[dreg:$0xe] =	wrdreg $0x9  }
0xc1: {  	_ =	task.clear_ibuf [dreg:s13], $0xFFFFF;
	_ =	strace $0x90000046  }
0xc2: {  	s29 =	simm.s32 $0x9;
	_ =	strace $0x80000048  }
0xc3: {  	_ =	swait.ge [sflag:s29], $0x1  }
0xc4: {  	[sflag:s29] =	ssyncadd.s32 $0xFFFFFFFF  }
0xc5: {  	_ =	strace $0x90000048  }
0xc6: {  	_ =	sfence  }
0xc7: {  	s30 =	sld [smem:$0x0];
	_ =	sdelay $0x2  }
0xc8: {  	s31 =	sshll.u32 s1, $0xD;
	s1 =	sshrl.u32 s1, $0x2  }
0xc9: {  	s3 =	sand.u32 $0x4000, s31;
	s1 =	sadd.s32 s1, s30  }
0xca: {  	s0 =	sor.u32 s3, s0;
	s1 =	sshll.u32 s1, $0x11  }
0xcb: {  	s0 =	sor.u32 s1, s0  }
0xcc: {  	s0 =	sadd.s32 $0x8F2B, s0  }
0xcd: {  	[sflag:s0] =	ssyncadd.remote.s32 $0x1  }
0xce: {  	_ =	sfence.sel $0xFFFF  }
0xcf: {  	[dreg:$0x0] =	wrdreg $0xFFFFFFFF;
	(pc) =	sbr.abs _section_cstart, $3  }
0xd0: {  	[dreg:$0x1] =	wrdreg $0xFFFFFFFF  }
0xd1: {  	_ =	task.clear_ibuf [dreg:s13], $0x2FFFF;
	_ =	strace $0x9FFFFFFF  }
0xd2: {  	(tm) =	ssettm $0x7FFFFFFF  }
0xd3: {  	_ =	shalt  }
tec
execute0_lowered:
.L_overlay_start_1:
0x0: {  	(tag) =	ssettag $0x1  }
0x1: {  	s0 =	rddreg [dreg:$0x0]  }
0x2: {  	s1 =	rddreg [dreg:$0x1]  }
0x3: {  	s2 =	rddreg [dreg:$0x2]  }
0x4: {  	s3 =	rddreg [dreg:$0x6]  }
0x5: {  	s7 =	rddreg [dreg:$0x7]  }
0x6: {  	s9 =	rddreg [dreg:$0x8]  }
0x7: {  	s12 =	rddreg [dreg:$0x9]  }
0x8: {  	s15 =	rddreg [dreg:$0xa]  }
0x9: {  	s17 =	rddreg [dreg:$0xb];
	s11 =	stileid.u32  }
0xa: {  	s13 =	simm.s32 $0x0;
	s5 =	srdreg.scid;
	s29 =	simm.s32 $0x7  }
0xb: {  	s4 =	smul.u32 $0x6000, s11;
	[smem:$0x7FF] =	sst s13;
	s5 =	sand.u32 $0x1, s5  }
0xc: {  	s10 =	sshll.u32 s11, $0x10;
	s28 =	smul.u32 $0x110, s11;
	_ =	strace $0x80000047  }
0xd: {  	s8 =	ssub.s32 $0x2, s5;
	s5 =	sshll.u32 s5, $0xF;
	s6 =	sshrl.u32 s4, $0x3  }
0xe: {  	s24 =	sshrl.u32 s8, $0x1;
	s14 =	sor.u32 s5, s10;
	s4 =	sadd.s32 s4, s9  }
0xf: {  	s10 =	smul.u32 $0x440, s11;
	s23 =	sadd.s32 s28, s12;
	s5 =	simm.s32 $0x80  }
0x10: {  	s12 =	simm.s32 $0x1280;
	[dreg:$0xe] =	wrdreg s28;
	s3 =	sadd.s32 s6, s3  }
0x11: {  	s25 =	ssub.s32 s8, s24;
	s26 =	sshrl.u32 s14, $0x3;
	s20 =	sshrl.u32 s4, $0x3  }
0x12: {  	[dreg:$0x17] =	wrdreg s23;
	s24 =	sadd.s32 $0x180, s28;
	s23 =	simm.s32 $0x4  }
0x13: {  	s3 =	sadd.s32 $0x400, s3;
	s30 =	sadd.s32 s1, s26;
	[dreg:$0x16] =	wrdreg s20  }
0x14: {  	v1 =	vlaneseq.u32;
	v2 =	vimm.s32 $0x1F;
	s31 =	sadd.s32 s2, s26;
	s8 =	sor.u32 $0x80, s26;
	[dreg:$0x18] =	wrdreg s24  }
0x15: {  	v3 =	vimm.s32 $0x3F;
	v4 =	vimm.s32 $0x40;
	v11 =	vimm.s32 $0x3C3B3A39;
	s6 =	sadd.s32 s0, s26;
	s18 =	smax.u32 s25, $0x1;
	[dreg:$0xd] =	wrdreg s3  }
0x16: {  	v12 =	vimm.s32 $0x3F3F3E3D;
	v9 =	vimm.s32 $0x0;
	v13 =	vimm.s32 $0x34333231;
	s19 =	sshrl.u32 s10, $0x2;
	s25 =	sadd.s32 s28, s15;
	[dreg:$0xf] =	wrdreg s30  }
0x17: {  	v16 =	vimm.s32 $0x5C5B5A59;
	vm0 =	vcmask $0x1F10;
	v17 =	vimm.s32 $0x5F5F5E5D;
	s26 =	sadd.s32 $0x1280, s28;
	s10 =	simm.s32 $0x100;
	[dreg:$0x10] =	wrdreg s31  }
0x18: {  	v18 =	vimm.s32 $0x58575655;
	v6 =	vor.u32 $0x10, v1;
	v8 =	vadd.s32 $0x11, v1;
	s15 =	simm.s32 $0x1;
	s20 =	simm.s32 $0x400;
	[dreg:$0x11] =	wrdreg s6  }
0x19: {  	v10 =	vor.u32 $0x20, v1;
	v14 =	vunpack.c.0.s8.s32 v11;
	v12 =	vunpack.c.0.s8.s32 v12;
	s24 =	simm.s32 $0x10D30;
	s11 =	sadd.s32 s1, s8;
	[dreg:$0x15] =	wrdreg s18  }
0x1a: {  	v11 =	vimm.s32 $0x38373635;
	v13 =	vunpack.c.0.s8.s32 v13;
	v16 =	vunpack.c.0.s8.s32 v16;
	s16 =	sadd.s32 s2, s8;
	s3 =	sadd.s32 s0, s8;
	[dreg:$0x19] =	wrdreg s25  }
0x1b: {  	v17 =	vunpack.c.0.s8.s32 v17;
	v18 =	vunpack.c.0.s8.s32 v18;
	v15 =	vunpack.c.0.s8.s32 v11;
	s21 =	sadd.s32 $0x1280, s19;
	s22 =	sadd.s32 $0x2380, s19;
	[dreg:$0x1a] =	wrdreg s26  }
0x1c: {  	v11 =	vadd.s32 $0x1, v1;
	v14 =	vsel vm0, v12, v14;
	v12 =	vadd.s32 $0x21, v1;
	s30 =	sadd.s32 s28, s17;
	s31 =	sadd.s32 $0x2380, s28;
	[dreg:$0x12] =	wrdreg s11  }
0x1d: {  	v20 =	vsel vm0, v17, v16;
	v13 =	vsel vm0, v15, v13;
	v15 =	vimm.s32 $0x54535251;
	s6 =	sor.u32 $0x800, s14;
	s8 =	simm.s32 $0x2380;
	[dreg:$0x13] =	wrdreg s16  }
0x1e: {  	v16 =	vor.u32 $0x40, v1;
	v17 =	vadd.s32 $0x41, v1;
	v19 =	vunpack.c.0.s8.s32 v15;
	s17 =	simm.s32 $0x3480;
	s18 =	simm.s32 $0x3500;
	[dreg:$0x14] =	wrdreg s3  }
0x1f: {  	v13 =	vcombine.low v13, v14;
	v14 =	vor.u32 $0x30, v1;
	v15 =	vadd.s32 $0x31, v1;
	s26 =	simm.s32 $0x2;
	s16 =	sadd.s32 $0x180, s19;
	[dreg:$0x1b] =	wrdreg s30  }
0x20: {  	[dreg:$0x1c] =	wrdreg s31;
	s3 =	sor.u32 $0xC00, s14;
	s11 =	simm.s32 $0x180;
	v5 =	vmov s21;
	v7 =	vmov s22;
	v18 =	vsel vm0, v18, v19  }
0x21: {  	s19 =	simm.s32 $0x3580;
	s21 =	simm.s32 $0x3;
	v19 =	vor.u32 $0x50, v1;
	s22 =	simm.s32 $0x0;
	v0 =	vmov s16;
	v18 =	vcombine.low v18, v20  }
.LBB2_1:
0x22: {  	[dreg:$0x1d] =	wrdreg s22  }
0x23: {  	s4 =	rddreg [dreg:$0x3]  }
0x24: {  	[tilespmem:s13], [sflag:$0x7] =	stream.linear.gather [hbm4b:s4+s13], $0x80, $0x38;
	[tilespmem:$0x15130] =	vst v63  }
0x25: {  	_ =	swait.ge [sflag:s29], $0x80  }
0x26: {  	[sflag:s29] =	ssyncset.done $0x0  }
0x27: {  	[sflag:s29] =	ssyncadd.s32 $0xFFFFFF80  }
0x28: {  	s22 =	rddreg [dreg:$0x4]  }
0x29: {  	[tilespmem:s5], [sflag:$0x7] =	stream.linear.gather [hbm4b:s22+s13], $0x80, $0x38;
	[tilespmem:$0x15130] =	vst v63  }
0x2a: {  	_ =	swait.ge [sflag:s29], $0x80  }
0x2b: {  	[sflag:s29] =	ssyncset.done $0x0  }
0x2c: {  	[sflag:s29] =	ssyncadd.s32 $0xFFFFFF80  }
0x2d: {  	s25 =	rddreg [dreg:$0x5]  }
0x2e: {  	[tilespmem:s10], [sflag:$0x7] =	stream.linear.gather [hbm4b:s25+s13], $0x80, $0x38;
	[tilespmem:$0x15130] =	vst v63  }
0x2f: {  	s30 =	stileid.u32;
	_ =	swait.ge [sflag:s29], $0x80  }
0x30: {  	s4 =	sshll.u32 s30, $0x6;
	[sflag:s29] =	ssyncset.done $0x0;
	s16 =	rddreg [dreg:$0xd]  }
0x31: {  	s4 =	sor.u32 $0x1C07, s4;
	s31 =	rddreg [dreg:$0x16];
	[sflag:s29] =	ssyncadd.s32 $0xFFFFFF80  }
0x32: {  	[spmem:s31], [sflag:s4] =	dma.local [hbm:s16], $0xC00  }
0x33: {  	_ =	swait.ge [sflag:s29], $0xC00  }
0x34: {  	[sflag:s29] =	ssyncset.done $0x0  }
0x35: {  	s22 =	simm.s32 $0x0;
	s16 =	smov.u32 s28;
	[sflag:s29] =	ssyncadd.s32 $0xFFFFF400  }
.LBB2_2:
0x36: {  	s4 =	simm.s32 $0x0  }
0x37: {  	v20 =	vor.u32 s16, v1;
	v21 =	vld.idx.msk [tilespmem:v2+s4+$0x0], $0xffff  }
0x38: {  	v20 =	vcvt.s32.f32 v20;
	_ =	sdelay $0x1  }
0x39: {  	v20 =	vmul.f32 $2.441406250e-04, v20;
	_ =	sdelay $0x1  }
0x3a: {  	vm0 =	vle.f32 v21, v20  }
0x3b: {  	v21 =	vsel vm0, $0x20, v9  }
0x3c: {  	v22 =	vor.u32 $0xF, v21;
	_ =	sdelay $0x4  }
0x3d: {  	v22 =	vld.idx.msk [tilespmem:v22+s4+$0x0], $0xffff;
	_ =	sdelay $0x4  }
0x3e: {  	v23 =	vor.u32 $0x10, v21;
	vm10 =	vle.f32 v22, v20  }
0x3f: {  	v21 =	vsel vm10, v23, v21  }
0x40: {  	v60 =	vor.u32 $0x7, v21;
	_ =	sdelay $0x4  }
0x41: {  	v22 =	vld.idx.msk [tilespmem:v60+s4+$0x0], $0xffff;
	_ =	sdelay $0x4  }
0x42: {  	v23 =	vor.u32 $0x8, v21;
	vm11 =	vle.f32 v22, v20  }
0x43: {  	v21 =	vsel vm11, v23, v21  }
0x44: {  	v61 =	vor.u32 $0x3, v21;
	_ =	sdelay $0x4  }
0x45: {  	v22 =	vld.idx.msk [tilespmem:v61+s4+$0x0], $0xffff;
	_ =	sdelay $0x4  }
0x46: {  	v23 =	vor.u32 $0x4, v21;
	vm12 =	vle.f32 v22, v20  }
0x47: {  	v21 =	vsel vm12, v23, v21  }
0x48: {  	v62 =	vmin.u32 v21, $0x3E  }
0x49: {  	v22 =	vadd.s32 $0x1, v62;
	_ =	sdelay $0x4  }
0x4a: {  	v22 =	vld.idx.msk [tilespmem:v22+s4+$0x0], $0xffff;
	_ =	sdelay $0x4  }
0x4b: {  	vm1 =	vlt.u32 v21, $0x3E;
	vm13 =	vle.f32 v22, v20  }
0x4c: {  	v63 =	vadd.s32 $0x2, v21;
	vm0 =	vmand vm13, vm1  }
0x4d: {  	v21 =	vsel vm0, v63, v21  }
0x4e: {  	v22 =	vmin.u32 v21, $0x3F;
	_ =	sdelay $0x4  }
0x4f: {  	v22 =	vld.idx.msk [tilespmem:v22+s4+$0x0], $0xffff;
	_ =	sdelay $0x3  }
0x50: {  	p0 =	sne.s32 s22, $0x400  }
.Ltmp0:
0x51: {  	vm15 =	vlt.u32 v21, $0x3F;
	vm14 =	vle.f32 v22, v20;
	(pc) =	sbr.rel @p0 .LBB2_2-.Ltmp0, $4  }
0x52: {  	vm0 =	vmand vm14, vm15  }
0x53: {  	v20 =	vsel vm0, $0x1, v9  }
0x54: {  	s25 =	sshra.s32 s22, $0x2;
	v20 =	vadd.s32 v20, v21  }
0x55: {  	s16 =	sadd.s32 $0x10, s16;
	s22 =	sadd.s32 $0x40, s22;
	[tilespmem:v0+s25+$0x0 ss:$0x1] =	vst.idx.msk $0xffff, v20  }
0x56: {  	s16 =	smov.u32 s28;
	s22 =	simm.s32 $0x0  }
.LBB2_4:
0x57: {  	v20 =	vor.u32 s16, v1;
	v21 =	vld.idx.msk [tilespmem:v3+s5+$0x0], $0xffff  }
0x58: {  	v20 =	vcvt.s32.f32 v20;
	_ =	sdelay $0x1  }
0x59: {  	v20 =	vmul.f32 $2.441406250e-04, v20;
	_ =	sdelay $0x1  }
0x5a: {  	vm0 =	vle.f32 v21, v20  }
0x5b: {  	vm0 =	vmneg vm0  }
0x5c: {  	v58 =	vsel vm0, $0x0, v4  }
0x5d: {  	v22 =	vor.u32 $0x1F, v58;
	_ =	sdelay $0x4  }
0x5e: {  	v22 =	vld.idx.msk [tilespmem:v22+s5+$0x0], $0xffff;
	_ =	sdelay $0x4  }
0x5f: {  	v21 =	vor.u32 $0x20, v58;
	vm1 =	vle.f32 v22, v20  }
0x60: {  	v21 =	vnsel vm1, $0x0, v21  }
0x61: {  	v21 =	vnsel vm0, $0x40, v21  }
0x62: {  	v59 =	vor.u32 $0xF, v21  }
0x63: {  	v22 =	vmin.u32 v59, $0x5F;
	_ =	sdelay $0x4  }
0x64: {  	v22 =	vld.idx.msk [tilespmem:v22+s5+$0x0], $0xffff;
	_ =	sdelay $0x4  }
0x65: {  	vm7 =	vne.s32 v21, $0x60;
	vm6 =	vle.f32 v22, v20  }
0x66: {  	v60 =	vor.u32 $0x10, v21;
	vm0 =	vmand vm6, vm7  }
0x67: {  	v21 =	vsel vm0, v60, v21  }
0x68: {  	v22 =	vor.u32 $0x7, v21  }
0x69: {  	v22 =	vmin.u32 v22, $0x5F;
	_ =	sdelay $0x4  }
0x6a: {  	v22 =	vld.idx.msk [tilespmem:v22+s5+$0x0], $0xffff;
	_ =	sdelay $0x4  }
0x6b: {  	vm9 =	vlt.u32 v21, $0x60;
	vm8 =	vle.f32 v22, v20  }
0x6c: {  	v61 =	vor.u32 $0x8, v21;
	vm0 =	vmand vm8, vm9  }
0x6d: {  	v21 =	vsel vm0, v61, v21  }
0x6e: {  	v22 =	vmin.u32 v21, $0x5C  }
0x6f: {  	v22 =	vadd.s32 $0x3, v22;
	_ =	sdelay $0x4  }
0x70: {  	v22 =	vld.idx.msk [tilespmem:v22+s5+$0x0], $0xffff;
	_ =	sdelay $0x4  }
0x71: {  	vm11 =	vlt.u32 v21, $0x5C;
	vm10 =	vle.f32 v22, v20  }
0x72: {  	v62 =	vadd.s32 $0x4, v21;
	vm0 =	vmand vm10, vm11  }
0x73: {  	v21 =	vsel vm0, v62, v21  }
0x74: {  	v22 =	vmin.u32 v21, $0x5E  }
0x75: {  	v22 =	vadd.s32 $0x1, v22;
	_ =	sdelay $0x4  }
0x76: {  	v22 =	vld.idx.msk [tilespmem:v22+s5+$0x0], $0xffff;
	_ =	sdelay $0x4  }
0x77: {  	vm13 =	vlt.u32 v21, $0x5E;
	vm12 =	vle.f32 v22, v20  }
0x78: {  	v63 =	vadd.s32 $0x2, v21;
	vm0 =	vmand vm12, vm13  }
0x79: {  	v21 =	vsel vm0, v63, v21  }
0x7a: {  	v22 =	vmin.u32 v21, $0x5F;
	_ =	sdelay $0x4  }
0x7b: {  	v22 =	vld.idx.msk [tilespmem:v22+s5+$0x0], $0xffff;
	_ =	sdelay $0x3  }
0x7c: {  	p0 =	sne.s32 s22, $0x400  }
.Ltmp1:
0x7d: {  	vm15 =	vlt.u32 v21, $0x5F;
	vm14 =	vle.f32 v22, v20;
	(pc) =	sbr.rel @p0 .LBB2_4-.Ltmp1, $4  }
0x7e: {  	vm0 =	vmand vm14, vm15  }
0x7f: {  	v20 =	vsel vm0, $0x1, v9  }
0x80: {  	s25 =	sshra.s32 s22, $0x2;
	v20 =	vadd.s32 v20, v21  }
0x81: {  	s16 =	sadd.s32 $0x10, s16;
	s22 =	sadd.s32 $0x40, s22;
	[tilespmem:v5+s25+$0x0 ss:$0x1] =	vst.idx.msk $0xffff, v20  }
0x82: {  	s16 =	smov.u32 s28  }
.LBB2_6:
0x83: {  	v20 =	vor.u32 s16, v1;
	v21 =	vld.idx.msk [tilespmem:v2+s10+$0x0], $0xffff  }
0x84: {  	v20 =	vcvt.s32.f32 v20;
	_ =	sdelay $0x1  }
0x85: {  	v20 =	vmul.f32 $2.441406250e-04, v20;
	_ =	sdelay $0x1  }
0x86: {  	vm0 =	vle.f32 v21, v20  }
0x87: {  	v21 =	vsel vm0, $0x20, v9  }
0x88: {  	v22 =	vor.u32 $0xF, v21;
	_ =	sdelay $0x4  }
0x89: {  	v22 =	vld.idx.msk [tilespmem:v22+s10+$0x0], $0xffff;
	_ =	sdelay $0x4  }
0x8a: {  	v23 =	vor.u32 $0x10, v21;
	vm10 =	vle.f32 v22, v20  }
0x8b: {  	v21 =	vsel vm10, v23, v21  }
0x8c: {  	v60 =	vor.u32 $0x7, v21;
	_ =	sdelay $0x4  }
0x8d: {  	v22 =	vld.idx.msk [tilespmem:v60+s10+$0x0], $0xffff;
	_ =	sdelay $0x4  }
0x8e: {  	v23 =	vor.u32 $0x8, v21;
	vm11 =	vle.f32 v22, v20  }
0x8f: {  	v21 =	vsel vm11, v23, v21  }
0x90: {  	v61 =	vor.u32 $0x3, v21;
	_ =	sdelay $0x4  }
0x91: {  	v22 =	vld.idx.msk [tilespmem:v61+s10+$0x0], $0xffff;
	_ =	sdelay $0x4  }
0x92: {  	v23 =	vor.u32 $0x4, v21;
	vm12 =	vle.f32 v22, v20  }
0x93: {  	v21 =	vsel vm12, v23, v21  }
0x94: {  	v62 =	vmin.u32 v21, $0x3E  }
0x95: {  	v22 =	vadd.s32 $0x1, v62;
	_ =	sdelay $0x4  }
0x96: {  	v22 =	vld.idx.msk [tilespmem:v22+s10+$0x0], $0xffff;
	_ =	sdelay $0x4  }
0x97: {  	vm1 =	vlt.u32 v21, $0x3E;
	vm13 =	vle.f32 v22, v20  }
0x98: {  	v63 =	vadd.s32 $0x2, v21;
	vm0 =	vmand vm13, vm1  }
0x99: {  	v21 =	vsel vm0, v63, v21  }
0x9a: {  	v22 =	vmin.u32 v21, $0x3F;
	_ =	sdelay $0x4  }
0x9b: {  	v22 =	vld.idx.msk [tilespmem:v22+s10+$0x0], $0xffff;
	_ =	sdelay $0x3  }
0x9c: {  	p0 =	sne.s32 s4, $0x400  }
.Ltmp2:
0x9d: {  	vm15 =	vlt.u32 v21, $0x3F;
	vm14 =	vle.f32 v22, v20;
	(pc) =	sbr.rel @p0 .LBB2_6-.Ltmp2, $4  }
0x9e: {  	vm0 =	vmand vm14, vm15  }
0x9f: {  	v20 =	vsel vm0, $0x1, v9  }
0xa0: {  	s22 =	sshra.s32 s4, $0x2;
	v20 =	vadd.s32 v20, v21  }
0xa1: {  	s16 =	sadd.s32 $0x10, s16;
	s4 =	sadd.s32 $0x40, s4;
	[tilespmem:v7+s22+$0x0 ss:$0x1] =	vst.idx.msk $0xffff, v20  }
0xa2: {  	s4 =	rddreg [dreg:$0x17]  }
0xa3: {  	s16 =	rddreg [dreg:$0x18]  }
0xa4: {  	[spmem:s4] =	stream.linear.scatter [tilespmem:s16], [sflag:$0x7], $0x110, $0x38;
	[tilespmem:$0x15130] =	vst v63  }
0xa5: {  	_ =	swait.ge [sflag:s29], $0x110  }
0xa6: {  	[sflag:s29] =	ssyncset.done $0x0;
	s30 =	rddreg [dreg:$0x19]  }
0xa7: {  	s31 =	rddreg [dreg:$0x1a];
	[sflag:s29] =	ssyncadd.s32 $0xFFFFFEF0  }
0xa8: {  	[spmem:s30] =	stream.linear.scatter [tilespmem:s31], [sflag:$0x7], $0x110, $0x38;
	[tilespmem:$0x15130] =	vst v63  }
0xa9: {  	_ =	swait.ge [sflag:s29], $0x110  }
0xaa: {  	[sflag:s29] =	ssyncset.done $0x0;
	s22 =	rddreg [dreg:$0x1b]  }
0xab: {  	s25 =	rddreg [dreg:$0x1c];
	[sflag:s29] =	ssyncadd.s32 $0xFFFFFEF0  }
0xac: {  	[spmem:s22] =	stream.linear.scatter [tilespmem:s25], [sflag:$0x7], $0x110, $0x38;
	[tilespmem:$0x15130] =	vst v63  }
0xad: {  	_ =	swait.ge [sflag:s29], $0x110  }
0xae: {  	[sflag:s29] =	ssyncset.done $0x0  }
0xaf: {  	s4 =	simm.s32 $0x0;
	[sflag:s29] =	ssyncadd.s32 $0xFFFFFEF0  }
0xb0: {  	v20 =	vld.idx.msk [tilespmem:v1+s4+$0x0], $0xffff  }
0xb1: {  	v21 =	vld.idx.msk [tilespmem:v11+s4+$0x0], $0xffff;
	_ =	sdelay $0x4  }
0xb2: {  	v22 =	vsub.f32 v21, v20  }
0xb3: {  	vm0 =	vgt.f32 v21, v20  }
0xb4: {  	v20 =	vnsel vm0, $0x3F800000, v22  }
0xb5: {  	(erf) = vrcp.f32 v20;
	_ =	sdelay $0x8  }
0xb6: {  	v20 =	vpop (erf)  }
0xb7: {  	[tilespmem:$0x3480] =	vst v20  }
0xb8: {  	v20 =	vld.idx.msk [tilespmem:v6+s4+$0x0], $0xffff  }
0xb9: {  	v21 =	vld.idx.msk [tilespmem:v8+s4+$0x0], $0xffff;
	_ =	sdelay $0x4  }
0xba: {  	v22 =	vsub.f32 v21, v20  }
0xbb: {  	vm6 =	vgt.f32 v21, v20  }
0xbc: {  	v20 =	vnsel vm6, $0x3F800000, v22  }
0xbd: {  	(erf) = vrcp.f32 v20;
	_ =	sdelay $0x8  }
0xbe: {  	v20 =	vpop (erf)  }
0xbf: {  	[tilespmem:$0x3490] =	vst v20  }
0xc0: {  	v20 =	vld.idx.msk [tilespmem:v10+s4+$0x0], $0xffff  }
0xc1: {  	v21 =	vld.idx.msk [tilespmem:v12+s4+$0x0], $0xffff;
	_ =	sdelay $0x4  }
0xc2: {  	v22 =	vsub.f32 v21, v20  }
0xc3: {  	vm7 =	vgt.f32 v21, v20  }
0xc4: {  	v20 =	vnsel vm7, $0x3F800000, v22  }
0xc5: {  	(erf) = vrcp.f32 v20;
	_ =	sdelay $0x8  }
0xc6: {  	v20 =	vpop (erf)  }
0xc7: {  	[tilespmem:$0x34A0] =	vst v20  }
0xc8: {  	v20 =	vld.idx.msk [tilespmem:v14+s4+$0x0], $0xffff  }
0xc9: {  	v21 =	vld.idx.msk [tilespmem:v13+s4+$0x0], $0xffff;
	_ =	sdelay $0x4  }
0xca: {  	v22 =	vsub.f32 v21, v20  }
0xcb: {  	vm8 =	vgt.f32 v21, v20  }
0xcc: {  	v20 =	vnsel vm8, $0x3F800000, v22  }
0xcd: {  	(erf) = vrcp.f32 v20;
	_ =	sdelay $0x8  }
0xce: {  	v20 =	vpop (erf)  }
0xcf: {  	[tilespmem:$0x34B0] =	vst v20  }
0xd0: {  	v20 =	vld.idx.msk [tilespmem:v1+s5+$0x0], $0xffff  }
0xd1: {  	v21 =	vld.idx.msk [tilespmem:v11+s5+$0x0], $0xffff;
	_ =	sdelay $0x4  }
0xd2: {  	v22 =	vsub.f32 v21, v20  }
0xd3: {  	vm9 =	vgt.f32 v21, v20  }
0xd4: {  	v20 =	vnsel vm9, $0x3F800000, v22  }
0xd5: {  	(erf) = vrcp.f32 v20;
	_ =	sdelay $0x8  }
0xd6: {  	v20 =	vpop (erf)  }
0xd7: {  	[tilespmem:$0x3500] =	vst v20  }
0xd8: {  	v20 =	vld.idx.msk [tilespmem:v6+s5+$0x0], $0xffff  }
0xd9: {  	v21 =	vld.idx.msk [tilespmem:v8+s5+$0x0], $0xffff;
	_ =	sdelay $0x4  }
0xda: {  	v22 =	vsub.f32 v21, v20  }
0xdb: {  	vm10 =	vgt.f32 v21, v20  }
0xdc: {  	v20 =	vnsel vm10, $0x3F800000, v22  }
0xdd: {  	(erf) = vrcp.f32 v20;
	_ =	sdelay $0x8  }
0xde: {  	v20 =	vpop (erf)  }
0xdf: {  	[tilespmem:$0x3510] =	vst v20  }
0xe0: {  	v20 =	vld.idx.msk [tilespmem:v10+s5+$0x0], $0xffff  }
0xe1: {  	v21 =	vld.idx.msk [tilespmem:v12+s5+$0x0], $0xffff;
	_ =	sdelay $0x4  }
0xe2: {  	v22 =	vsub.f32 v21, v20  }
0xe3: {  	vm11 =	vgt.f32 v21, v20  }
0xe4: {  	v20 =	vnsel vm11, $0x3F800000, v22  }
0xe5: {  	(erf) = vrcp.f32 v20;
	_ =	sdelay $0x8  }
0xe6: {  	v20 =	vpop (erf)  }
0xe7: {  	[tilespmem:$0x3520] =	vst v20  }
0xe8: {  	v20 =	vld.idx.msk [tilespmem:v14+s5+$0x0], $0xffff  }
0xe9: {  	v21 =	vld.idx.msk [tilespmem:v15+s5+$0x0], $0xffff;
	_ =	sdelay $0x4  }
0xea: {  	v22 =	vsub.f32 v21, v20  }
0xeb: {  	vm12 =	vgt.f32 v21, v20  }
0xec: {  	v20 =	vnsel vm12, $0x3F800000, v22  }
0xed: {  	(erf) = vrcp.f32 v20;
	_ =	sdelay $0x8  }
0xee: {  	v20 =	vpop (erf)  }
0xef: {  	[tilespmem:$0x3530] =	vst v20  }
0xf0: {  	v20 =	vld.idx.msk [tilespmem:v16+s5+$0x0], $0xffff  }
0xf1: {  	v21 =	vld.idx.msk [tilespmem:v17+s5+$0x0], $0xffff;
	_ =	sdelay $0x4  }
0xf2: {  	v22 =	vsub.f32 v21, v20  }
0xf3: {  	vm13 =	vgt.f32 v21, v20  }
0xf4: {  	v20 =	vnsel vm13, $0x3F800000, v22  }
0xf5: {  	(erf) = vrcp.f32 v20;
	_ =	sdelay $0x8  }
0xf6: {  	v20 =	vpop (erf)  }
0xf7: {  	[tilespmem:$0x3540] =	vst v20  }
0xf8: {  	v20 =	vld.idx.msk [tilespmem:v19+s5+$0x0], $0xffff  }
0xf9: {  	v21 =	vld.idx.msk [tilespmem:v18+s5+$0x0], $0xffff;
	_ =	sdelay $0x4  }
0xfa: {  	v22 =	vsub.f32 v21, v20  }
0xfb: {  	vm14 =	vgt.f32 v21, v20  }
0xfc: {  	v20 =	vnsel vm14, $0x3F800000, v22  }
0xfd: {  	(erf) = vrcp.f32 v20;
	_ =	sdelay $0x8  }
0xfe: {  	v20 =	vpop (erf)  }
0xff: {  	[tilespmem:$0x3550] =	vst v20  }
0x100: {  	v20 =	vld.idx.msk [tilespmem:v1+s10+$0x0], $0xffff  }
0x101: {  	v21 =	vld.idx.msk [tilespmem:v11+s10+$0x0], $0xffff;
	_ =	sdelay $0x4  }
0x102: {  	v22 =	vsub.f32 v21, v20  }
0x103: {  	vm15 =	vgt.f32 v21, v20  }
0x104: {  	v20 =	vnsel vm15, $0x3F800000, v22  }
0x105: {  	(erf) = vrcp.f32 v20;
	_ =	sdelay $0x8  }
0x106: {  	v20 =	vpop (erf)  }
0x107: {  	[tilespmem:$0x3580] =	vst v20  }
0x108: {  	v20 =	vld.idx.msk [tilespmem:v6+s10+$0x0], $0xffff  }
0x109: {  	v21 =	vld.idx.msk [tilespmem:v8+s10+$0x0], $0xffff;
	_ =	sdelay $0x4  }
0x10a: {  	v22 =	vsub.f32 v21, v20  }
0x10b: {  	vm4 =	vgt.f32 v21, v20  }
0x10c: {  	v20 =	vnsel vm4, $0x3F800000, v22  }
0x10d: {  	(erf) = vrcp.f32 v20;
	_ =	sdelay $0x8  }
0x10e: {  	v20 =	vpop (erf)  }
0x10f: {  	[tilespmem:$0x3590] =	vst v20  }
0x110: {  	v20 =	vld.idx.msk [tilespmem:v10+s10+$0x0], $0xffff  }
0x111: {  	v21 =	vld.idx.msk [tilespmem:v12+s10+$0x0], $0xffff;
	_ =	sdelay $0x4  }
0x112: {  	v22 =	vsub.f32 v21, v20  }
0x113: {  	vm5 =	vgt.f32 v21, v20  }
0x114: {  	v20 =	vnsel vm5, $0x3F800000, v22  }
0x115: {  	(erf) = vrcp.f32 v20;
	_ =	sdelay $0x8  }
0x116: {  	v20 =	vpop (erf)  }
0x117: {  	[tilespmem:$0x35A0] =	vst v20  }
0x118: {  	v20 =	vld.idx.msk [tilespmem:v14+s10+$0x0], $0xffff  }
0x119: {  	v21 =	vld.idx.msk [tilespmem:v13+s10+$0x0], $0xffff;
	_ =	sdelay $0x4  }
0x11a: {  	v22 =	vsub.f32 v21, v20  }
0x11b: {  	vm6 =	vgt.f32 v21, v20  }
0x11c: {  	v20 =	vnsel vm6, $0x3F800000, v22  }
0x11d: {  	(erf) = vrcp.f32 v20;
	_ =	sdelay $0x8  }
0x11e: {  	v20 =	vpop (erf)  }
0x11f: {  	[tilespmem:$0x35B0] =	vst v20  }
0x120: {  	[bflag:$0x0] =	sbarrier.arrive $0xFFFF  }
0x121: {  	s30 =	rddreg [dreg:$0x9]  }
0x122: {  	[tilespmem:s11], [sflag:$0x7] =	stream.linear.gather [spmem:s30], $0x1100, $0x38;
	[tilespmem:$0x15130] =	vst v63  }
0x123: {  	_ =	swait.ge [sflag:s29], $0x1100  }
0x124: {  	[sflag:s29] =	ssyncset.done $0x0  }
0x125: {  	[sflag:s29] =	ssyncadd.s32 $0xFFFFEF00  }
0x126: {  	s31 =	rddreg [dreg:$0xa]  }
0x127: {  	[tilespmem:s12], [sflag:$0x7] =	stream.linear.gather [spmem:s31], $0x1100, $0x38;
	[tilespmem:$0x15130] =	vst v63  }
0x128: {  	_ =	swait.ge [sflag:s29], $0x1100  }
0x129: {  	[sflag:s29] =	ssyncset.done $0x0  }
0x12a: {  	[sflag:s29] =	ssyncadd.s32 $0xFFFFEF00  }
0x12b: {  	s22 =	rddreg [dreg:$0xb]  }
0x12c: {  	[tilespmem:s8], [sflag:$0x7] =	stream.linear.gather [spmem:s22], $0x1100, $0x38;
	[tilespmem:$0x15130] =	vst v63  }
0x12d: {  	_ =	swait.ge [sflag:s29], $0x1100  }
0x12e: {  	[sflag:s29] =	ssyncset.done $0x0  }
0x12f: {  	s22 =	simm.s32 $0x9930;
	s25 =	rddreg [dreg:$0xf];
	[sflag:s29] =	ssyncadd.s32 $0xFFFFEF00  }
0x130: {  	[tilespmem:s22], [sflag:$0x1] =	stream.linear.gather [hbm4b:s25+s4], $0x400, $0x38;
	[tilespmem:$0x15130] =	vst v63  }
0x131: {  	s31 =	simm.s32 $0x9D30;
	s30 =	rddreg [dreg:$0x10]  }
0x132: {  	[tilespmem:s31], [sflag:$0x1] =	stream.linear.gather [hbm4b:s30+s4], $0x400, $0x38;
	[tilespmem:$0x15130] =	vst v63  }
0x133: {  	s22 =	rddreg [dreg:$0x11];
	s25 =	simm.s32 $0xA130  }
0x134: {  	[tilespmem:s25], [sflag:$0x1] =	stream.linear.gather [hbm4b:s22+s4], $0x400, $0x38;
	[tilespmem:$0x15130] =	vst v63  }
0x135: {  	s30 =	rddreg [dreg:$0x12];
	s31 =	simm.s32 $0xF530  }
0x136: {  	[tilespmem:s31], [sflag:$0x2] =	stream.linear.gather [hbm4b:s30+s4], $0x400, $0x38;
	[tilespmem:$0x15130] =	vst v63  }
0x137: {  	s22 =	rddreg [dreg:$0x13];
	s25 =	simm.s32 $0xF930  }
0x138: {  	[tilespmem:s25], [sflag:$0x2] =	stream.linear.gather [hbm4b:s22+s4], $0x400, $0x38;
	[tilespmem:$0x15130] =	vst v63  }
0x139: {  	s30 =	rddreg [dreg:$0x14];
	s31 =	simm.s32 $0xFD30  }
0x13a: {  	[tilespmem:s31], [sflag:$0x2] =	stream.linear.gather [hbm4b:s30+s4], $0x400, $0x38;
	[tilespmem:$0x15130] =	vst v63  }
0x13b: {  	_ =	swait.ge [sflag:s15], $0x400  }
0x13c: {  	[sflag:s15] =	ssyncset.done $0x0  }
0x13d: {  	[sflag:s15] =	ssyncadd.s32 $0xFFFFFC00  }
0x13e: {  	_ =	swait.ge [sflag:s15], $0x400  }
0x13f: {  	[sflag:s15] =	ssyncset.done $0x0  }
0x140: {  	[sflag:s15] =	ssyncadd.s32 $0xFFFFFC00  }
0x141: {  	_ =	swait.ge [sflag:s15], $0x400  }
0x142: {  	[sflag:s15] =	ssyncset.done $0x0  }
0x143: {  	s28 =	simm.s32 $0x0;
	[sflag:s15] =	ssyncadd.s32 $0xFFFFFC00  }
0x144: {  	v24 =	vld [tilespmem:s28+$0xA130]  }
0x145: {  	v25 =	vld [tilespmem:s28+$0x9D30]  }
0x146: {  	v26 =	vld [tilespmem:s28+$0x9930];
	_ =	sdelay $0x2  }
0x147: {  	v20 =	vmul.f32 $4.096000000e+03, v24  }
0x148: {  	v21 =	vmul.f32 $4.096000000e+03, v25  }
0x149: {  	v22 =	vmul.f32 $4.096000000e+03, v26;
	v20 =	vtrunc.f32 v20  }
0x14a: {  	v21 =	vtrunc.f32 v21;
	v20 =	vcvt.f32.s32 v20  }
0x14b: {  	v22 =	vtrunc.f32 v22;
	v21 =	vcvt.f32.s32 v21  }
0x14c: {  	v22 =	vcvt.f32.s32 v22;
	vm7 =	vlt.s32 v20, $0xFFF  }
0x14d: {  	vm8 =	vlt.s32 v21, $0xFFF;
	v20 =	vnsel vm7, $0xFFF, v20  }
0x14e: {  	vm9 =	vlt.s32 v22, $0xFFF;
	v21 =	vnsel vm8, $0xFFF, v21  }
0x14f: {  	v22 =	vnsel vm9, $0xFFF, v22;
	_ =	sdelay $0x2  }
0x150: {  	v23 =	vld.idx.msk [tilespmem:v20+s8+$0x0], $0xffff  }
0x151: {  	v29 =	vld.idx.msk [tilespmem:v21+s12+$0x0], $0xffff  }
0x152: {  	v22 =	vld.idx.msk [tilespmem:v22+s11+$0x0], $0xffff;
	_ =	sdelay $0x2  }
0x153: {  	vm10 =	vlt.s32 v23, $0x3F  }
0x154: {  	vm1 =	vlt.s32 v29, $0x5F;
	v28 =	vnsel vm10, $0x3F, v23  }
0x155: {  	v27 =	vadd.s32 $0x1, v23;
	vm14 =	vlt.s32 v22, $0x3F;
	v31 =	vnsel vm1, $0x5F, v29  }
0x156: {  	s4 =	simm.s32 $0x10;
	v30 =	vadd.s32 $0x1, v29;
	vm11 =	vlt.s32 v27, $0x3F;
	v35 =	vnsel vm14, $0x3F, v22  }
0x157: {  	v20 =	vld [tilespmem:s4+$0x9D30];
	v32 =	vadd.s32 $0x2, v29;
	vm12 =	vlt.s32 v30, $0x5F;
	v27 =	vnsel vm11, $0x3F, v27  }
0x158: {  	v21 =	vld [tilespmem:s4+$0xA130];
	v34 =	vadd.s32 $0x1, v22;
	vm13 =	vlt.s32 v32, $0x5F;
	v30 =	vnsel vm12, $0x5F, v30  }
0x159: {  	vm15 =	vlt.s32 v34, $0x3F;
	v32 =	vnsel vm13, $0x5F, v32;
	v28 =	vld.idx.msk [tilespmem:v28+s10+$0x0], $0xffff  }
0x15a: {  	v34 =	vnsel vm15, $0x3F, v34;
	v31 =	vld.idx.msk [tilespmem:v31+s5+$0x0], $0xffff  }
0x15b: {  	v35 =	vld.idx.msk [tilespmem:v35+s13+$0x0], $0xffff  }
0x15c: {  	v37 =	vld.idx.msk [tilespmem:v27+s10+$0x0], $0xffff  }
0x15d: {  	v30 =	vld.idx.msk [tilespmem:v30+s5+$0x0], $0xffff  }
0x15e: {  	v33 =	vmul.f32 $4.096000000e+03, v20;
	v36 =	vmul.f32 $4.096000000e+03, v21;
	v32 =	vld.idx.msk [tilespmem:v32+s5+$0x0], $0xffff  }
0x15f: {  	v34 =	vld.idx.msk [tilespmem:v34+s13+$0x0], $0xffff  }
0x160: {  	v33 =	vtrunc.f32 v33;
	v61 =	vtrunc.f32 v36  }
0x161: {  	v27 =	vcvt.f32.s32 v33;
	v33 =	vcvt.f32.s32 v61;
	vm5 =	vle.f32 v28, v24  }
0x162: {  	vm8 =	vle.f32 v31, v25;
	vm11 =	vle.f32 v35, v26;
	v28 =	vsel vm5, $0x1, v9  }
0x163: {  	vm7 =	vle.f32 v37, v24;
	v31 =	vsel vm8, $0x1, v9;
	vm9 =	vle.f32 v30, v25  }
0x164: {  	vm10 =	vle.f32 v32, v25;
	vm12 =	vle.f32 v34, v26;
	v62 =	vsel vm7, $0x1, v9  }
0x165: {  	v23 =	vadd.s32 v28, v23;
	v29 =	vadd.s32 v31, v29;
	v30 =	vsel vm9, $0x1, v9  }
0x166: {  	v31 =	vsel vm10, $0x1, v9;
	v23 =	vadd.s32 v62, v23;
	v29 =	vadd.s32 v30, v29  }
0x167: {  	v30 =	vsel vm11, $0x1, v9;
	v29 =	vadd.s32 v31, v29;
	v23 =	vadd.s32 $0xFFFFFFFF, v23  }
0x168: {  	v31 =	vsel vm12, $0x1, v9;
	v29 =	vadd.s32 $0xFFFFFFFF, v29;
	vm13 =	vgt.s32 v23, $0x0  }
0x169: {  	v22 =	vadd.s32 v30, v22;
	vm14 =	vgt.s32 v29, $0x0;
	v30 =	vnsel vm13, $0x0, v23  }
0x16a: {  	v22 =	vadd.s32 v31, v22;
	v63 =	vnsel vm14, $0x0, v29;
	v29 =	vmin.u32 v30, $0x3E  }
0x16b: {  	s25 =	simm.s32 $0x20;
	vm4 =	vlt.s32 v27, $0xFFF;
	v31 =	vadd.s32 $0xFFFFFFFF, v22  }
0x16c: {  	vm6 =	vlt.s32 v33, $0xFFF;
	v27 =	vnsel vm4, $0xFFF, v27;
	v23 =	vld [tilespmem:s25+$0x9D30];
	vm15 =	vgt.s32 v31, $0x0  }
0x16d: {  	s29 =	simm.s32 $0xC0;
	v28 =	vnsel vm6, $0xFFF, v33;
	v22 =	vld [tilespmem:s25+$0xA130];
	v30 =	vmin.u32 v63, $0x5E;
	v31 =	vnsel vm15, $0x0, v31  }
.LBB2_8:
0x16e: {  	p0 =	sne.s32 s29, $0xFC0;
	v31 =	vmin.u32 v31, $0x3E;
	s16 =	smov.u32 s29;
	s29 =	sadd.s32 $0x40, s29  }
0x16f: {  	v32 =	vld.idx.msk [tilespmem:v29+s10+$0x0], $0xffff;
	v33 =	vmul.u32 $0x1800, v31  }
0x170: {  	v35 =	vshll.u32 v30, $0x6;
	v34 =	vld.idx.msk [tilespmem:v29+s19+$0x0], $0xffff  }
0x171: {  	v36 =	vmul.f32 $4.096000000e+03, v23;
	v37 =	vld.idx.msk [tilespmem:v30+s5+$0x0], $0xffff;
	v33 =	vadd.s32 v33, v35  }
0x172: {  	v35 =	vmul.f32 $4.096000000e+03, v22;
	v30 =	vld.idx.msk [tilespmem:v30+s18+$0x0], $0xffff;
	v29 =	vor.u32 v33, v29  }
0x173: {  	v33 =	vld.idx.msk [tilespmem:v31+s13+$0x0], $0xffff;
	v38 =	vadd.s32 $0x1, v29;
	v39 =	vadd.s32 $0x1841, v29  }
0x174: {  	v36 =	vtrunc.f32 v36;
	v41 =	vadd.s32 $0x40, v29;
	v42 =	vadd.s32 $0x1840, v29;
	v40 =	vld [tilespmem:s4+$0x9930]  }
0x175: {  	v36 =	vcvt.f32.s32 v36;
	v35 =	vtrunc.f32 v35;
	v43 =	vadd.s32 $0x1801, v29;
	v31 =	vld.idx.msk [tilespmem:v31+s17+$0x0], $0xffff  }
0x176: {  	v44 =	vadd.s32 $0x1800, v29;
	v35 =	vcvt.f32.s32 v35;
	v32 =	vsub.f32 v24, v32;
	v24 =	vmovc v21;
	v21 =	vmovc v22;
	[tilespmem:s28+$0xC930] =	vst v43  }
0x177: {  	vm0 =	vlt.s32 v36, $0xFFF;
	v22 =	vsub.f32 v25, v37;
	v37 =	vadd.s32 $0x41, v29;
	v25 =	vmovc v20;
	v20 =	vmovc v23;
	[tilespmem:s28+$0xCD30] =	vst v42  }
0x178: {  	v23 =	vnsel vm0, $0xFFF, v36;
	vm0 =	vlt.s32 v35, $0xFFF;
	v32 =	vmul.f32 v34, v32;
	[tilespmem:s28+$0xB530] =	vst v29  }
0x179: {  	v29 =	vnsel vm0, $0xFFF, v35;
	v33 =	vsub.f32 v26, v33;
	v34 =	vmul.f32 $4.096000000e+03, v40;
	[tilespmem:s28+$0xC130] =	vst v37;
	v26 =	vmovc v40  }
0x17a: {  	v22 =	vmul.f32 v30, v22;
	[tilespmem:s28+$0xD130] =	vst v39  }
0x17b: {  	v31 =	vmul.f32 v31, v33;
	v30 =	vtrunc.f32 v34;
	[tilespmem:s28+$0xB930] =	vst v38  }
0x17c: {  	v30 =	vcvt.f32.s32 v30;
	[tilespmem:s28+$0xBD30] =	vst v41  }
0x17d: {  	[tilespmem:s28+$0xC530] =	vst v44  }
0x17e: {  	vm0 =	vlt.s32 v30, $0xFFF;
	[tilespmem:s28+$0xA530] =	vst v31  }
0x17f: {  	v30 =	vnsel vm0, $0xFFF, v30;
	[tilespmem:s28+$0xA930] =	vst v22  }
0x180: {  	[tilespmem:s28+$0xAD30] =	vst v32;
	s28 =	smov.u32 s4;
	s4 =	smov.u32 s25  }
0x181: {  	v22 =	vld.idx.msk [tilespmem:v28+s8+$0x0], $0xffff;
	v28 =	vmov v29;
	_ =	sdelay $0x1  }
0x182: {  	v29 =	vld.idx.msk [tilespmem:v27+s12+$0x0], $0xffff;
	v27 =	vmov v23  }
0x183: {  	v30 =	vld.idx.msk [tilespmem:v30+s11+$0x0], $0xffff;
	_ =	sdelay $0x2  }
0x184: {  	vm0 =	vlt.s32 v22, $0x3F;
	v23 =	vadd.s32 $0x1, v22  }
0x185: {  	v31 =	vnsel vm0, $0x3F, v22;
	vm0 =	vlt.s32 v23, $0x3F  }
0x186: {  	vm1 =	vlt.s32 v29, $0x5F;
	v32 =	vadd.s32 $0x1, v29;
	v23 =	vnsel vm0, $0x3F, v23  }
0x187: {  	vm0 =	vlt.s32 v30, $0x3F;
	v33 =	vadd.s32 $0x1, v30;
	vm2 =	vlt.s32 v32, $0x5F  }
0x188: {  	v35 =	vnsel vm1, $0x5F, v29;
	v34 =	vnsel vm0, $0x3F, v30;
	vm0 =	vlt.s32 v33, $0x3F  }
0x189: {  	v36 =	vadd.s32 $0x2, v29;
	v32 =	vnsel vm2, $0x5F, v32;
	v33 =	vnsel vm0, $0x3F, v33  }
0x18a: {  	vm0 =	vlt.s32 v36, $0x5F;
	v31 =	vld.idx.msk [tilespmem:v31+s10+$0x0], $0xffff  }
0x18b: {  	v36 =	vnsel vm0, $0x5F, v36;
	v23 =	vld.idx.msk [tilespmem:v23+s10+$0x0], $0xffff;
	_ =	sdelay $0x1  }
0x18c: {  	v35 =	vld.idx.msk [tilespmem:v35+s5+$0x0], $0xffff  }
0x18d: {  	v32 =	vld.idx.msk [tilespmem:v32+s5+$0x0], $0xffff;
	_ =	sdelay $0x1  }
0x18e: {  	vm0 =	vle.f32 v31, v24;
	v36 =	vld.idx.msk [tilespmem:v36+s5+$0x0], $0xffff  }
0x18f: {  	v31 =	vld.idx.msk [tilespmem:v34+s13+$0x0], $0xffff;
	v34 =	vsel vm0, $0x1, v9;
	vm0 =	vle.f32 v23, v24  }
0x190: {  	v23 =	vld.idx.msk [tilespmem:v33+s13+$0x0], $0xffff;
	v33 =	vsel vm0, $0x1, v9;
	v22 =	vadd.s32 v34, v22  }
0x191: {  	vm0 =	vle.f32 v35, v25;
	v22 =	vadd.s32 v33, v22  }
0x192: {  	v33 =	vsel vm0, $0x1, v9;
	vm0 =	vle.f32 v32, v25;
	v22 =	vadd.s32 $0xFFFFFFFF, v22  }
0x193: {  	v29 =	vadd.s32 v33, v29;
	vm1 =	vgt.s32 v22, $0x0  }
0x194: {  	v32 =	vsel vm0, $0x1, v9;
	vm0 =	vle.f32 v36, v25;
	v33 =	vnsel vm1, $0x0, v22  }
0x195: {  	s25 =	sshra.s32 s16, $0x2;
	v29 =	vadd.s32 v32, v29;
	vm1 =	vle.f32 v31, v26;
	v31 =	vsel vm0, $0x1, v9  }
0x196: {  	v32 =	vsel vm1, $0x1, v9;
	vm0 =	vle.f32 v23, v26;
	v29 =	vadd.s32 v31, v29;
	v22 =	vld [tilespmem:s25+$0xA130]  }
.Ltmp3:
0x197: {  	v31 =	vsel vm0, $0x1, v9;
	v30 =	vadd.s32 v32, v30;
	v32 =	vadd.s32 $0xFFFFFFFF, v29;
	v23 =	vld [tilespmem:s25+$0x9D30];
	(pc) =	sbr.rel @p0 .LBB2_8-.Ltmp3, $4  }
0x198: {  	v29 =	vmin.u32 v33, $0x3E;
	v30 =	vadd.s32 v31, v30;
	vm0 =	vgt.s32 v32, $0x0  }
0x199: {  	v31 =	vadd.s32 $0xFFFFFFFF, v30;
	v30 =	vnsel vm0, $0x0, v32  }
0x19a: {  	vm0 =	vgt.s32 v31, $0x0;
	v30 =	vmin.u32 v30, $0x5E  }
0x19b: {  	v31 =	vnsel vm0, $0x0, v31  }
0x19c: {  	_ =	sdelay $0x3  }
0x19d: {  	v31 =	vmin.u32 v31, $0x3E;
	v32 =	vld.idx.msk [tilespmem:v29+s10+$0x0], $0xffff  }
0x19e: {  	v33 =	vld.idx.msk [tilespmem:v29+s19+$0x0], $0xffff;
	v34 =	vmul.u32 $0x1800, v31  }
0x19f: {  	v35 =	vld.idx.msk [tilespmem:v30+s5+$0x0], $0xffff;
	v36 =	vshll.u32 v30, $0x6  }
0x1a0: {  	v53 =	vld.idx.msk [tilespmem:v30+s18+$0x0], $0xffff;
	v34 =	vadd.s32 v34, v36  }
0x1a1: {  	v55 =	vor.u32 v34, v29;
	v34 =	vld [tilespmem:s4+$0x9930]  }
0x1a2: {  	v54 =	vld.idx.msk [tilespmem:v31+s13+$0x0], $0xffff  }
0x1a3: {  	v31 =	vld.idx.msk [tilespmem:v31+s17+$0x0], $0xffff;
	v37 =	vadd.s32 $0x1801, v55;
	[tilespmem:s28+$0xB530] =	vst v55  }
0x1a4: {  	v38 =	vadd.s32 $0x1840, v55;
	[tilespmem:s28+$0xC930] =	vst v37  }
0x1a5: {  	v56 =	vadd.s32 $0x41, v55;
	[tilespmem:s28+$0xCD30] =	vst v38  }
0x1a6: {  	v57 =	vadd.s32 $0x1841, v55;
	[tilespmem:s28+$0xC130] =	vst v56  }
0x1a7: {  	v58 =	vadd.s32 $0x1, v55;
	v25 =	vsub.f32 v25, v35;
	[tilespmem:s28+$0xD130] =	vst v57  }
0x1a8: {  	v59 =	vadd.s32 $0x40, v55;
	v24 =	vsub.f32 v24, v32;
	[tilespmem:s28+$0xB930] =	vst v58  }
0x1a9: {  	v29 =	vadd.s32 $0x1800, v55;
	[tilespmem:s28+$0xBD30] =	vst v59;
	v25 =	vmul.f32 v53, v25;
	v26 =	vsub.f32 v26, v54  }
0x1aa: {  	[tilespmem:s28+$0xC530] =	vst v29;
	v24 =	vmul.f32 v33, v24  }
0x1ab: {  	v60 =	vmul.f32 $4.096000000e+03, v34;
	[tilespmem:s28+$0xA930] =	vst v25;
	v26 =	vmul.f32 v31, v26  }
0x1ac: {  	[tilespmem:s28+$0xAD30] =	vst v24  }
0x1ad: {  	v61 =	vtrunc.f32 v60;
	[tilespmem:s28+$0xA530] =	vst v26  }
0x1ae: {  	v62 =	vcvt.f32.s32 v61;
	v25 =	vld.idx.msk [tilespmem:v28+s8+$0x0], $0xffff  }
0x1af: {  	v63 =	vld.idx.msk [tilespmem:v27+s12+$0x0], $0xffff  }
0x1b0: {  	vm0 =	vlt.s32 v62, $0xFFF  }
0x1b1: {  	v24 =	vnsel vm0, $0xFFF, v62;
	_ =	sdelay $0x1  }
0x1b2: {  	vm4 =	vlt.s32 v25, $0x3F  }
0x1b3: {  	v33 =	vadd.s32 $0x1, v25;
	vm6 =	vlt.s32 v63, $0x5F;
	v28 =	vnsel vm4, $0x3F, v25  }
0x1b4: {  	v35 =	vadd.s32 $0x1, v63;
	vm5 =	vlt.s32 v33, $0x3F;
	v36 =	vnsel vm6, $0x5F, v63  }
0x1b5: {  	v24 =	vld.idx.msk [tilespmem:v24+s11+$0x0], $0xffff;
	v37 =	vadd.s32 $0x2, v63;
	vm7 =	vlt.s32 v35, $0x5F;
	v27 =	vnsel vm5, $0x3F, v33  }
0x1b6: {  	vm8 =	vlt.s32 v37, $0x5F;
	v29 =	vnsel vm7, $0x5F, v35  }
0x1b7: {  	v31 =	vnsel vm8, $0x5F, v37  }
0x1b8: {  	v28 =	vld.idx.msk [tilespmem:v28+s10+$0x0], $0xffff  }
0x1b9: {  	v30 =	vld.idx.msk [tilespmem:v36+s5+$0x0], $0xffff  }
0x1ba: {  	vm1 =	vlt.s32 v24, $0x3F;
	v38 =	vadd.s32 $0x1, v24;
	v27 =	vld.idx.msk [tilespmem:v27+s10+$0x0], $0xffff  }
0x1bb: {  	v39 =	vnsel vm1, $0x3F, v24;
	vm9 =	vlt.s32 v38, $0x3F;
	v29 =	vld.idx.msk [tilespmem:v29+s5+$0x0], $0xffff  }
0x1bc: {  	v32 =	vnsel vm9, $0x3F, v38;
	v40 =	vld.idx.msk [tilespmem:v31+s5+$0x0], $0xffff;
	_ =	sdelay $0x1  }
0x1bd: {  	vm10 =	vle.f32 v28, v21  }
0x1be: {  	vm12 =	vle.f32 v30, v20;
	v41 =	vsel vm10, $0x1, v9  }
0x1bf: {  	v42 =	vld.idx.msk [tilespmem:v39+s13+$0x0], $0xffff;
	vm11 =	vle.f32 v27, v21;
	v30 =	vsel vm12, $0x1, v9;
	vm13 =	vle.f32 v29, v20  }
0x1c0: {  	v44 =	vld.idx.msk [tilespmem:v32+s13+$0x0], $0xffff;
	vm15 =	vle.f32 v40, v20;
	v43 =	vsel vm11, $0x1, v9;
	v25 =	vadd.s32 v41, v25  }
0x1c1: {  	v26 =	vadd.s32 v30, v63;
	v29 =	vsel vm13, $0x1, v9;
	v25 =	vadd.s32 v43, v25  }
0x1c2: {  	v45 =	vsel vm15, $0x1, v9;
	v26 =	vadd.s32 v29, v26;
	v25 =	vadd.s32 $0xFFFFFFFF, v25  }
0x1c3: {  	v26 =	vadd.s32 v45, v26;
	vm14 =	vgt.s32 v25, $0x0  }
0x1c4: {  	vm4 =	vle.f32 v42, v34;
	v26 =	vadd.s32 $0xFFFFFFFF, v26;
	v25 =	vnsel vm14, $0x0, v25  }
0x1c5: {  	v46 =	vsel vm4, $0x1, v9;
	vm5 =	vle.f32 v44, v34;
	vm6 =	vgt.s32 v26, $0x0  }
0x1c6: {  	v47 =	vsel vm5, $0x1, v9;
	v24 =	vadd.s32 v46, v24;
	v25 =	vmin.u32 v25, $0x3E  }
0x1c7: {  	v26 =	vnsel vm6, $0x0, v26;
	v24 =	vadd.s32 v47, v24  }
0x1c8: {  	v26 =	vmin.u32 v26, $0x5E;
	v24 =	vadd.s32 $0xFFFFFFFF, v24  }
0x1c9: {  	vm7 =	vgt.s32 v24, $0x0  }
0x1ca: {  	v24 =	vnsel vm7, $0x0, v24  }
0x1cb: {  	v24 =	vmin.u32 v24, $0x3E;
	v48 =	vld.idx.msk [tilespmem:v25+s10+$0x0], $0xffff  }
0x1cc: {  	v49 =	vld.idx.msk [tilespmem:v25+s19+$0x0], $0xffff;
	v50 =	vmul.u32 $0x1800, v24  }
0x1cd: {  	v52 =	vshll.u32 v26, $0x6;
	v51 =	vld.idx.msk [tilespmem:v26+s5+$0x0], $0xffff  }
0x1ce: {  	v26 =	vld.idx.msk [tilespmem:v26+s18+$0x0], $0xffff;
	v29 =	vadd.s32 v50, v52  }
0x1cf: {  	v54 =	vmul.f32 $4.096000000e+03, v22;
	v25 =	vor.u32 v29, v25;
	v29 =	vld [tilespmem:s25+$0x9930]  }
0x1d0: {  	v53 =	vld.idx.msk [tilespmem:v24+s13+$0x0], $0xffff  }
0x1d1: {  	v56 =	vmul.f32 $4.096000000e+03, v23;
	v32 =	vtrunc.f32 v54;
	v24 =	vld.idx.msk [tilespmem:v24+s17+$0x0], $0xffff;
	v55 =	vadd.s32 $0x1801, v25;
	[tilespmem:s4+$0xB530] =	vst v25  }
0x1d2: {  	v32 =	vcvt.f32.s32 v32;
	v57 =	vadd.s32 $0x1840, v25;
	[tilespmem:s4+$0xC930] =	vst v55  }
0x1d3: {  	v58 =	vtrunc.f32 v56;
	v59 =	vadd.s32 $0x41, v25;
	[tilespmem:s4+$0xCD30] =	vst v57  }
0x1d4: {  	v33 =	vcvt.f32.s32 v58;
	vm8 =	vlt.s32 v32, $0xFFF;
	v60 =	vadd.s32 $0x1841, v25;
	[tilespmem:s4+$0xC130] =	vst v59  }
0x1d5: {  	v32 =	vnsel vm8, $0xFFF, v32;
	v61 =	vadd.s32 $0x1, v25;
	v63 =	vsub.f32 v21, v48;
	[tilespmem:s4+$0xD130] =	vst v60  }
0x1d6: {  	v62 =	vadd.s32 $0x40, v25;
	v25 =	vadd.s32 $0x1800, v25;
	v20 =	vsub.f32 v20, v51;
	[tilespmem:s4+$0xB930] =	vst v61  }
0x1d7: {  	[tilespmem:s4+$0xBD30] =	vst v62;
	v21 =	vmul.f32 v49, v63;
	v30 =	vmul.f32 $4.096000000e+03, v29;
	v31 =	vsub.f32 v34, v53  }
0x1d8: {  	vm9 =	vlt.s32 v33, $0xFFF;
	[tilespmem:s4+$0xC530] =	vst v25;
	v20 =	vmul.f32 v26, v20  }
0x1d9: {  	[tilespmem:s4+$0xAD30] =	vst v21;
	v24 =	vmul.f32 v24, v31;
	v31 =	vnsel vm9, $0xFFF, v33;
	v33 =	vtrunc.f32 v30  }
0x1da: {  	[tilespmem:s4+$0xA930] =	vst v20;
	v20 =	vcvt.f32.s32 v33  }
0x1db: {  	[tilespmem:s4+$0xA530] =	vst v24  }
0x1dc: {  	v21 =	vld.idx.msk [tilespmem:v32+s8+$0x0], $0xffff;
	vm10 =	vlt.s32 v20, $0xFFF  }
0x1dd: {  	v20 =	vnsel vm10, $0xFFF, v20  }
0x1de: {  	v24 =	vld.idx.msk [tilespmem:v31+s12+$0x0], $0xffff;
	_ =	sdelay $0x2  }
0x1df: {  	vm11 =	vlt.s32 v21, $0x3F;
	v34 =	vadd.s32 $0x1, v21  }
0x1e0: {  	v35 =	vnsel vm11, $0x3F, v21;
	vm12 =	vlt.s32 v34, $0x3F;
	v20 =	vld.idx.msk [tilespmem:v20+s11+$0x0], $0xffff  }
0x1e1: {  	v25 =	vnsel vm12, $0x3F, v34;
	vm13 =	vlt.s32 v24, $0x5F;
	v36 =	vadd.s32 $0x1, v24  }
0x1e2: {  	v38 =	vadd.s32 $0x2, v24;
	v37 =	vnsel vm13, $0x5F, v24;
	vm14 =	vlt.s32 v36, $0x5F  }
0x1e3: {  	vm15 =	vlt.s32 v38, $0x5F;
	v27 =	vnsel vm14, $0x5F, v36  }
0x1e4: {  	v30 =	vnsel vm15, $0x5F, v38  }
0x1e5: {  	v26 =	vld.idx.msk [tilespmem:v35+s10+$0x0], $0xffff;
	vm4 =	vlt.s32 v20, $0x3F;
	v39 =	vadd.s32 $0x1, v20  }
0x1e6: {  	v25 =	vld.idx.msk [tilespmem:v25+s10+$0x0], $0xffff;
	v40 =	vnsel vm4, $0x3F, v20;
	vm5 =	vlt.s32 v39, $0x3F  }
0x1e7: {  	v31 =	vnsel vm5, $0x3F, v39;
	v28 =	vld.idx.msk [tilespmem:v37+s5+$0x0], $0xffff  }
0x1e8: {  	v27 =	vld.idx.msk [tilespmem:v27+s5+$0x0], $0xffff  }
0x1e9: {  	v41 =	vld.idx.msk [tilespmem:v30+s5+$0x0], $0xffff  }
0x1ea: {  	vm6 =	vle.f32 v26, v22  }
0x1eb: {  	v42 =	vsel vm6, $0x1, v9;
	vm7 =	vle.f32 v25, v22;
	v43 =	vld.idx.msk [tilespmem:v40+s13+$0x0], $0xffff  }
0x1ec: {  	v44 =	vsel vm7, $0x1, v9;
	v21 =	vadd.s32 v42, v21;
	v45 =	vld.idx.msk [tilespmem:v31+s13+$0x0], $0xffff;
	vm8 =	vle.f32 v28, v23  }
0x1ed: {  	v21 =	vadd.s32 v44, v21;
	v28 =	vsel vm8, $0x1, v9;
	vm9 =	vle.f32 v27, v23  }
0x1ee: {  	vm11 =	vle.f32 v41, v23;
	v21 =	vadd.s32 $0xFFFFFFFF, v21;
	v24 =	vadd.s32 v28, v24  }
0x1ef: {  	v27 =	vsel vm9, $0x1, v9;
	v46 =	vsel vm11, $0x1, v9;
	vm10 =	vgt.s32 v21, $0x0  }
0x1f0: {  	v24 =	vadd.s32 v27, v24;
	v21 =	vnsel vm10, $0x0, v21;
	vm12 =	vle.f32 v43, v29  }
0x1f1: {  	v24 =	vadd.s32 v46, v24;
	v47 =	vsel vm12, $0x1, v9;
	vm13 =	vle.f32 v45, v29  }
0x1f2: {  	v24 =	vadd.s32 $0xFFFFFFFF, v24;
	v48 =	vsel vm13, $0x1, v9;
	v20 =	vadd.s32 v47, v20  }
0x1f3: {  	v21 =	vmin.u32 v21, $0x3E;
	vm14 =	vgt.s32 v24, $0x0;
	v20 =	vadd.s32 v48, v20  }
0x1f4: {  	v24 =	vnsel vm14, $0x0, v24;
	v20 =	vadd.s32 $0xFFFFFFFF, v20  }
0x1f5: {  	v24 =	vmin.u32 v24, $0x5E;
	vm15 =	vgt.s32 v20, $0x0  }
0x1f6: {  	v20 =	vnsel vm15, $0x0, v20  }
0x1f7: {  	v20 =	vmin.u32 v20, $0x3E  }
0x1f8: {  	v49 =	vld.idx.msk [tilespmem:v21+s10+$0x0], $0xffff  }
0x1f9: {  	v51 =	vld.idx.msk [tilespmem:v21+s19+$0x0], $0xffff;
	v50 =	vmul.u32 $0x1800, v20  }
0x1fa: {  	v52 =	vshll.u32 v24, $0x6;
	v53 =	vld.idx.msk [tilespmem:v24+s5+$0x0], $0xffff  }
0x1fb: {  	v24 =	vld.idx.msk [tilespmem:v24+s18+$0x0], $0xffff;
	v26 =	vadd.s32 v50, v52  }
0x1fc: {  	v21 =	vor.u32 v26, v21;
	v54 =	vld.idx.msk [tilespmem:v20+s13+$0x0], $0xffff  }
0x1fd: {  	v20 =	vld.idx.msk [tilespmem:v20+s17+$0x0], $0xffff;
	v55 =	vadd.s32 $0x1801, v21;
	[tilespmem:s25+$0xB530] =	vst v21  }
0x1fe: {  	v56 =	vadd.s32 $0x1840, v21;
	[tilespmem:s25+$0xC930] =	vst v55  }
0x1ff: {  	v57 =	vadd.s32 $0x41, v21;
	[tilespmem:s25+$0xCD30] =	vst v56  }
0x200: {  	v58 =	vadd.s32 $0x1841, v21;
	[tilespmem:s25+$0xC130] =	vst v57  }
0x201: {  	v62 =	vsub.f32 v22, v49;
	v59 =	vadd.s32 $0x1, v21;
	[tilespmem:s25+$0xD130] =	vst v58  }
0x202: {  	v60 =	vadd.s32 $0x40, v21;
	[tilespmem:s25+$0xB930] =	vst v59;
	v61 =	vsub.f32 v23, v53  }
0x203: {  	v21 =	vadd.s32 $0x1800, v21;
	[tilespmem:s25+$0xBD30] =	vst v60;
	v63 =	vmul.f32 v51, v62;
	v26 =	vsub.f32 v29, v54  }
0x204: {  	[tilespmem:s25+$0xC530] =	vst v21;
	v23 =	vmul.f32 v24, v61  }
0x205: {  	[tilespmem:s25+$0xAD30] =	vst v63;
	v20 =	vmul.f32 v20, v26  }
0x206: {  	[tilespmem:s25+$0xA930] =	vst v23  }
0x207: {  	s29 =	simm.s32 $0xB530;
	s16 =	simm.s32 $0xD530;
	[tilespmem:s25+$0xA530] =	vst v20  }
0x208: {  	[tilespmem:s16], [sflag:$0x3] =	stream.indirect.gather [spmem:s9], $0x1, s29, s20, $0xb8;
	[tilespmem:$0x15130] =	vst v63  }
0x209: {  	s30 =	simm.s32 $0xB930;
	s31 =	simm.s32 $0xD930  }
0x20a: {  	[tilespmem:s31], [sflag:$0x3] =	stream.indirect.gather [spmem:s9], $0x1, s30, s20, $0xb8;
	[tilespmem:$0x15130] =	vst v63  }
0x20b: {  	s22 =	simm.s32 $0xBD30;
	s25 =	simm.s32 $0xDD30  }
0x20c: {  	[tilespmem:s25], [sflag:$0x3] =	stream.indirect.gather [spmem:s9], $0x1, s22, s20, $0xb8;
	[tilespmem:$0x15130] =	vst v63  }
0x20d: {  	s28 =	simm.s32 $0xC130;
	s29 =	simm.s32 $0xE130  }
0x20e: {  	[tilespmem:s29], [sflag:$0x3] =	stream.indirect.gather [spmem:s9], $0x1, s28, s20, $0xb8;
	[tilespmem:$0x15130] =	vst v63  }
0x20f: {  	s30 =	simm.s32 $0xC530;
	s31 =	simm.s32 $0xE530  }
0x210: {  	[tilespmem:s31], [sflag:$0x3] =	stream.indirect.gather [spmem:s9], $0x1, s30, s20, $0xb8;
	[tilespmem:$0x15130] =	vst v63  }
0x211: {  	s22 =	simm.s32 $0xC930;
	s25 =	simm.s32 $0xE930  }
0x212: {  	[tilespmem:s25], [sflag:$0x3] =	stream.indirect.gather [spmem:s9], $0x1, s22, s20, $0xb8;
	[tilespmem:$0x15130] =	vst v63  }
0x213: {  	s28 =	simm.s32 $0xCD30;
	s29 =	simm.s32 $0xED30  }
0x214: {  	[tilespmem:s29], [sflag:$0x3] =	stream.indirect.gather [spmem:s9], $0x1, s28, s20, $0xb8;
	[tilespmem:$0x15130] =	vst v63  }
0x215: {  	s30 =	simm.s32 $0xD130;
	s31 =	simm.s32 $0xF130;
	s25 =	simm.s32 $0x0  }
0x216: {  	[tilespmem:s31], [sflag:$0x3] =	stream.indirect.gather [spmem:s9], $0x1, s30, s20, $0xb8;
	[tilespmem:$0x15130] =	vst v63  }
.LBB2_10:
0x217: {  	s4 =	sshll.u32 s25, $0xB;
	p0 =	seq.s32 s25, $0xF  }
0x218: {  	s16 =	sadd.s32 @!p0 s4, s6  }
0x219: {  	s16 =	sshrl.u32 @!p0 s16, $0x3  }
0x21a: {  	s28 =	simm.s32 @!p0 $0x0;
	s29 =	simm.s32 @!p0 $0x9930;
	s22 =	sadd.s32 @!p0 s1, s16  }
0x21b: {  	[tilespmem:s29], [sflag:$0x1] =	stream.linear.gather @!p0 [hbm4b:s22+s28], $0x400, $0x38;
	[tilespmem:$0x15130] =	vst v63  }
0x21c: {  	s22 =	sadd.s32 @!p0 s2, s16;
	s29 =	simm.s32 @!p0 $0x9D30  }
0x21d: {  	[tilespmem:s29], [sflag:$0x1] =	stream.linear.gather @!p0 [hbm4b:s22+s28], $0x400, $0x38;
	[tilespmem:$0x15130] =	vst v63  }
0x21e: {  	s16 =	sadd.s32 @!p0 s0, s16;
	s22 =	simm.s32 @!p0 $0xA130  }
0x21f: {  	[tilespmem:s22], [sflag:$0x1] =	stream.linear.gather @!p0 [hbm4b:s16+s28], $0x400, $0x38;
	[tilespmem:$0x15130] =	vst v63  }
0x220: {  	_ =	swait.ge [sflag:s26], $0x400  }
0x221: {  	[sflag:s26] =	ssyncset.done $0x0  }
0x222: {  	[sflag:s26] =	ssyncadd.s32 $0xFFFFFC00  }
0x223: {  	_ =	swait.ge [sflag:s26], $0x400  }
0x224: {  	[sflag:s26] =	ssyncset.done $0x0  }
0x225: {  	[sflag:s26] =	ssyncadd.s32 $0xFFFFFC00  }
0x226: {  	_ =	swait.ge [sflag:s26], $0x400  }
0x227: {  	[sflag:s26] =	ssyncset.done $0x0  }
0x228: {  	s31 =	simm.s32 $0x0;
	[sflag:s26] =	ssyncadd.s32 $0xFFFFFC00  }
0x229: {  	v24 =	vld [tilespmem:s31+$0xFD30]  }
0x22a: {  	v25 =	vld [tilespmem:s31+$0xF930]  }
0x22b: {  	v26 =	vld [tilespmem:s31+$0xF530];
	_ =	sdelay $0x2  }
0x22c: {  	v20 =	vmul.f32 $4.096000000e+03, v24  }
0x22d: {  	v21 =	vmul.f32 $4.096000000e+03, v25  }
0x22e: {  	v22 =	vmul.f32 $4.096000000e+03, v26;
	v20 =	vtrunc.f32 v20  }
0x22f: {  	v21 =	vtrunc.f32 v21;
	v20 =	vcvt.f32.s32 v20  }
0x230: {  	v22 =	vtrunc.f32 v22;
	v21 =	vcvt.f32.s32 v21  }
0x231: {  	v22 =	vcvt.f32.s32 v22;
	vm0 =	vlt.s32 v20, $0xFFF  }
0x232: {  	vm8 =	vlt.s32 v21, $0xFFF;
	v20 =	vnsel vm0, $0xFFF, v20  }
0x233: {  	vm9 =	vlt.s32 v22, $0xFFF;
	v21 =	vnsel vm8, $0xFFF, v21  }
0x234: {  	v22 =	vnsel vm9, $0xFFF, v22;
	_ =	sdelay $0x2  }
0x235: {  	v23 =	vld.idx.msk [tilespmem:v20+s8+$0x0], $0xffff  }
0x236: {  	v29 =	vld.idx.msk [tilespmem:v21+s12+$0x0], $0xffff  }
0x237: {  	v22 =	vld.idx.msk [tilespmem:v22+s11+$0x0], $0xffff;
	_ =	sdelay $0x2  }
0x238: {  	vm10 =	vlt.s32 v23, $0x3F  }
0x239: {  	vm1 =	vlt.s32 v29, $0x5F;
	v28 =	vnsel vm10, $0x3F, v23  }
0x23a: {  	v27 =	vadd.s32 $0x1, v23;
	vm14 =	vlt.s32 v22, $0x3F;
	v31 =	vnsel vm1, $0x5F, v29  }
0x23b: {  	s29 =	simm.s32 $0x10;
	v30 =	vadd.s32 $0x1, v29;
	vm11 =	vlt.s32 v27, $0x3F;
	v35 =	vnsel vm14, $0x3F, v22  }
0x23c: {  	v20 =	vld [tilespmem:s29+$0xF930];
	v32 =	vadd.s32 $0x2, v29;
	vm12 =	vlt.s32 v30, $0x5F;
	v27 =	vnsel vm11, $0x3F, v27  }
0x23d: {  	v21 =	vld [tilespmem:s29+$0xFD30];
	v34 =	vadd.s32 $0x1, v22;
	vm13 =	vlt.s32 v32, $0x5F;
	v30 =	vnsel vm12, $0x5F, v30  }
0x23e: {  	vm15 =	vlt.s32 v34, $0x3F;
	v32 =	vnsel vm13, $0x5F, v32;
	v28 =	vld.idx.msk [tilespmem:v28+s10+$0x0], $0xffff  }
0x23f: {  	v34 =	vnsel vm15, $0x3F, v34;
	v31 =	vld.idx.msk [tilespmem:v31+s5+$0x0], $0xffff  }
0x240: {  	v35 =	vld.idx.msk [tilespmem:v35+s13+$0x0], $0xffff  }
0x241: {  	v37 =	vld.idx.msk [tilespmem:v27+s10+$0x0], $0xffff  }
0x242: {  	v30 =	vld.idx.msk [tilespmem:v30+s5+$0x0], $0xffff  }
0x243: {  	v33 =	vmul.f32 $4.096000000e+03, v20;
	v36 =	vmul.f32 $4.096000000e+03, v21;
	v32 =	vld.idx.msk [tilespmem:v32+s5+$0x0], $0xffff  }
0x244: {  	v34 =	vld.idx.msk [tilespmem:v34+s13+$0x0], $0xffff  }
0x245: {  	v33 =	vtrunc.f32 v33;
	v61 =	vtrunc.f32 v36  }
0x246: {  	v27 =	vcvt.f32.s32 v33;
	v33 =	vcvt.f32.s32 v61;
	vm5 =	vle.f32 v28, v24  }
0x247: {  	vm8 =	vle.f32 v31, v25;
	vm11 =	vle.f32 v35, v26;
	v28 =	vsel vm5, $0x1, v9  }
0x248: {  	vm7 =	vle.f32 v37, v24;
	v31 =	vsel vm8, $0x1, v9;
	vm9 =	vle.f32 v30, v25  }
0x249: {  	vm10 =	vle.f32 v32, v25;
	vm12 =	vle.f32 v34, v26;
	v62 =	vsel vm7, $0x1, v9  }
0x24a: {  	v23 =	vadd.s32 v28, v23;
	v29 =	vadd.s32 v31, v29;
	v30 =	vsel vm9, $0x1, v9  }
0x24b: {  	v31 =	vsel vm10, $0x1, v9;
	v23 =	vadd.s32 v62, v23;
	v29 =	vadd.s32 v30, v29  }
0x24c: {  	v30 =	vsel vm11, $0x1, v9;
	v29 =	vadd.s32 v31, v29;
	v23 =	vadd.s32 $0xFFFFFFFF, v23  }
0x24d: {  	v31 =	vsel vm12, $0x1, v9;
	v29 =	vadd.s32 $0xFFFFFFFF, v29;
	vm13 =	vgt.s32 v23, $0x0  }
0x24e: {  	v22 =	vadd.s32 v30, v22;
	vm14 =	vgt.s32 v29, $0x0;
	v30 =	vnsel vm13, $0x0, v23  }
0x24f: {  	v22 =	vadd.s32 v31, v22;
	v63 =	vnsel vm14, $0x0, v29;
	v29 =	vmin.u32 v30, $0x3E  }
0x250: {  	s30 =	simm.s32 $0x20;
	vm4 =	vlt.s32 v27, $0xFFF;
	v31 =	vadd.s32 $0xFFFFFFFF, v22  }
0x251: {  	vm6 =	vlt.s32 v33, $0xFFF;
	v27 =	vnsel vm4, $0xFFF, v27;
	v23 =	vld [tilespmem:s30+$0xF930];
	vm15 =	vgt.s32 v31, $0x0  }
0x252: {  	s28 =	sadd.s32 $0x1, s25;
	s16 =	simm.s32 $0xC0;
	v28 =	vnsel vm6, $0xFFF, v33;
	v22 =	vld [tilespmem:s30+$0xFD30];
	v30 =	vmin.u32 v63, $0x5E;
	v31 =	vnsel vm15, $0x0, v31  }
.LBB2_11:
0x253: {  	p1 =	sne.s32 s16, $0xFC0;
	v31 =	vmin.u32 v31, $0x3E;
	s22 =	smov.u32 s16;
	s16 =	sadd.s32 $0x40, s16  }
0x254: {  	v32 =	vld.idx.msk [tilespmem:v29+s10+$0x0], $0xffff;
	v33 =	vmul.u32 $0x1800, v31  }
0x255: {  	v35 =	vshll.u32 v30, $0x6;
	v34 =	vld.idx.msk [tilespmem:v29+s19+$0x0], $0xffff  }
0x256: {  	v36 =	vmul.f32 $4.096000000e+03, v23;
	v37 =	vld.idx.msk [tilespmem:v30+s5+$0x0], $0xffff;
	v33 =	vadd.s32 v33, v35  }
0x257: {  	v35 =	vmul.f32 $4.096000000e+03, v22;
	v30 =	vld.idx.msk [tilespmem:v30+s18+$0x0], $0xffff;
	v29 =	vor.u32 v33, v29  }
0x258: {  	v33 =	vld.idx.msk [tilespmem:v31+s13+$0x0], $0xffff;
	v38 =	vadd.s32 $0x1, v29;
	v39 =	vadd.s32 $0x1841, v29  }
0x259: {  	v36 =	vtrunc.f32 v36;
	v41 =	vadd.s32 $0x40, v29;
	v42 =	vadd.s32 $0x1840, v29;
	v40 =	vld [tilespmem:s29+$0xF530]  }
0x25a: {  	v36 =	vcvt.f32.s32 v36;
	v35 =	vtrunc.f32 v35;
	v43 =	vadd.s32 $0x1801, v29;
	v31 =	vld.idx.msk [tilespmem:v31+s17+$0x0], $0xffff  }
0x25b: {  	v44 =	vadd.s32 $0x1800, v29;
	v35 =	vcvt.f32.s32 v35;
	v32 =	vsub.f32 v24, v32;
	v24 =	vmovc v21;
	v21 =	vmovc v22;
	[tilespmem:s31+$0x12530] =	vst v43  }
0x25c: {  	vm0 =	vlt.s32 v36, $0xFFF;
	v22 =	vsub.f32 v25, v37;
	v37 =	vadd.s32 $0x41, v29;
	v25 =	vmovc v20;
	v20 =	vmovc v23;
	[tilespmem:s31+$0x12930] =	vst v42  }
0x25d: {  	v23 =	vnsel vm0, $0xFFF, v36;
	vm0 =	vlt.s32 v35, $0xFFF;
	v32 =	vmul.f32 v34, v32;
	[tilespmem:s31+$0x11130] =	vst v29  }
0x25e: {  	v29 =	vnsel vm0, $0xFFF, v35;
	v33 =	vsub.f32 v26, v33;
	v34 =	vmul.f32 $4.096000000e+03, v40;
	[tilespmem:s31+$0x11D30] =	vst v37;
	v26 =	vmovc v40  }
0x25f: {  	v22 =	vmul.f32 v30, v22;
	[tilespmem:s31+$0x12D30] =	vst v39  }
0x260: {  	v31 =	vmul.f32 v31, v33;
	v30 =	vtrunc.f32 v34;
	[tilespmem:s31+$0x11530] =	vst v38  }
0x261: {  	v30 =	vcvt.f32.s32 v30;
	[tilespmem:s31+$0x11930] =	vst v41  }
0x262: {  	[tilespmem:s31+$0x12130] =	vst v44  }
0x263: {  	vm0 =	vlt.s32 v30, $0xFFF;
	[tilespmem:s31+$0x10130] =	vst v31  }
0x264: {  	v30 =	vnsel vm0, $0xFFF, v30;
	[tilespmem:s31+$0x10530] =	vst v22  }
0x265: {  	[tilespmem:s31+$0x10930] =	vst v32;
	s31 =	smov.u32 s29;
	s29 =	smov.u32 s30  }
0x266: {  	v22 =	vld.idx.msk [tilespmem:v28+s8+$0x0], $0xffff;
	v28 =	vmov v29;
	_ =	sdelay $0x1  }
0x267: {  	v29 =	vld.idx.msk [tilespmem:v27+s12+$0x0], $0xffff;
	v27 =	vmov v23  }
0x268: {  	v30 =	vld.idx.msk [tilespmem:v30+s11+$0x0], $0xffff;
	_ =	sdelay $0x2  }
0x269: {  	vm0 =	vlt.s32 v22, $0x3F;
	v23 =	vadd.s32 $0x1, v22  }
0x26a: {  	v31 =	vnsel vm0, $0x3F, v22;
	vm0 =	vlt.s32 v23, $0x3F  }
0x26b: {  	vm1 =	vlt.s32 v29, $0x5F;
	v32 =	vadd.s32 $0x1, v29;
	v23 =	vnsel vm0, $0x3F, v23  }
0x26c: {  	vm0 =	vlt.s32 v30, $0x3F;
	v33 =	vadd.s32 $0x1, v30;
	vm2 =	vlt.s32 v32, $0x5F  }
0x26d: {  	v35 =	vnsel vm1, $0x5F, v29;
	v34 =	vnsel vm0, $0x3F, v30;
	vm0 =	vlt.s32 v33, $0x3F  }
0x26e: {  	v36 =	vadd.s32 $0x2, v29;
	v32 =	vnsel vm2, $0x5F, v32;
	v33 =	vnsel vm0, $0x3F, v33  }
0x26f: {  	vm0 =	vlt.s32 v36, $0x5F;
	v31 =	vld.idx.msk [tilespmem:v31+s10+$0x0], $0xffff  }
0x270: {  	v36 =	vnsel vm0, $0x5F, v36;
	v23 =	vld.idx.msk [tilespmem:v23+s10+$0x0], $0xffff;
	_ =	sdelay $0x1  }
0x271: {  	v35 =	vld.idx.msk [tilespmem:v35+s5+$0x0], $0xffff  }
0x272: {  	v32 =	vld.idx.msk [tilespmem:v32+s5+$0x0], $0xffff;
	_ =	sdelay $0x1  }
0x273: {  	vm0 =	vle.f32 v31, v24;
	v36 =	vld.idx.msk [tilespmem:v36+s5+$0x0], $0xffff  }
0x274: {  	v31 =	vld.idx.msk [tilespmem:v34+s13+$0x0], $0xffff;
	v34 =	vsel vm0, $0x1, v9;
	vm0 =	vle.f32 v23, v24  }
0x275: {  	v23 =	vld.idx.msk [tilespmem:v33+s13+$0x0], $0xffff;
	v33 =	vsel vm0, $0x1, v9;
	v22 =	vadd.s32 v34, v22  }
0x276: {  	vm0 =	vle.f32 v35, v25;
	v22 =	vadd.s32 v33, v22  }
0x277: {  	v33 =	vsel vm0, $0x1, v9;
	vm0 =	vle.f32 v32, v25;
	v22 =	vadd.s32 $0xFFFFFFFF, v22  }
0x278: {  	v29 =	vadd.s32 v33, v29;
	vm1 =	vgt.s32 v22, $0x0  }
0x279: {  	v32 =	vsel vm0, $0x1, v9;
	vm0 =	vle.f32 v36, v25;
	v33 =	vnsel vm1, $0x0, v22  }
0x27a: {  	s30 =	sshra.s32 s22, $0x2;
	v29 =	vadd.s32 v32, v29;
	vm1 =	vle.f32 v31, v26;
	v31 =	vsel vm0, $0x1, v9  }
0x27b: {  	v32 =	vsel vm1, $0x1, v9;
	vm0 =	vle.f32 v23, v26;
	v29 =	vadd.s32 v31, v29;
	v22 =	vld [tilespmem:s30+$0xFD30]  }
.Ltmp4:
0x27c: {  	v31 =	vsel vm0, $0x1, v9;
	v30 =	vadd.s32 v32, v30;
	v32 =	vadd.s32 $0xFFFFFFFF, v29;
	v23 =	vld [tilespmem:s30+$0xF930];
	(pc) =	sbr.rel @p1 .LBB2_11-.Ltmp4, $4  }
0x27d: {  	v29 =	vmin.u32 v33, $0x3E;
	v30 =	vadd.s32 v31, v30;
	vm0 =	vgt.s32 v32, $0x0  }
0x27e: {  	v31 =	vadd.s32 $0xFFFFFFFF, v30;
	v30 =	vnsel vm0, $0x0, v32  }
0x27f: {  	vm0 =	vgt.s32 v31, $0x0;
	v30 =	vmin.u32 v30, $0x5E  }
0x280: {  	v31 =	vnsel vm0, $0x0, v31  }
0x281: {  	_ =	sdelay $0x3  }
0x282: {  	v31 =	vmin.u32 v31, $0x3E;
	v32 =	vld.idx.msk [tilespmem:v29+s10+$0x0], $0xffff  }
0x283: {  	v33 =	vld.idx.msk [tilespmem:v29+s19+$0x0], $0xffff  }
0x284: {  	v35 =	vld.idx.msk [tilespmem:v30+s5+$0x0], $0xffff;
	v34 =	vmul.u32 $0x1800, v31  }
0x285: {  	v36 =	vshll.u32 v30, $0x6;
	v30 =	vld.idx.msk [tilespmem:v30+s18+$0x0], $0xffff  }
0x286: {  	v40 =	vld [tilespmem:s29+$0xF530];
	v34 =	vadd.s32 v34, v36  }
0x287: {  	v29 =	vor.u32 v34, v29;
	v63 =	vld.idx.msk [tilespmem:v31+s13+$0x0], $0xffff  }
0x288: {  	v31 =	vld.idx.msk [tilespmem:v31+s17+$0x0], $0xffff;
	v37 =	vadd.s32 $0x1801, v29;
	[tilespmem:s31+$0x11130] =	vst v29  }
0x289: {  	v38 =	vadd.s32 $0x1840, v29;
	[tilespmem:s31+$0x12530] =	vst v37  }
0x28a: {  	v41 =	vadd.s32 $0x41, v29;
	[tilespmem:s31+$0x12930] =	vst v38  }
0x28b: {  	v42 =	vadd.s32 $0x1841, v29;
	[tilespmem:s31+$0x11D30] =	vst v41  }
0x28c: {  	v43 =	vadd.s32 $0x1, v29;
	[tilespmem:s31+$0x12D30] =	vst v42;
	v26 =	vsub.f32 v26, v63  }
0x28d: {  	v44 =	vadd.s32 $0x40, v29;
	v25 =	vsub.f32 v25, v35;
	v24 =	vsub.f32 v24, v32;
	[tilespmem:s31+$0x11530] =	vst v43  }
0x28e: {  	v29 =	vadd.s32 $0x1800, v29;
	[tilespmem:s31+$0x11930] =	vst v44;
	v26 =	vmul.f32 v31, v26;
	v31 =	vmul.f32 $4.096000000e+03, v40  }
0x28f: {  	[tilespmem:s31+$0x12130] =	vst v29;
	v25 =	vmul.f32 v30, v25  }
0x290: {  	v24 =	vmul.f32 v33, v24;
	[tilespmem:s31+$0x10130] =	vst v26;
	v26 =	vtrunc.f32 v31  }
0x291: {  	[tilespmem:s31+$0x10530] =	vst v25;
	v25 =	vcvt.f32.s32 v26  }
0x292: {  	[tilespmem:s31+$0x10930] =	vst v24  }
0x293: {  	v24 =	vld.idx.msk [tilespmem:v28+s8+$0x0], $0xffff;
	vm0 =	vlt.s32 v25, $0xFFF  }
0x294: {  	v25 =	vnsel vm0, $0xFFF, v25  }
0x295: {  	v26 =	vld.idx.msk [tilespmem:v27+s12+$0x0], $0xffff;
	_ =	sdelay $0x2  }
0x296: {  	vm4 =	vlt.s32 v24, $0x3F;
	v27 =	vadd.s32 $0x1, v24  }
0x297: {  	v28 =	vnsel vm4, $0x3F, v24;
	vm5 =	vlt.s32 v27, $0x3F;
	v25 =	vld.idx.msk [tilespmem:v25+s11+$0x0], $0xffff  }
0x298: {  	vm6 =	vlt.s32 v26, $0x5F;
	v29 =	vadd.s32 $0x1, v26;
	v27 =	vnsel vm5, $0x3F, v27  }
0x299: {  	v30 =	vnsel vm6, $0x5F, v26;
	vm7 =	vlt.s32 v29, $0x5F  }
0x29a: {  	v31 =	vadd.s32 $0x2, v26;
	v29 =	vnsel vm7, $0x5F, v29  }
0x29b: {  	vm8 =	vlt.s32 v31, $0x5F  }
0x29c: {  	v31 =	vnsel vm8, $0x5F, v31;
	v28 =	vld.idx.msk [tilespmem:v28+s10+$0x0], $0xffff;
	vm1 =	vlt.s32 v25, $0x3F  }
0x29d: {  	v27 =	vld.idx.msk [tilespmem:v27+s10+$0x0], $0xffff;
	v45 =	vadd.s32 $0x1, v25;
	v46 =	vnsel vm1, $0x3F, v25  }
0x29e: {  	v30 =	vld.idx.msk [tilespmem:v30+s5+$0x0], $0xffff;
	vm9 =	vlt.s32 v45, $0x3F  }
0x29f: {  	v29 =	vld.idx.msk [tilespmem:v29+s5+$0x0], $0xffff;
	v32 =	vnsel vm9, $0x3F, v45;
	_ =	sdelay $0x1  }
0x2a0: {  	vm10 =	vle.f32 v28, v21;
	v28 =	vld.idx.msk [tilespmem:v31+s5+$0x0], $0xffff  }
0x2a1: {  	v31 =	vsel vm10, $0x1, v9;
	vm11 =	vle.f32 v27, v21;
	v27 =	vld.idx.msk [tilespmem:v46+s13+$0x0], $0xffff  }
0x2a2: {  	vm12 =	vle.f32 v30, v20;
	v47 =	vsel vm11, $0x1, v9;
	v24 =	vadd.s32 v31, v24  }
0x2a3: {  	v30 =	vsel vm12, $0x1, v9;
	vm13 =	vle.f32 v29, v20;
	v24 =	vadd.s32 v47, v24;
	v31 =	vld.idx.msk [tilespmem:v32+s13+$0x0], $0xffff  }
0x2a4: {  	v26 =	vadd.s32 v30, v26;
	v29 =	vsel vm13, $0x1, v9;
	v24 =	vadd.s32 $0xFFFFFFFF, v24  }
0x2a5: {  	v26 =	vadd.s32 v29, v26;
	vm14 =	vgt.s32 v24, $0x0;
	vm15 =	vle.f32 v28, v20  }
0x2a6: {  	v24 =	vnsel vm14, $0x0, v24;
	vm4 =	vle.f32 v27, v40;
	v27 =	vsel vm15, $0x1, v9  }
0x2a7: {  	v24 =	vmin.u32 v24, $0x3E;
	v26 =	vadd.s32 v27, v26  }
0x2a8: {  	v28 =	vsel vm4, $0x1, v9;
	vm5 =	vle.f32 v31, v40;
	v26 =	vadd.s32 $0xFFFFFFFF, v26  }
0x2a9: {  	v27 =	vsel vm5, $0x1, v9;
	v25 =	vadd.s32 v28, v25;
	vm6 =	vgt.s32 v26, $0x0  }
0x2aa: {  	v25 =	vadd.s32 v27, v25;
	v26 =	vnsel vm6, $0x0, v26  }
0x2ab: {  	v25 =	vadd.s32 $0xFFFFFFFF, v25;
	v26 =	vmin.u32 v26, $0x5E  }
0x2ac: {  	vm7 =	vgt.s32 v25, $0x0  }
0x2ad: {  	v25 =	vnsel vm7, $0x0, v25  }
0x2ae: {  	v27 =	vld.idx.msk [tilespmem:v24+s10+$0x0], $0xffff;
	v25 =	vmin.u32 v25, $0x3E  }
0x2af: {  	v28 =	vld.idx.msk [tilespmem:v24+s19+$0x0], $0xffff;
	v29 =	vmul.u32 $0x1800, v25  }
0x2b0: {  	v31 =	vshll.u32 v26, $0x6;
	v30 =	vld.idx.msk [tilespmem:v26+s5+$0x0], $0xffff  }
0x2b1: {  	v26 =	vld.idx.msk [tilespmem:v26+s18+$0x0], $0xffff;
	v29 =	vadd.s32 v29, v31  }
0x2b2: {  	v48 =	vmul.f32 $4.096000000e+03, v22;
	v24 =	vor.u32 v29, v24;
	v29 =	vld [tilespmem:s30+$0xF530]  }
0x2b3: {  	v31 =	vld.idx.msk [tilespmem:v25+s13+$0x0], $0xffff  }
0x2b4: {  	v50 =	vmul.f32 $4.096000000e+03, v23;
	v32 =	vtrunc.f32 v48;
	v25 =	vld.idx.msk [tilespmem:v25+s17+$0x0], $0xffff;
	v49 =	vadd.s32 $0x1801, v24;
	[tilespmem:s29+$0x11130] =	vst v24  }
0x2b5: {  	v32 =	vcvt.f32.s32 v32;
	v51 =	vadd.s32 $0x1840, v24;
	[tilespmem:s29+$0x12530] =	vst v49  }
0x2b6: {  	v52 =	vtrunc.f32 v50;
	v53 =	vadd.s32 $0x41, v24;
	[tilespmem:s29+$0x12930] =	vst v51  }
0x2b7: {  	v33 =	vcvt.f32.s32 v52;
	vm8 =	vlt.s32 v32, $0xFFF;
	v54 =	vadd.s32 $0x1841, v24;
	[tilespmem:s29+$0x11D30] =	vst v53  }
0x2b8: {  	v32 =	vnsel vm8, $0xFFF, v32;
	v55 =	vadd.s32 $0x1, v24;
	[tilespmem:s29+$0x12D30] =	vst v54;
	v31 =	vsub.f32 v40, v31  }
0x2b9: {  	v21 =	vsub.f32 v21, v27;
	v56 =	vadd.s32 $0x40, v24;
	[tilespmem:s29+$0x11530] =	vst v55;
	v20 =	vsub.f32 v20, v30  }
0x2ba: {  	v24 =	vadd.s32 $0x1800, v24;
	[tilespmem:s29+$0x11930] =	vst v56;
	v27 =	vmul.f32 $4.096000000e+03, v29;
	v25 =	vmul.f32 v25, v31  }
0x2bb: {  	vm9 =	vlt.s32 v33, $0xFFF;
	[tilespmem:s29+$0x12130] =	vst v24;
	v20 =	vmul.f32 v26, v20  }
0x2bc: {  	v21 =	vmul.f32 v28, v21;
	v24 =	vnsel vm9, $0xFFF, v33;
	[tilespmem:s29+$0x10130] =	vst v25;
	v25 =	vtrunc.f32 v27  }
0x2bd: {  	[tilespmem:s29+$0x10530] =	vst v20;
	v20 =	vcvt.f32.s32 v25  }
0x2be: {  	[tilespmem:s29+$0x10930] =	vst v21  }
0x2bf: {  	v21 =	vld.idx.msk [tilespmem:v32+s8+$0x0], $0xffff;
	vm10 =	vlt.s32 v20, $0xFFF  }
0x2c0: {  	v20 =	vnsel vm10, $0xFFF, v20  }
0x2c1: {  	v24 =	vld.idx.msk [tilespmem:v24+s12+$0x0], $0xffff;
	_ =	sdelay $0x2  }
0x2c2: {  	vm11 =	vlt.s32 v21, $0x3F;
	v25 =	vadd.s32 $0x1, v21  }
0x2c3: {  	v26 =	vnsel vm11, $0x3F, v21;
	vm12 =	vlt.s32 v25, $0x3F;
	v20 =	vld.idx.msk [tilespmem:v20+s11+$0x0], $0xffff  }
0x2c4: {  	vm13 =	vlt.s32 v24, $0x5F;
	v27 =	vadd.s32 $0x1, v24;
	v25 =	vnsel vm12, $0x3F, v25  }
0x2c5: {  	v28 =	vnsel vm13, $0x5F, v24;
	vm14 =	vlt.s32 v27, $0x5F  }
0x2c6: {  	v30 =	vadd.s32 $0x2, v24;
	v27 =	vnsel vm14, $0x5F, v27  }
0x2c7: {  	vm15 =	vlt.s32 v30, $0x5F  }
0x2c8: {  	v30 =	vnsel vm15, $0x5F, v30;
	v26 =	vld.idx.msk [tilespmem:v26+s10+$0x0], $0xffff;
	vm4 =	vlt.s32 v20, $0x3F;
	v31 =	vadd.s32 $0x1, v20  }
0x2c9: {  	v25 =	vld.idx.msk [tilespmem:v25+s10+$0x0], $0xffff;
	v57 =	vnsel vm4, $0x3F, v20;
	vm5 =	vlt.s32 v31, $0x3F  }
0x2ca: {  	v28 =	vld.idx.msk [tilespmem:v28+s5+$0x0], $0xffff;
	v31 =	vnsel vm5, $0x3F, v31  }
0x2cb: {  	v27 =	vld.idx.msk [tilespmem:v27+s5+$0x0], $0xffff;
	_ =	sdelay $0x1  }
0x2cc: {  	vm6 =	vle.f32 v26, v22;
	v26 =	vld.idx.msk [tilespmem:v30+s5+$0x0], $0xffff  }
0x2cd: {  	v30 =	vsel vm6, $0x1, v9;
	vm7 =	vle.f32 v25, v22;
	v25 =	vld.idx.msk [tilespmem:v57+s13+$0x0], $0xffff  }
0x2ce: {  	vm8 =	vle.f32 v28, v23;
	v58 =	vsel vm7, $0x1, v9;
	v21 =	vadd.s32 v30, v21;
	v30 =	vld.idx.msk [tilespmem:v31+s13+$0x0], $0xffff  }
0x2cf: {  	v28 =	vsel vm8, $0x1, v9;
	vm9 =	vle.f32 v27, v23;
	v21 =	vadd.s32 v58, v21  }
0x2d0: {  	v24 =	vadd.s32 v28, v24;
	v27 =	vsel vm9, $0x1, v9;
	v21 =	vadd.s32 $0xFFFFFFFF, v21  }
0x2d1: {  	v24 =	vadd.s32 v27, v24;
	vm10 =	vgt.s32 v21, $0x0;
	vm11 =	vle.f32 v26, v23  }
0x2d2: {  	v21 =	vnsel vm10, $0x0, v21;
	vm12 =	vle.f32 v25, v29;
	v25 =	vsel vm11, $0x1, v9  }
0x2d3: {  	v26 =	vsel vm12, $0x1, v9;
	vm13 =	vle.f32 v30, v29;
	v24 =	vadd.s32 v25, v24  }
0x2d4: {  	v25 =	vsel vm13, $0x1, v9;
	v20 =	vadd.s32 v26, v20;
	v24 =	vadd.s32 $0xFFFFFFFF, v24  }
0x2d5: {  	v21 =	vmin.u32 v21, $0x3E;
	v20 =	vadd.s32 v25, v20;
	vm14 =	vgt.s32 v24, $0x0  }
0x2d6: {  	v20 =	vadd.s32 $0xFFFFFFFF, v20;
	v24 =	vnsel vm14, $0x0, v24  }
0x2d7: {  	vm15 =	vgt.s32 v20, $0x0;
	v24 =	vmin.u32 v24, $0x5E  }
0x2d8: {  	v20 =	vnsel vm15, $0x0, v20  }
0x2d9: {  	v20 =	vmin.u32 v20, $0x3E  }
0x2da: {  	v25 =	vld.idx.msk [tilespmem:v21+s10+$0x0], $0xffff  }
0x2db: {  	v27 =	vld.idx.msk [tilespmem:v21+s19+$0x0], $0xffff;
	v26 =	vmul.u32 $0x1800, v20  }
0x2dc: {  	v28 =	vshll.u32 v24, $0x6;
	v30 =	vld.idx.msk [tilespmem:v24+s5+$0x0], $0xffff  }
0x2dd: {  	v26 =	vadd.s32 v26, v28;
	v24 =	vld.idx.msk [tilespmem:v24+s18+$0x0], $0xffff  }
0x2de: {  	v21 =	vor.u32 v26, v21;
	v26 =	vld.idx.msk [tilespmem:v20+s13+$0x0], $0xffff  }
0x2df: {  	v20 =	vld.idx.msk [tilespmem:v20+s17+$0x0], $0xffff;
	v28 =	vadd.s32 $0x1801, v21;
	[tilespmem:s30+$0x11130] =	vst v21  }
0x2e0: {  	v31 =	vadd.s32 $0x1840, v21;
	[tilespmem:s30+$0x12530] =	vst v28  }
0x2e1: {  	[tilespmem:s30+$0x12930] =	vst v31;
	v28 =	vadd.s32 $0x41, v21  }
0x2e2: {  	v31 =	vadd.s32 $0x1841, v21;
	[tilespmem:s30+$0x11D30] =	vst v28  }
0x2e3: {  	v28 =	vadd.s32 $0x1, v21;
	[tilespmem:s30+$0x12D30] =	vst v31;
	v23 =	vsub.f32 v23, v30  }
0x2e4: {  	v22 =	vsub.f32 v22, v25;
	[tilespmem:s30+$0x11530] =	vst v28;
	v26 =	vsub.f32 v29, v26;
	v29 =	vadd.s32 $0x40, v21  }
0x2e5: {  	v21 =	vadd.s32 $0x1800, v21;
	v23 =	vmul.f32 v24, v23;
	[tilespmem:s30+$0x11930] =	vst v29  }
0x2e6: {  	[tilespmem:s30+$0x12130] =	vst v21;
	v21 =	vmul.f32 v27, v22  }
0x2e7: {  	v20 =	vmul.f32 v20, v26;
	[tilespmem:s30+$0x10530] =	vst v23  }
0x2e8: {  	[tilespmem:s30+$0x10930] =	vst v21  }
0x2e9: {  	s16 =	simm.s32 $0x11130;
	s22 =	simm.s32 $0x13130;
	[tilespmem:s30+$0x10130] =	vst v20  }
0x2ea: {  	[tilespmem:s22], [sflag:$0x4] =	stream.indirect.gather [spmem:s9], $0x1, s16, s20, $0xb8;
	[tilespmem:$0x15130] =	vst v63  }
0x2eb: {  	s31 =	simm.s32 $0x13530;
	s30 =	simm.s32 $0x11530  }
0x2ec: {  	[tilespmem:s31], [sflag:$0x4] =	stream.indirect.gather [spmem:s9], $0x1, s30, s20, $0xb8;
	[tilespmem:$0x15130] =	vst v63  }
0x2ed: {  	s29 =	simm.s32 $0x13930;
	s22 =	simm.s32 $0x11930  }
0x2ee: {  	[tilespmem:s29], [sflag:$0x4] =	stream.indirect.gather [spmem:s9], $0x1, s22, s20, $0xb8;
	[tilespmem:$0x15130] =	vst v63  }
0x2ef: {  	s30 =	simm.s32 $0x11D30;
	s31 =	simm.s32 $0x13D30  }
0x2f0: {  	[tilespmem:s31], [sflag:$0x4] =	stream.indirect.gather [spmem:s9], $0x1, s30, s20, $0xb8;
	[tilespmem:$0x15130] =	vst v63  }
0x2f1: {  	s22 =	simm.s32 $0x12130;
	s29 =	simm.s32 $0x14130  }
0x2f2: {  	[tilespmem:s29], [sflag:$0x4] =	stream.indirect.gather [spmem:s9], $0x1, s22, s20, $0xb8;
	[tilespmem:$0x15130] =	vst v63  }
0x2f3: {  	s30 =	simm.s32 $0x12530;
	s31 =	simm.s32 $0x14530  }
0x2f4: {  	[tilespmem:s31], [sflag:$0x4] =	stream.indirect.gather [spmem:s9], $0x1, s30, s20, $0xb8;
	[tilespmem:$0x15130] =	vst v63  }
0x2f5: {  	s16 =	sadd.s32 @!p0 s4, s3;
	s22 =	simm.s32 $0x12930;
	s29 =	simm.s32 $0x14930  }
0x2f6: {  	[tilespmem:s29], [sflag:$0x4] =	stream.indirect.gather [spmem:s9], $0x1, s22, s20, $0xb8;
	[tilespmem:$0x15130] =	vst v63  }
0x2f7: {  	s16 =	sshrl.u32 @!p0 s16, $0x3;
	s30 =	simm.s32 $0x12D30;
	s31 =	simm.s32 $0x14D30  }
0x2f8: {  	[tilespmem:s31], [sflag:$0x4] =	stream.indirect.gather [spmem:s9], $0x1, s30, s20, $0xb8;
	[tilespmem:$0x15130] =	vst v63  }
0x2f9: {  	s22 =	sadd.s32 @!p0 s1, s16;
	s29 =	simm.s32 @!p0 $0x0;
	s30 =	simm.s32 @!p0 $0xF530  }
0x2fa: {  	[tilespmem:s30], [sflag:$0x2] =	stream.linear.gather @!p0 [hbm4b:s22+s29], $0x400, $0x38;
	[tilespmem:$0x15130] =	vst v63  }
0x2fb: {  	s22 =	sadd.s32 @!p0 s2, s16;
	s30 =	simm.s32 @!p0 $0xF930  }
0x2fc: {  	[tilespmem:s30], [sflag:$0x2] =	stream.linear.gather @!p0 [hbm4b:s22+s29], $0x400, $0x38;
	[tilespmem:$0x15130] =	vst v63  }
0x2fd: {  	s16 =	sadd.s32 @!p0 s0, s16;
	s22 =	simm.s32 @!p0 $0xFD30  }
0x2fe: {  	[tilespmem:s22], [sflag:$0x2] =	stream.linear.gather @!p0 [hbm4b:s16+s29], $0x400, $0x38;
	[tilespmem:$0x15130] =	vst v63  }
0x2ff: {  	_ =	swait.ge [sflag:s21], $0x400  }
0x300: {  	[sflag:s21] =	ssyncset.done $0x0  }
0x301: {  	[sflag:s21] =	ssyncadd.s32 $0xFFFFFC00  }
0x302: {  	_ =	swait.ge [sflag:s21], $0x400  }
0x303: {  	[sflag:s21] =	ssyncset.done $0x0  }
0x304: {  	[sflag:s21] =	ssyncadd.s32 $0xFFFFFC00  }
0x305: {  	_ =	swait.ge [sflag:s21], $0x400  }
0x306: {  	[sflag:s21] =	ssyncset.done $0x0  }
0x307: {  	[sflag:s21] =	ssyncadd.s32 $0xFFFFFC00  }
0x308: {  	_ =	swait.ge [sflag:s21], $0x400  }
0x309: {  	[sflag:s21] =	ssyncset.done $0x0  }
0x30a: {  	[sflag:s21] =	ssyncadd.s32 $0xFFFFFC00  }
0x30b: {  	_ =	swait.ge [sflag:s21], $0x400  }
0x30c: {  	[sflag:s21] =	ssyncset.done $0x0  }
0x30d: {  	[sflag:s21] =	ssyncadd.s32 $0xFFFFFC00  }
0x30e: {  	_ =	swait.ge [sflag:s21], $0x400  }
0x30f: {  	[sflag:s21] =	ssyncset.done $0x0  }
0x310: {  	[sflag:s21] =	ssyncadd.s32 $0xFFFFFC00  }
0x311: {  	_ =	swait.ge [sflag:s21], $0x400  }
0x312: {  	[sflag:s21] =	ssyncset.done $0x0  }
0x313: {  	[sflag:s21] =	ssyncadd.s32 $0xFFFFFC00  }
0x314: {  	_ =	swait.ge [sflag:s21], $0x400  }
0x315: {  	p1 =	seq.s32 s25, $0x0;
	[sflag:s21] =	ssyncset.done $0x0  }
0x316: {  	s16 =	simm.s32 @!p1 $0x5;
	[sflag:s21] =	ssyncadd.s32 $0xFFFFFC00  }
0x317: {  	_ =	swait.ge @!p1 [sflag:s16], $0x400  }
0x318: {  	[sflag:s16] =	ssyncset.done @!p1 $0x0  }
0x319: {  	[sflag:s16] =	ssyncadd.s32 @!p1 $0xFFFFFC00;
	s16 =	simm.s32 $0x0  }
0x31a: {  	v27 =	vld [tilespmem:s16+$0xA530]  }
0x31b: {  	v31 =	vld [tilespmem:s16+$0xA930]  }
0x31c: {  	v20 =	vld [tilespmem:s16+$0xAD30]  }
0x31d: {  	v22 =	vld [tilespmem:s16+$0xED30]  }
0x31e: {  	v21 =	vld [tilespmem:s16+$0xD530]  }
0x31f: {  	v59 =	vld [tilespmem:s16+$0xD930]  }
0x320: {  	v25 =	vld [tilespmem:s16+$0xDD30]  }
0x321: {  	v60 =	vld [tilespmem:s16+$0xE130];
	v23 =	vsub.f32 $1.000000000e+00, v27;
	v24 =	vsub.f32 $1.000000000e+00, v31  }
0x322: {  	v61 =	vld [tilespmem:s16+$0xE530]  }
0x323: {  	v26 =	vld [tilespmem:s16+$0xE930];
	v62 =	vmul.f32 v24, v23;
	v63 =	vmul.f32 v31, v23  }
0x324: {  	s22 =	simm.s32 $0x10;
	v28 =	vmul.f32 v24, v27;
	v23 =	vld [tilespmem:s16+$0xF130]  }
0x325: {  	v24 =	vld [tilespmem:s22+$0xA530];
	v29 =	vmul.f32 v21, v62;
	v30 =	vmul.f32 v25, v63  }
0x326: {  	v25 =	vld [tilespmem:s22+$0xA930];
	v32 =	vmul.f32 v59, v62;
	v33 =	vmul.f32 v60, v63  }
0x327: {  	s25 =	simm.s32 $0x80;
	v27 =	vmul.f32 v31, v27;
	v21 =	vld [tilespmem:s22+$0xAD30];
	v31 =	vmul.f32 v61, v28  }
.LBB2_13:
0x328: {  	p2 =	sne.s32 s25, $0xFC0;
	v34 =	vld [tilespmem:s22+$0xED30];
	v29 =	vadd.f32 v30, v29;
	v30 =	vadd.f32 v33, v32;
	v26 =	vmul.f32 v26, v28  }
0x329: {  	v28 =	vsub.f32 $1.000000000e+00, v20;
	v32 =	vld [tilespmem:s22+$0xD530];
	v22 =	vmul.f32 v22, v27  }
0x32a: {  	v23 =	vmul.f32 v23, v27;
	v33 =	vld [tilespmem:s22+$0xD930];
	v29 =	vadd.f32 v31, v29;
	v26 =	vadd.f32 v26, v30;
	v27 =	vmovc v24  }
0x32b: {  	v24 =	vsub.f32 $1.000000000e+00, v27;
	v30 =	vsub.f32 $1.000000000e+00, v25;
	v31 =	vld [tilespmem:s22+$0xDD30];
	v35 =	vmov v25  }
0x32c: {  	v36 =	vld [tilespmem:s22+$0xE130];
	v25 =	vadd.f32 v22, v29;
	v23 =	vadd.f32 v23, v26  }
0x32d: {  	v37 =	vmul.f32 v30, v24;
	v38 =	vmul.f32 v35, v24;
	v39 =	vld [tilespmem:s22+$0xE530];
	v22 =	vmov v34  }
.Ltmp5:
0x32e: {  	v26 =	vld [tilespmem:s22+$0xE930];
	v25 =	vmul.f32 v25, v28;
	v34 =	vmul.f32 v23, v20;
	v20 =	vmov v21;
	(pc) =	sbr.rel @p2 .LBB2_13-.Ltmp5, $4  }
0x32f: {  	s29 =	sshra.s32 s25, $0x2;
	v28 =	vmul.f32 v30, v27;
	v23 =	vld [tilespmem:s22+$0xF130]  }
0x330: {  	v29 =	vmul.f32 v32, v37;
	v24 =	vld [tilespmem:s29+$0xA530];
	v30 =	vmul.f32 v31, v38;
	v34 =	vadd.f32 v34, v25  }
0x331: {  	v32 =	vmul.f32 v33, v37;
	v25 =	vld [tilespmem:s29+$0xA930];
	v33 =	vmul.f32 v36, v38  }
0x332: {  	s25 =	sadd.s32 $0x40, s25;
	v27 =	vmul.f32 v35, v27;
	v21 =	vld [tilespmem:s29+$0xAD30];
	v31 =	vmul.f32 v39, v28;
	[tilespmem:s16+$0xB130] =	vst v34;
	s16 =	smov.u32 s22;
	s22 =	smov.u32 s29  }
0x333: {  	v34 =	vld [tilespmem:s22+$0xD530]  }
0x334: {  	v36 =	vld [tilespmem:s22+$0xDD30]  }
0x335: {  	v39 =	vld [tilespmem:s22+$0xE130]  }
0x336: {  	v35 =	vld [tilespmem:s22+$0xD930];
	v37 =	vsub.f32 $1.000000000e+00, v24  }
0x337: {  	v41 =	vld [tilespmem:s22+$0xE530];
	v26 =	vmul.f32 v26, v28;
	v22 =	vmul.f32 v22, v27;
	v38 =	vsub.f32 $1.000000000e+00, v25  }
0x338: {  	v49 =	vld [tilespmem:s22+$0xE930];
	v23 =	vmul.f32 v23, v27;
	v48 =	vmul.f32 v25, v37  }
0x339: {  	v29 =	vadd.f32 v30, v29;
	v52 =	vld [tilespmem:s22+$0xED30];
	v40 =	vmul.f32 v38, v37;
	v55 =	vmul.f32 v38, v24  }
0x33a: {  	v32 =	vadd.f32 v33, v32;
	v54 =	vld [tilespmem:s22+$0xF130];
	v53 =	vmul.f32 v36, v48;
	v28 =	vmul.f32 v39, v48  }
0x33b: {  	v58 =	vsub.f32 $1.000000000e+00, v20;
	v50 =	vmul.f32 v34, v40;
	v51 =	vmul.f32 v35, v40  }
0x33c: {  	v29 =	vadd.f32 v31, v29;
	v56 =	vmul.f32 v25, v24;
	v59 =	vmul.f32 v41, v55  }
0x33d: {  	v30 =	vmul.f32 v49, v55;
	v57 =	vadd.f32 v53, v50;
	v28 =	vadd.f32 v28, v51  }
0x33e: {  	v26 =	vadd.f32 v26, v32;
	v22 =	vadd.f32 v22, v29;
	v60 =	vmul.f32 v52, v56  }
0x33f: {  	v24 =	vmul.f32 v54, v56;
	v25 =	vadd.f32 v59, v57;
	v28 =	vadd.f32 v30, v28  }
0x340: {  	v23 =	vadd.f32 v23, v26;
	v61 =	vsub.f32 $1.000000000e+00, v21  }
0x341: {  	v25 =	vadd.f32 v60, v25;
	v24 =	vadd.f32 v24, v28  }
0x342: {  	v22 =	vmul.f32 v22, v58;
	v20 =	vmul.f32 v23, v20  }
0x343: {  	v62 =	vmul.f32 v25, v61;
	v63 =	vmul.f32 v24, v21  }
.Ltmp6:
0x344: {  	v20 =	vadd.f32 v20, v22;
	(pc) =	sbr.rel @p0 .LBB2_18-.Ltmp6, $4  }
0x345: {  	s4 =	sor.u32 s14, s4;
	v21 =	vadd.f32 v63, v62  }
0x346: {  	s4 =	sshrl.u32 s4, $0x3;
	[tilespmem:s16+$0xB130] =	vst v20  }
0x347: {  	s31 =	simm.s32 $0xB130;
	s30 =	sadd.s32 s7, s4;
	[tilespmem:s22+$0xB130] =	vst v21  }
0x348: {  	[hbm4b:s30+s13] =	stream.linear.scatter [tilespmem:s31], [sflag:$0x5], $0x400, $0x38;
	[tilespmem:$0x15130] =	vst v63  }
0x349: {  	_ =	swait.ge [sflag:s15], $0x400  }
0x34a: {  	[sflag:s15] =	ssyncset.done $0x0  }
0x34b: {  	[sflag:s15] =	ssyncadd.s32 $0xFFFFFC00  }
0x34c: {  	_ =	swait.ge [sflag:s15], $0x400  }
0x34d: {  	[sflag:s15] =	ssyncset.done $0x0  }
0x34e: {  	[sflag:s15] =	ssyncadd.s32 $0xFFFFFC00  }
0x34f: {  	_ =	swait.ge [sflag:s15], $0x400  }
0x350: {  	[sflag:s15] =	ssyncset.done $0x0  }
0x351: {  	s30 =	simm.s32 $0x0;
	[sflag:s15] =	ssyncadd.s32 $0xFFFFFC00  }
0x352: {  	v24 =	vld [tilespmem:s30+$0xA130]  }
0x353: {  	v25 =	vld [tilespmem:s30+$0x9D30]  }
0x354: {  	v26 =	vld [tilespmem:s30+$0x9930];
	_ =	sdelay $0x2  }
0x355: {  	v20 =	vmul.f32 $4.096000000e+03, v24  }
0x356: {  	v21 =	vmul.f32 $4.096000000e+03, v25  }
0x357: {  	v22 =	vmul.f32 $4.096000000e+03, v26;
	v20 =	vtrunc.f32 v20  }
0x358: {  	v21 =	vtrunc.f32 v21;
	v20 =	vcvt.f32.s32 v20  }
0x359: {  	v22 =	vtrunc.f32 v22;
	v21 =	vcvt.f32.s32 v21  }
0x35a: {  	v22 =	vcvt.f32.s32 v22;
	vm0 =	vlt.s32 v20, $0xFFF  }
0x35b: {  	vm8 =	vlt.s32 v21, $0xFFF;
	v20 =	vnsel vm0, $0xFFF, v20  }
0x35c: {  	vm9 =	vlt.s32 v22, $0xFFF;
	v21 =	vnsel vm8, $0xFFF, v21  }
0x35d: {  	v22 =	vnsel vm9, $0xFFF, v22;
	_ =	sdelay $0x2  }
0x35e: {  	v23 =	vld.idx.msk [tilespmem:v20+s8+$0x0], $0xffff  }
0x35f: {  	v29 =	vld.idx.msk [tilespmem:v21+s12+$0x0], $0xffff  }
0x360: {  	v22 =	vld.idx.msk [tilespmem:v22+s11+$0x0], $0xffff;
	_ =	sdelay $0x2  }
0x361: {  	vm10 =	vlt.s32 v23, $0x3F  }
0x362: {  	vm1 =	vlt.s32 v29, $0x5F;
	v28 =	vnsel vm10, $0x3F, v23  }
0x363: {  	v27 =	vadd.s32 $0x1, v23;
	vm14 =	vlt.s32 v22, $0x3F;
	v31 =	vnsel vm1, $0x5F, v29  }
0x364: {  	s25 =	simm.s32 $0x10;
	v30 =	vadd.s32 $0x1, v29;
	vm11 =	vlt.s32 v27, $0x3F;
	v35 =	vnsel vm14, $0x3F, v22  }
0x365: {  	v20 =	vld [tilespmem:s25+$0x9D30];
	v32 =	vadd.s32 $0x2, v29;
	vm12 =	vlt.s32 v30, $0x5F;
	v27 =	vnsel vm11, $0x3F, v27  }
0x366: {  	v21 =	vld [tilespmem:s25+$0xA130];
	v34 =	vadd.s32 $0x1, v22;
	vm13 =	vlt.s32 v32, $0x5F;
	v30 =	vnsel vm12, $0x5F, v30  }
0x367: {  	vm15 =	vlt.s32 v34, $0x3F;
	v32 =	vnsel vm13, $0x5F, v32;
	v28 =	vld.idx.msk [tilespmem:v28+s10+$0x0], $0xffff  }
0x368: {  	v34 =	vnsel vm15, $0x3F, v34;
	v31 =	vld.idx.msk [tilespmem:v31+s5+$0x0], $0xffff  }
0x369: {  	v35 =	vld.idx.msk [tilespmem:v35+s13+$0x0], $0xffff  }
0x36a: {  	v37 =	vld.idx.msk [tilespmem:v27+s10+$0x0], $0xffff  }
0x36b: {  	v30 =	vld.idx.msk [tilespmem:v30+s5+$0x0], $0xffff  }
0x36c: {  	v33 =	vmul.f32 $4.096000000e+03, v20;
	v36 =	vmul.f32 $4.096000000e+03, v21;
	v32 =	vld.idx.msk [tilespmem:v32+s5+$0x0], $0xffff  }
0x36d: {  	v34 =	vld.idx.msk [tilespmem:v34+s13+$0x0], $0xffff  }
0x36e: {  	v33 =	vtrunc.f32 v33;
	v61 =	vtrunc.f32 v36  }
0x36f: {  	v27 =	vcvt.f32.s32 v33;
	v33 =	vcvt.f32.s32 v61;
	vm5 =	vle.f32 v28, v24  }
0x370: {  	vm8 =	vle.f32 v31, v25;
	vm11 =	vle.f32 v35, v26;
	v28 =	vsel vm5, $0x1, v9  }
0x371: {  	vm7 =	vle.f32 v37, v24;
	v31 =	vsel vm8, $0x1, v9;
	vm9 =	vle.f32 v30, v25  }
0x372: {  	vm10 =	vle.f32 v32, v25;
	vm12 =	vle.f32 v34, v26;
	v62 =	vsel vm7, $0x1, v9  }
0x373: {  	v23 =	vadd.s32 v28, v23;
	v29 =	vadd.s32 v31, v29;
	v30 =	vsel vm9, $0x1, v9  }
0x374: {  	v31 =	vsel vm10, $0x1, v9;
	v23 =	vadd.s32 v62, v23;
	v29 =	vadd.s32 v30, v29  }
0x375: {  	v30 =	vsel vm11, $0x1, v9;
	v29 =	vadd.s32 v31, v29;
	v23 =	vadd.s32 $0xFFFFFFFF, v23  }
0x376: {  	v31 =	vsel vm12, $0x1, v9;
	v29 =	vadd.s32 $0xFFFFFFFF, v29;
	vm13 =	vgt.s32 v23, $0x0  }
0x377: {  	v22 =	vadd.s32 v30, v22;
	vm14 =	vgt.s32 v29, $0x0;
	v30 =	vnsel vm13, $0x0, v23  }
0x378: {  	v22 =	vadd.s32 v31, v22;
	v63 =	vnsel vm14, $0x0, v29;
	v29 =	vmin.u32 v30, $0x3E  }
0x379: {  	s29 =	simm.s32 $0x20;
	vm4 =	vlt.s32 v27, $0xFFF;
	v31 =	vadd.s32 $0xFFFFFFFF, v22  }
0x37a: {  	vm6 =	vlt.s32 v33, $0xFFF;
	v27 =	vnsel vm4, $0xFFF, v27;
	v23 =	vld [tilespmem:s29+$0x9D30];
	vm15 =	vgt.s32 v31, $0x0  }
0x37b: {  	s16 =	simm.s32 $0xC0;
	v28 =	vnsel vm6, $0xFFF, v33;
	v22 =	vld [tilespmem:s29+$0xA130];
	v30 =	vmin.u32 v63, $0x5E;
	v31 =	vnsel vm15, $0x0, v31  }
.LBB2_16:
0x37c: {  	p0 =	sne.s32 s16, $0xFC0;
	v31 =	vmin.u32 v31, $0x3E;
	s22 =	smov.u32 s16;
	s16 =	sadd.s32 $0x40, s16  }
0x37d: {  	v32 =	vld.idx.msk [tilespmem:v29+s10+$0x0], $0xffff;
	v33 =	vmul.u32 $0x1800, v31  }
0x37e: {  	v35 =	vshll.u32 v30, $0x6;
	v34 =	vld.idx.msk [tilespmem:v29+s19+$0x0], $0xffff  }
0x37f: {  	v36 =	vmul.f32 $4.096000000e+03, v23;
	v37 =	vld.idx.msk [tilespmem:v30+s5+$0x0], $0xffff;
	v33 =	vadd.s32 v33, v35  }
0x380: {  	v35 =	vmul.f32 $4.096000000e+03, v22;
	v30 =	vld.idx.msk [tilespmem:v30+s18+$0x0], $0xffff;
	v29 =	vor.u32 v33, v29  }
0x381: {  	v33 =	vld.idx.msk [tilespmem:v31+s13+$0x0], $0xffff;
	v38 =	vadd.s32 $0x1, v29;
	v39 =	vadd.s32 $0x1841, v29  }
0x382: {  	v36 =	vtrunc.f32 v36;
	v41 =	vadd.s32 $0x40, v29;
	v42 =	vadd.s32 $0x1840, v29;
	v40 =	vld [tilespmem:s25+$0x9930]  }
0x383: {  	v36 =	vcvt.f32.s32 v36;
	v35 =	vtrunc.f32 v35;
	v43 =	vadd.s32 $0x1801, v29;
	v31 =	vld.idx.msk [tilespmem:v31+s17+$0x0], $0xffff  }
0x384: {  	v44 =	vadd.s32 $0x1800, v29;
	v35 =	vcvt.f32.s32 v35;
	v32 =	vsub.f32 v24, v32;
	v24 =	vmovc v21;
	v21 =	vmovc v22;
	[tilespmem:s30+$0xC930] =	vst v43  }
0x385: {  	vm0 =	vlt.s32 v36, $0xFFF;
	v22 =	vsub.f32 v25, v37;
	v37 =	vadd.s32 $0x41, v29;
	v25 =	vmovc v20;
	v20 =	vmovc v23;
	[tilespmem:s30+$0xCD30] =	vst v42  }
0x386: {  	v23 =	vnsel vm0, $0xFFF, v36;
	vm0 =	vlt.s32 v35, $0xFFF;
	v32 =	vmul.f32 v34, v32;
	[tilespmem:s30+$0xB530] =	vst v29  }
0x387: {  	v29 =	vnsel vm0, $0xFFF, v35;
	v33 =	vsub.f32 v26, v33;
	v34 =	vmul.f32 $4.096000000e+03, v40;
	[tilespmem:s30+$0xC130] =	vst v37;
	v26 =	vmovc v40  }
0x388: {  	v22 =	vmul.f32 v30, v22;
	[tilespmem:s30+$0xD130] =	vst v39  }
0x389: {  	v31 =	vmul.f32 v31, v33;
	v30 =	vtrunc.f32 v34;
	[tilespmem:s30+$0xB930] =	vst v38  }
0x38a: {  	v30 =	vcvt.f32.s32 v30;
	[tilespmem:s30+$0xBD30] =	vst v41  }
0x38b: {  	[tilespmem:s30+$0xC530] =	vst v44  }
0x38c: {  	vm0 =	vlt.s32 v30, $0xFFF;
	[tilespmem:s30+$0xA530] =	vst v31  }
0x38d: {  	v30 =	vnsel vm0, $0xFFF, v30;
	[tilespmem:s30+$0xA930] =	vst v22  }
0x38e: {  	[tilespmem:s30+$0xAD30] =	vst v32;
	s30 =	smov.u32 s25;
	s25 =	smov.u32 s29  }
0x38f: {  	v22 =	vld.idx.msk [tilespmem:v28+s8+$0x0], $0xffff;
	v28 =	vmov v29;
	_ =	sdelay $0x1  }
0x390: {  	v29 =	vld.idx.msk [tilespmem:v27+s12+$0x0], $0xffff;
	v27 =	vmov v23  }
0x391: {  	v30 =	vld.idx.msk [tilespmem:v30+s11+$0x0], $0xffff;
	_ =	sdelay $0x2  }
0x392: {  	vm0 =	vlt.s32 v22, $0x3F;
	v23 =	vadd.s32 $0x1, v22  }
0x393: {  	v31 =	vnsel vm0, $0x3F, v22;
	vm0 =	vlt.s32 v23, $0x3F  }
0x394: {  	vm1 =	vlt.s32 v29, $0x5F;
	v32 =	vadd.s32 $0x1, v29;
	v23 =	vnsel vm0, $0x3F, v23  }
0x395: {  	vm0 =	vlt.s32 v30, $0x3F;
	v33 =	vadd.s32 $0x1, v30;
	vm2 =	vlt.s32 v32, $0x5F  }
0x396: {  	v35 =	vnsel vm1, $0x5F, v29;
	v34 =	vnsel vm0, $0x3F, v30;
	vm0 =	vlt.s32 v33, $0x3F  }
0x397: {  	v36 =	vadd.s32 $0x2, v29;
	v32 =	vnsel vm2, $0x5F, v32;
	v33 =	vnsel vm0, $0x3F, v33  }
0x398: {  	vm0 =	vlt.s32 v36, $0x5F;
	v31 =	vld.idx.msk [tilespmem:v31+s10+$0x0], $0xffff  }
0x399: {  	v36 =	vnsel vm0, $0x5F, v36;
	v23 =	vld.idx.msk [tilespmem:v23+s10+$0x0], $0xffff;
	_ =	sdelay $0x1  }
0x39a: {  	v35 =	vld.idx.msk [tilespmem:v35+s5+$0x0], $0xffff  }
0x39b: {  	v32 =	vld.idx.msk [tilespmem:v32+s5+$0x0], $0xffff;
	_ =	sdelay $0x1  }
0x39c: {  	vm0 =	vle.f32 v31, v24;
	v36 =	vld.idx.msk [tilespmem:v36+s5+$0x0], $0xffff  }
0x39d: {  	v31 =	vld.idx.msk [tilespmem:v34+s13+$0x0], $0xffff;
	v34 =	vsel vm0, $0x1, v9;
	vm0 =	vle.f32 v23, v24  }
0x39e: {  	v23 =	vld.idx.msk [tilespmem:v33+s13+$0x0], $0xffff;
	v33 =	vsel vm0, $0x1, v9;
	v22 =	vadd.s32 v34, v22  }
0x39f: {  	vm0 =	vle.f32 v35, v25;
	v22 =	vadd.s32 v33, v22  }
0x3a0: {  	v33 =	vsel vm0, $0x1, v9;
	vm0 =	vle.f32 v32, v25;
	v22 =	vadd.s32 $0xFFFFFFFF, v22  }
0x3a1: {  	v29 =	vadd.s32 v33, v29;
	vm1 =	vgt.s32 v22, $0x0  }
0x3a2: {  	v32 =	vsel vm0, $0x1, v9;
	vm0 =	vle.f32 v36, v25;
	v33 =	vnsel vm1, $0x0, v22  }
0x3a3: {  	s29 =	sshra.s32 s22, $0x2;
	v29 =	vadd.s32 v32, v29;
	vm1 =	vle.f32 v31, v26;
	v31 =	vsel vm0, $0x1, v9  }
0x3a4: {  	v32 =	vsel vm1, $0x1, v9;
	vm0 =	vle.f32 v23, v26;
	v29 =	vadd.s32 v31, v29;
	v22 =	vld [tilespmem:s29+$0xA130]  }
.Ltmp7:
0x3a5: {  	v31 =	vsel vm0, $0x1, v9;
	v30 =	vadd.s32 v32, v30;
	v32 =	vadd.s32 $0xFFFFFFFF, v29;
	v23 =	vld [tilespmem:s29+$0x9D30];
	(pc) =	sbr.rel @p0 .LBB2_16-.Ltmp7, $4  }
0x3a6: {  	v29 =	vmin.u32 v33, $0x3E;
	v30 =	vadd.s32 v31, v30;
	vm0 =	vgt.s32 v32, $0x0  }
0x3a7: {  	v31 =	vadd.s32 $0xFFFFFFFF, v30;
	v30 =	vnsel vm0, $0x0, v32  }
0x3a8: {  	vm0 =	vgt.s32 v31, $0x0;
	v30 =	vmin.u32 v30, $0x5E  }
0x3a9: {  	v31 =	vnsel vm0, $0x0, v31  }
0x3aa: {  	_ =	sdelay $0x3  }
0x3ab: {  	v31 =	vmin.u32 v31, $0x3E;
	v32 =	vld.idx.msk [tilespmem:v29+s10+$0x0], $0xffff  }
0x3ac: {  	v33 =	vld.idx.msk [tilespmem:v29+s19+$0x0], $0xffff;
	v34 =	vmul.u32 $0x1800, v31  }
0x3ad: {  	v35 =	vld.idx.msk [tilespmem:v30+s5+$0x0], $0xffff;
	v36 =	vshll.u32 v30, $0x6  }
0x3ae: {  	v53 =	vld.idx.msk [tilespmem:v30+s18+$0x0], $0xffff;
	v34 =	vadd.s32 v34, v36  }
0x3af: {  	v55 =	vor.u32 v34, v29;
	v34 =	vld [tilespmem:s25+$0x9930]  }
0x3b0: {  	v54 =	vld.idx.msk [tilespmem:v31+s13+$0x0], $0xffff  }
0x3b1: {  	v31 =	vld.idx.msk [tilespmem:v31+s17+$0x0], $0xffff;
	v37 =	vadd.s32 $0x1801, v55;
	[tilespmem:s30+$0xB530] =	vst v55  }
0x3b2: {  	v38 =	vadd.s32 $0x1840, v55;
	[tilespmem:s30+$0xC930] =	vst v37  }
0x3b3: {  	v56 =	vadd.s32 $0x41, v55;
	[tilespmem:s30+$0xCD30] =	vst v38  }
0x3b4: {  	v57 =	vadd.s32 $0x1841, v55;
	[tilespmem:s30+$0xC130] =	vst v56  }
0x3b5: {  	v58 =	vadd.s32 $0x1, v55;
	v25 =	vsub.f32 v25, v35;
	[tilespmem:s30+$0xD130] =	vst v57  }
0x3b6: {  	v59 =	vadd.s32 $0x40, v55;
	v24 =	vsub.f32 v24, v32;
	[tilespmem:s30+$0xB930] =	vst v58  }
0x3b7: {  	v29 =	vadd.s32 $0x1800, v55;
	[tilespmem:s30+$0xBD30] =	vst v59;
	v25 =	vmul.f32 v53, v25;
	v26 =	vsub.f32 v26, v54  }
0x3b8: {  	[tilespmem:s30+$0xC530] =	vst v29;
	v24 =	vmul.f32 v33, v24  }
0x3b9: {  	v60 =	vmul.f32 $4.096000000e+03, v34;
	[tilespmem:s30+$0xA930] =	vst v25;
	v26 =	vmul.f32 v31, v26  }
0x3ba: {  	[tilespmem:s30+$0xAD30] =	vst v24  }
0x3bb: {  	v61 =	vtrunc.f32 v60;
	[tilespmem:s30+$0xA530] =	vst v26  }
0x3bc: {  	v62 =	vcvt.f32.s32 v61;
	v25 =	vld.idx.msk [tilespmem:v28+s8+$0x0], $0xffff  }
0x3bd: {  	v63 =	vld.idx.msk [tilespmem:v27+s12+$0x0], $0xffff  }
0x3be: {  	vm0 =	vlt.s32 v62, $0xFFF  }
0x3bf: {  	v24 =	vnsel vm0, $0xFFF, v62;
	_ =	sdelay $0x1  }
0x3c0: {  	vm4 =	vlt.s32 v25, $0x3F  }
0x3c1: {  	v33 =	vadd.s32 $0x1, v25;
	vm6 =	vlt.s32 v63, $0x5F;
	v28 =	vnsel vm4, $0x3F, v25  }
0x3c2: {  	v35 =	vadd.s32 $0x1, v63;
	vm5 =	vlt.s32 v33, $0x3F;
	v36 =	vnsel vm6, $0x5F, v63  }
0x3c3: {  	v24 =	vld.idx.msk [tilespmem:v24+s11+$0x0], $0xffff;
	v37 =	vadd.s32 $0x2, v63;
	vm7 =	vlt.s32 v35, $0x5F;
	v27 =	vnsel vm5, $0x3F, v33  }
0x3c4: {  	vm8 =	vlt.s32 v37, $0x5F;
	v29 =	vnsel vm7, $0x5F, v35  }
0x3c5: {  	v31 =	vnsel vm8, $0x5F, v37  }
0x3c6: {  	v28 =	vld.idx.msk [tilespmem:v28+s10+$0x0], $0xffff  }
0x3c7: {  	v30 =	vld.idx.msk [tilespmem:v36+s5+$0x0], $0xffff  }
0x3c8: {  	vm1 =	vlt.s32 v24, $0x3F;
	v38 =	vadd.s32 $0x1, v24;
	v27 =	vld.idx.msk [tilespmem:v27+s10+$0x0], $0xffff  }
0x3c9: {  	v39 =	vnsel vm1, $0x3F, v24;
	vm9 =	vlt.s32 v38, $0x3F;
	v29 =	vld.idx.msk [tilespmem:v29+s5+$0x0], $0xffff  }
0x3ca: {  	v32 =	vnsel vm9, $0x3F, v38;
	v40 =	vld.idx.msk [tilespmem:v31+s5+$0x0], $0xffff;
	_ =	sdelay $0x1  }
0x3cb: {  	vm10 =	vle.f32 v28, v21  }
0x3cc: {  	vm12 =	vle.f32 v30, v20;
	v41 =	vsel vm10, $0x1, v9  }
0x3cd: {  	v42 =	vld.idx.msk [tilespmem:v39+s13+$0x0], $0xffff;
	vm11 =	vle.f32 v27, v21;
	v30 =	vsel vm12, $0x1, v9;
	vm13 =	vle.f32 v29, v20  }
0x3ce: {  	v44 =	vld.idx.msk [tilespmem:v32+s13+$0x0], $0xffff;
	vm15 =	vle.f32 v40, v20;
	v43 =	vsel vm11, $0x1, v9;
	v25 =	vadd.s32 v41, v25  }
0x3cf: {  	v26 =	vadd.s32 v30, v63;
	v29 =	vsel vm13, $0x1, v9;
	v25 =	vadd.s32 v43, v25  }
0x3d0: {  	v45 =	vsel vm15, $0x1, v9;
	v26 =	vadd.s32 v29, v26;
	v25 =	vadd.s32 $0xFFFFFFFF, v25  }
0x3d1: {  	v26 =	vadd.s32 v45, v26;
	vm14 =	vgt.s32 v25, $0x0  }
0x3d2: {  	vm4 =	vle.f32 v42, v34;
	v26 =	vadd.s32 $0xFFFFFFFF, v26;
	v25 =	vnsel vm14, $0x0, v25  }
0x3d3: {  	v46 =	vsel vm4, $0x1, v9;
	vm5 =	vle.f32 v44, v34;
	vm6 =	vgt.s32 v26, $0x0  }
0x3d4: {  	v47 =	vsel vm5, $0x1, v9;
	v24 =	vadd.s32 v46, v24;
	v25 =	vmin.u32 v25, $0x3E  }
0x3d5: {  	v26 =	vnsel vm6, $0x0, v26;
	v24 =	vadd.s32 v47, v24  }
0x3d6: {  	v26 =	vmin.u32 v26, $0x5E;
	v24 =	vadd.s32 $0xFFFFFFFF, v24  }
0x3d7: {  	vm7 =	vgt.s32 v24, $0x0  }
0x3d8: {  	v24 =	vnsel vm7, $0x0, v24  }
0x3d9: {  	v24 =	vmin.u32 v24, $0x3E;
	v48 =	vld.idx.msk [tilespmem:v25+s10+$0x0], $0xffff  }
0x3da: {  	v49 =	vld.idx.msk [tilespmem:v25+s19+$0x0], $0xffff;
	v50 =	vmul.u32 $0x1800, v24  }
0x3db: {  	v52 =	vshll.u32 v26, $0x6;
	v51 =	vld.idx.msk [tilespmem:v26+s5+$0x0], $0xffff  }
0x3dc: {  	v26 =	vld.idx.msk [tilespmem:v26+s18+$0x0], $0xffff;
	v29 =	vadd.s32 v50, v52  }
0x3dd: {  	v54 =	vmul.f32 $4.096000000e+03, v22;
	v25 =	vor.u32 v29, v25;
	v29 =	vld [tilespmem:s29+$0x9930]  }
0x3de: {  	v53 =	vld.idx.msk [tilespmem:v24+s13+$0x0], $0xffff  }
0x3df: {  	v56 =	vmul.f32 $4.096000000e+03, v23;
	v32 =	vtrunc.f32 v54;
	v24 =	vld.idx.msk [tilespmem:v24+s17+$0x0], $0xffff;
	v55 =	vadd.s32 $0x1801, v25;
	[tilespmem:s25+$0xB530] =	vst v25  }
0x3e0: {  	v32 =	vcvt.f32.s32 v32;
	v57 =	vadd.s32 $0x1840, v25;
	[tilespmem:s25+$0xC930] =	vst v55  }
0x3e1: {  	v58 =	vtrunc.f32 v56;
	v59 =	vadd.s32 $0x41, v25;
	[tilespmem:s25+$0xCD30] =	vst v57  }
0x3e2: {  	v33 =	vcvt.f32.s32 v58;
	vm8 =	vlt.s32 v32, $0xFFF;
	v60 =	vadd.s32 $0x1841, v25;
	[tilespmem:s25+$0xC130] =	vst v59  }
0x3e3: {  	v32 =	vnsel vm8, $0xFFF, v32;
	v61 =	vadd.s32 $0x1, v25;
	v63 =	vsub.f32 v21, v48;
	[tilespmem:s25+$0xD130] =	vst v60  }
0x3e4: {  	v62 =	vadd.s32 $0x40, v25;
	v25 =	vadd.s32 $0x1800, v25;
	v20 =	vsub.f32 v20, v51;
	[tilespmem:s25+$0xB930] =	vst v61  }
0x3e5: {  	[tilespmem:s25+$0xBD30] =	vst v62;
	v21 =	vmul.f32 v49, v63;
	v30 =	vmul.f32 $4.096000000e+03, v29;
	v31 =	vsub.f32 v34, v53  }
0x3e6: {  	vm9 =	vlt.s32 v33, $0xFFF;
	[tilespmem:s25+$0xC530] =	vst v25;
	v20 =	vmul.f32 v26, v20  }
0x3e7: {  	[tilespmem:s25+$0xAD30] =	vst v21;
	v24 =	vmul.f32 v24, v31;
	v31 =	vnsel vm9, $0xFFF, v33;
	v33 =	vtrunc.f32 v30  }
0x3e8: {  	[tilespmem:s25+$0xA930] =	vst v20;
	v20 =	vcvt.f32.s32 v33  }
0x3e9: {  	[tilespmem:s25+$0xA530] =	vst v24  }
0x3ea: {  	v21 =	vld.idx.msk [tilespmem:v32+s8+$0x0], $0xffff;
	vm10 =	vlt.s32 v20, $0xFFF  }
0x3eb: {  	v20 =	vnsel vm10, $0xFFF, v20  }
0x3ec: {  	v24 =	vld.idx.msk [tilespmem:v31+s12+$0x0], $0xffff;
	_ =	sdelay $0x2  }
0x3ed: {  	vm11 =	vlt.s32 v21, $0x3F;
	v34 =	vadd.s32 $0x1, v21  }
0x3ee: {  	v35 =	vnsel vm11, $0x3F, v21;
	vm12 =	vlt.s32 v34, $0x3F;
	v20 =	vld.idx.msk [tilespmem:v20+s11+$0x0], $0xffff  }
0x3ef: {  	v25 =	vnsel vm12, $0x3F, v34;
	vm13 =	vlt.s32 v24, $0x5F;
	v36 =	vadd.s32 $0x1, v24  }
0x3f0: {  	v38 =	vadd.s32 $0x2, v24;
	v37 =	vnsel vm13, $0x5F, v24;
	vm14 =	vlt.s32 v36, $0x5F  }
0x3f1: {  	vm15 =	vlt.s32 v38, $0x5F;
	v27 =	vnsel vm14, $0x5F, v36  }
0x3f2: {  	v30 =	vnsel vm15, $0x5F, v38  }
0x3f3: {  	v26 =	vld.idx.msk [tilespmem:v35+s10+$0x0], $0xffff;
	vm4 =	vlt.s32 v20, $0x3F;
	v39 =	vadd.s32 $0x1, v20  }
0x3f4: {  	v25 =	vld.idx.msk [tilespmem:v25+s10+$0x0], $0xffff;
	v40 =	vnsel vm4, $0x3F, v20;
	vm5 =	vlt.s32 v39, $0x3F  }
0x3f5: {  	v31 =	vnsel vm5, $0x3F, v39;
	v28 =	vld.idx.msk [tilespmem:v37+s5+$0x0], $0xffff  }
0x3f6: {  	v27 =	vld.idx.msk [tilespmem:v27+s5+$0x0], $0xffff  }
0x3f7: {  	v41 =	vld.idx.msk [tilespmem:v30+s5+$0x0], $0xffff  }
0x3f8: {  	vm6 =	vle.f32 v26, v22  }
0x3f9: {  	v42 =	vsel vm6, $0x1, v9;
	vm7 =	vle.f32 v25, v22;
	v43 =	vld.idx.msk [tilespmem:v40+s13+$0x0], $0xffff  }
0x3fa: {  	v44 =	vsel vm7, $0x1, v9;
	v21 =	vadd.s32 v42, v21;
	v45 =	vld.idx.msk [tilespmem:v31+s13+$0x0], $0xffff;
	vm8 =	vle.f32 v28, v23  }
0x3fb: {  	v21 =	vadd.s32 v44, v21;
	v28 =	vsel vm8, $0x1, v9;
	vm9 =	vle.f32 v27, v23  }
0x3fc: {  	vm11 =	vle.f32 v41, v23;
	v21 =	vadd.s32 $0xFFFFFFFF, v21;
	v24 =	vadd.s32 v28, v24  }
0x3fd: {  	v27 =	vsel vm9, $0x1, v9;
	v46 =	vsel vm11, $0x1, v9;
	vm10 =	vgt.s32 v21, $0x0  }
0x3fe: {  	v24 =	vadd.s32 v27, v24;
	v21 =	vnsel vm10, $0x0, v21;
	vm12 =	vle.f32 v43, v29  }
0x3ff: {  	v24 =	vadd.s32 v46, v24;
	v47 =	vsel vm12, $0x1, v9;
	vm13 =	vle.f32 v45, v29  }
0x400: {  	v24 =	vadd.s32 $0xFFFFFFFF, v24;
	v48 =	vsel vm13, $0x1, v9;
	v20 =	vadd.s32 v47, v20  }
0x401: {  	v21 =	vmin.u32 v21, $0x3E;
	vm14 =	vgt.s32 v24, $0x0;
	v20 =	vadd.s32 v48, v20  }
0x402: {  	v24 =	vnsel vm14, $0x0, v24;
	v20 =	vadd.s32 $0xFFFFFFFF, v20  }
0x403: {  	v24 =	vmin.u32 v24, $0x5E;
	vm15 =	vgt.s32 v20, $0x0  }
0x404: {  	v20 =	vnsel vm15, $0x0, v20  }
0x405: {  	v20 =	vmin.u32 v20, $0x3E  }
0x406: {  	v49 =	vld.idx.msk [tilespmem:v21+s10+$0x0], $0xffff  }
0x407: {  	v51 =	vld.idx.msk [tilespmem:v21+s19+$0x0], $0xffff;
	v50 =	vmul.u32 $0x1800, v20  }
0x408: {  	v52 =	vshll.u32 v24, $0x6;
	v53 =	vld.idx.msk [tilespmem:v24+s5+$0x0], $0xffff  }
0x409: {  	v24 =	vld.idx.msk [tilespmem:v24+s18+$0x0], $0xffff;
	v26 =	vadd.s32 v50, v52  }
0x40a: {  	v21 =	vor.u32 v26, v21;
	v54 =	vld.idx.msk [tilespmem:v20+s13+$0x0], $0xffff  }
0x40b: {  	v20 =	vld.idx.msk [tilespmem:v20+s17+$0x0], $0xffff;
	v55 =	vadd.s32 $0x1801, v21;
	[tilespmem:s29+$0xB530] =	vst v21  }
0x40c: {  	v56 =	vadd.s32 $0x1840, v21;
	[tilespmem:s29+$0xC930] =	vst v55  }
0x40d: {  	v57 =	vadd.s32 $0x41, v21;
	[tilespmem:s29+$0xCD30] =	vst v56  }
0x40e: {  	v58 =	vadd.s32 $0x1841, v21;
	[tilespmem:s29+$0xC130] =	vst v57  }
0x40f: {  	v62 =	vsub.f32 v22, v49;
	v59 =	vadd.s32 $0x1, v21;
	[tilespmem:s29+$0xD130] =	vst v58  }
0x410: {  	v60 =	vadd.s32 $0x40, v21;
	[tilespmem:s29+$0xB930] =	vst v59;
	v61 =	vsub.f32 v23, v53  }
0x411: {  	v21 =	vadd.s32 $0x1800, v21;
	[tilespmem:s29+$0xBD30] =	vst v60;
	v63 =	vmul.f32 v51, v62;
	v26 =	vsub.f32 v29, v54  }
0x412: {  	[tilespmem:s29+$0xC530] =	vst v21;
	v23 =	vmul.f32 v24, v61  }
0x413: {  	[tilespmem:s29+$0xAD30] =	vst v63;
	v20 =	vmul.f32 v20, v26  }
0x414: {  	[tilespmem:s29+$0xA930] =	vst v23  }
0x415: {  	s16 =	simm.s32 $0xB530;
	s22 =	simm.s32 $0xD530;
	[tilespmem:s29+$0xA530] =	vst v20  }
0x416: {  	[tilespmem:s22], [sflag:$0x3] =	stream.indirect.gather [spmem:s9], $0x1, s16, s20, $0xb8;
	[tilespmem:$0x15130] =	vst v63  }
0x417: {  	s31 =	simm.s32 $0xD930;
	s30 =	simm.s32 $0xB930  }
0x418: {  	[tilespmem:s31], [sflag:$0x3] =	stream.indirect.gather [spmem:s9], $0x1, s30, s20, $0xb8;
	[tilespmem:$0x15130] =	vst v63  }
0x419: {  	s25 =	simm.s32 $0xBD30;
	s29 =	simm.s32 $0xDD30  }
0x41a: {  	[tilespmem:s29], [sflag:$0x3] =	stream.indirect.gather [spmem:s9], $0x1, s25, s20, $0xb8;
	[tilespmem:$0x15130] =	vst v63  }
0x41b: {  	s30 =	simm.s32 $0xC130;
	s31 =	simm.s32 $0xE130  }
0x41c: {  	[tilespmem:s31], [sflag:$0x3] =	stream.indirect.gather [spmem:s9], $0x1, s30, s20, $0xb8;
	[tilespmem:$0x15130] =	vst v63  }
0x41d: {  	s25 =	simm.s32 $0xC530;
	s29 =	simm.s32 $0xE530  }
0x41e: {  	[tilespmem:s29], [sflag:$0x3] =	stream.indirect.gather [spmem:s9], $0x1, s25, s20, $0xb8;
	[tilespmem:$0x15130] =	vst v63  }
0x41f: {  	s30 =	simm.s32 $0xC930;
	s31 =	simm.s32 $0xE930  }
0x420: {  	[tilespmem:s31], [sflag:$0x3] =	stream.indirect.gather [spmem:s9], $0x1, s30, s20, $0xb8;
	[tilespmem:$0x15130] =	vst v63  }
0x421: {  	s25 =	simm.s32 $0xCD30;
	s29 =	simm.s32 $0xED30  }
0x422: {  	[tilespmem:s29], [sflag:$0x3] =	stream.indirect.gather [spmem:s9], $0x1, s25, s20, $0xb8;
	[tilespmem:$0x15130] =	vst v63  }
0x423: {  	s30 =	simm.s32 $0xD130;
	s31 =	simm.s32 $0xF130  }
0x424: {  	[tilespmem:s31], [sflag:$0x3] =	stream.indirect.gather [spmem:s9], $0x1, s30, s20, $0xb8;
	[tilespmem:$0x15130] =	vst v63  }
.LBB2_18:
0x425: {  	_ =	swait.ge [sflag:s23], $0x400  }
0x426: {  	[sflag:s23] =	ssyncset.done $0x0  }
0x427: {  	[sflag:s23] =	ssyncadd.s32 $0xFFFFFC00  }
0x428: {  	_ =	swait.ge [sflag:s23], $0x400  }
0x429: {  	[sflag:s23] =	ssyncset.done $0x0  }
0x42a: {  	[sflag:s23] =	ssyncadd.s32 $0xFFFFFC00  }
0x42b: {  	_ =	swait.ge [sflag:s23], $0x400  }
0x42c: {  	[sflag:s23] =	ssyncset.done $0x0  }
0x42d: {  	[sflag:s23] =	ssyncadd.s32 $0xFFFFFC00  }
0x42e: {  	_ =	swait.ge [sflag:s23], $0x400  }
0x42f: {  	[sflag:s23] =	ssyncset.done $0x0  }
0x430: {  	[sflag:s23] =	ssyncadd.s32 $0xFFFFFC00  }
0x431: {  	_ =	swait.ge [sflag:s23], $0x400  }
0x432: {  	[sflag:s23] =	ssyncset.done $0x0  }
0x433: {  	[sflag:s23] =	ssyncadd.s32 $0xFFFFFC00  }
0x434: {  	_ =	swait.ge [sflag:s23], $0x400  }
0x435: {  	[sflag:s23] =	ssyncset.done $0x0  }
0x436: {  	[sflag:s23] =	ssyncadd.s32 $0xFFFFFC00  }
0x437: {  	_ =	swait.ge [sflag:s23], $0x400  }
0x438: {  	[sflag:s23] =	ssyncset.done $0x0  }
0x439: {  	[sflag:s23] =	ssyncadd.s32 $0xFFFFFC00  }
0x43a: {  	_ =	swait.ge [sflag:s23], $0x400  }
0x43b: {  	[sflag:s23] =	ssyncset.done $0x0  }
0x43c: {  	s16 =	simm.s32 @!p1 $0x6;
	[sflag:s23] =	ssyncadd.s32 $0xFFFFFC00  }
0x43d: {  	_ =	swait.ge @!p1 [sflag:s16], $0x400  }
0x43e: {  	[sflag:s16] =	ssyncset.done @!p1 $0x0  }
0x43f: {  	[sflag:s16] =	ssyncadd.s32 @!p1 $0xFFFFFC00;
	s16 =	simm.s32 $0x0  }
0x440: {  	v27 =	vld [tilespmem:s16+$0x10130]  }
0x441: {  	v31 =	vld [tilespmem:s16+$0x10530]  }
0x442: {  	v20 =	vld [tilespmem:s16+$0x10930]  }
0x443: {  	v22 =	vld [tilespmem:s16+$0x14930]  }
0x444: {  	v21 =	vld [tilespmem:s16+$0x13130]  }
0x445: {  	v32 =	vld [tilespmem:s16+$0x13530]  }
0x446: {  	v25 =	vld [tilespmem:s16+$0x13930]  }
0x447: {  	v33 =	vld [tilespmem:s16+$0x13D30];
	v23 =	vsub.f32 $1.000000000e+00, v27;
	v24 =	vsub.f32 $1.000000000e+00, v31  }
0x448: {  	v34 =	vld [tilespmem:s16+$0x14130]  }
0x449: {  	v26 =	vld [tilespmem:s16+$0x14530];
	v35 =	vmul.f32 v24, v23;
	v36 =	vmul.f32 v31, v23  }
0x44a: {  	s22 =	simm.s32 $0x10;
	v28 =	vmul.f32 v24, v27;
	v23 =	vld [tilespmem:s16+$0x14D30]  }
0x44b: {  	v24 =	vld [tilespmem:s22+$0x10130];
	v29 =	vmul.f32 v21, v35;
	v30 =	vmul.f32 v25, v36  }
0x44c: {  	v25 =	vld [tilespmem:s22+$0x10530];
	v32 =	vmul.f32 v32, v35;
	v33 =	vmul.f32 v33, v36  }
0x44d: {  	s25 =	simm.s32 $0x80;
	v27 =	vmul.f32 v31, v27;
	v21 =	vld [tilespmem:s22+$0x10930];
	v31 =	vmul.f32 v34, v28  }
.LBB2_19:
0x44e: {  	p0 =	sne.s32 s25, $0xFC0;
	v34 =	vld [tilespmem:s22+$0x14930];
	v29 =	vadd.f32 v30, v29;
	v30 =	vadd.f32 v33, v32;
	v26 =	vmul.f32 v26, v28  }
0x44f: {  	v28 =	vsub.f32 $1.000000000e+00, v20;
	v32 =	vld [tilespmem:s22+$0x13130];
	v22 =	vmul.f32 v22, v27  }
0x450: {  	v23 =	vmul.f32 v23, v27;
	v33 =	vld [tilespmem:s22+$0x13530];
	v29 =	vadd.f32 v31, v29;
	v26 =	vadd.f32 v26, v30;
	v27 =	vmovc v24  }
0x451: {  	v24 =	vsub.f32 $1.000000000e+00, v27;
	v30 =	vsub.f32 $1.000000000e+00, v25;
	v31 =	vld [tilespmem:s22+$0x13930];
	v35 =	vmov v25  }
0x452: {  	v36 =	vld [tilespmem:s22+$0x13D30];
	v25 =	vadd.f32 v22, v29;
	v23 =	vadd.f32 v23, v26  }
0x453: {  	v37 =	vmul.f32 v30, v24;
	v38 =	vmul.f32 v35, v24;
	v39 =	vld [tilespmem:s22+$0x14130];
	v22 =	vmov v34  }
.Ltmp8:
0x454: {  	v26 =	vld [tilespmem:s22+$0x14530];
	v25 =	vmul.f32 v25, v28;
	v34 =	vmul.f32 v23, v20;
	v20 =	vmov v21;
	(pc) =	sbr.rel @p0 .LBB2_19-.Ltmp8, $4  }
0x455: {  	s29 =	sshra.s32 s25, $0x2;
	v28 =	vmul.f32 v30, v27;
	v23 =	vld [tilespmem:s22+$0x14D30]  }
0x456: {  	v29 =	vmul.f32 v32, v37;
	v24 =	vld [tilespmem:s29+$0x10130];
	v30 =	vmul.f32 v31, v38;
	v34 =	vadd.f32 v34, v25  }
0x457: {  	v32 =	vmul.f32 v33, v37;
	v25 =	vld [tilespmem:s29+$0x10530];
	v33 =	vmul.f32 v36, v38  }
0x458: {  	s25 =	sadd.s32 $0x40, s25;
	v27 =	vmul.f32 v35, v27;
	v21 =	vld [tilespmem:s29+$0x10930];
	v31 =	vmul.f32 v39, v28;
	[tilespmem:s16+$0x10D30] =	vst v34;
	s16 =	smov.u32 s22;
	s22 =	smov.u32 s29  }
0x459: {  	v34 =	vld [tilespmem:s22+$0x13130]  }
0x45a: {  	v36 =	vld [tilespmem:s22+$0x13930]  }
0x45b: {  	v39 =	vld [tilespmem:s22+$0x13D30]  }
0x45c: {  	v35 =	vld [tilespmem:s22+$0x13530];
	v37 =	vsub.f32 $1.000000000e+00, v24  }
0x45d: {  	v41 =	vld [tilespmem:s22+$0x14130];
	v26 =	vmul.f32 v26, v28;
	v22 =	vmul.f32 v22, v27;
	v38 =	vsub.f32 $1.000000000e+00, v25  }
0x45e: {  	v49 =	vld [tilespmem:s22+$0x14530];
	v23 =	vmul.f32 v23, v27;
	v48 =	vmul.f32 v25, v37  }
0x45f: {  	v29 =	vadd.f32 v30, v29;
	v52 =	vld [tilespmem:s22+$0x14930];
	v40 =	vmul.f32 v38, v37;
	v55 =	vmul.f32 v38, v24  }
0x460: {  	v32 =	vadd.f32 v33, v32;
	v54 =	vld [tilespmem:s22+$0x14D30];
	v53 =	vmul.f32 v36, v48;
	v28 =	vmul.f32 v39, v48  }
0x461: {  	v58 =	vsub.f32 $1.000000000e+00, v20;
	v50 =	vmul.f32 v34, v40;
	v51 =	vmul.f32 v35, v40  }
0x462: {  	v29 =	vadd.f32 v31, v29;
	v56 =	vmul.f32 v25, v24;
	v59 =	vmul.f32 v41, v55  }
0x463: {  	v30 =	vmul.f32 v49, v55;
	v57 =	vadd.f32 v53, v50;
	v28 =	vadd.f32 v28, v51  }
0x464: {  	v26 =	vadd.f32 v26, v32;
	v22 =	vadd.f32 v22, v29;
	v60 =	vmul.f32 v52, v56  }
0x465: {  	v24 =	vmul.f32 v54, v56;
	v25 =	vadd.f32 v59, v57;
	v28 =	vadd.f32 v30, v28  }
0x466: {  	v23 =	vadd.f32 v23, v26;
	v61 =	vsub.f32 $1.000000000e+00, v21  }
0x467: {  	v25 =	vadd.f32 v60, v25;
	v24 =	vadd.f32 v24, v28  }
0x468: {  	v22 =	vmul.f32 v22, v58;
	v20 =	vmul.f32 v23, v20  }
0x469: {  	p0 =	sne.s32 s28, $0x10;
	v62 =	vmul.f32 v25, v61;
	v63 =	vmul.f32 v24, v21  }
.Ltmp9:
0x46a: {  	v20 =	vadd.f32 v20, v22;
	(pc) =	sbr.rel @p0 .LBB2_10-.Ltmp9, $4  }
0x46b: {  	v21 =	vadd.f32 v63, v62  }
0x46c: {  	s4 =	sadd.s32 s4, s7;
	[tilespmem:s16+$0x10D30] =	vst v20  }
0x46d: {  	s25 =	smov.u32 s28;
	s4 =	sadd.s32 $0x80, s4;
	[tilespmem:s22+$0x10D30] =	vst v21  }
0x46e: {  	[hbm4b:s4+s13] =	stream.linear.scatter [tilespmem:s24], [sflag:$0x6], $0x400, $0x38;
	[tilespmem:$0x15130] =	vst v63  }
0x46f: {  	s4 =	simm.s32 $0x5  }
0x470: {  	_ =	swait.ge [sflag:s4], $0x400  }
0x471: {  	[sflag:s4] =	ssyncset.done $0x0  }
0x472: {  	s16 =	simm.s32 $0x6;
	[sflag:s4] =	ssyncadd.s32 $0xFFFFFC00  }
0x473: {  	_ =	swait.ge [sflag:s16], $0x400  }
0x474: {  	s22 =	rddreg [dreg:$0x1d]  }
0x475: {  	s31 =	rddreg [dreg:$0x15];
	s22 =	sadd.s32 $0x1, s22  }
0x476: {  	p0 =	sne.s32 s22, s31  }
.Ltmp10:
0x477: {  	_ = 	snop;
	(pc) =	sbr.rel @p0 .LBB2_1-.Ltmp10, $3  }
0x478: {  	_ =	sdelay $0x1  }
0x479: {  	[sflag:s16] =	ssyncset.done $0x0  }
0x47a: {  	s29 =	simm.s32 $0x7;
	s28 =	rddreg [dreg:$0xe];
	[sflag:s16] =	ssyncadd.s32 $0xFFFFFC00  }
0x47b: {  	_ =	sfence.sel $0x180000  }
0x47c: {  	[bflag:$0x0] =	sbarrier.arrive $0xFFFF  }
0x47d: {  	_ =	strace $0x90000047  }
0x47e: {  	s0 =	stileid.u32;
	[bflag:$0x2] =	sbarrier.arrive $0xFFFF  }
0x47f: {  	p0 =	sne.s32 s0, $0x0;
	s0 =	rddreg [dreg:$0xc]  }
0x480: {  	s0 =	sadd.s32 @!p0 $0x100000, s0  }
0x481: {  	[sflag:s0] =	ssyncadd.tile.s32 @!p0 $0x1;
	_ =	shalt  }
.Lfunc_end2:
_tile_overlayer_lowered:
.L_overlay_start_2:
0x482: {  	(tag) =	ssettag $0x2  }
0x483: {  	s0 =	rddreg [dreg:$0x0];
	s2 =	stileid.u32  }
0x484: {  	s1 =	rddreg [dreg:$0x1];
	p0 =	sne.s32 s2, $0x0  }
0x485: {  	s3 =	rddreg [dreg:$0x2];
	[bflag:$0x3] =	sbarrier.arrive $0xFFFF;
	s2 =	simm.s32 @!p0 $0x1C07  }
0x486: {  	[timem:s3], [sflag:s2] =	dma.local @!p0 [hbm:s0], s1  }
0x487: {  	s0 =	simm.s32 @!p0 $0x7  }
0x488: {  	_ =	swait.ge @!p0 [sflag:s0], s1  }
0x489: {  	s1 =	ssub.s32 @!p0 $0x0, s1;
	[sflag:s0] =	ssyncset.done @!p0 $0x0  }
0x48a: {  	[sflag:s0] =	ssyncadd.s32 @!p0 s1  }
0x48b: {  	[bflag:$0x3] =	sbarrier.arrive $0xFFFF  }
0x48c: {  	_ =	shalt  }

</sc_bundles>
